<compile_context>
chip_gen: v7x
topology: tpu7x:2x2x1
jax: 0.10.2.dev20260603
libtpu: 0.0.44.dev20260713+nightly
codegen_flags: <defaults>
</compile_context>

<pallas_src>
import functools

import jax
import jax.numpy as jnp
from jax import lax
from jax.experimental import pallas as pl
from jax.experimental.pallas import tpu as pltpu
from jax.experimental.pallas import tpu_sc as plsc

_N = 10000
_E = 320000
_F = 128
_H = 64
_BR = 1000
_NBLK = _N // _BR

_NC = 2
_NS = 16
_NW = _NC * _NS
_EPW = _E // _NW
_CHUNK = 80
_NCHUNK = _EPW // _CHUNK
_NPAD = 10240
_RPS = _NPAD // _NS


def _spmm128(u, src, dst, zeros):
  mesh = plsc.VectorSubcoreMesh(core_axis_name="c", subcore_axis_name="s")

  @functools.partial(
      pl.kernel,
      out_type=jax.ShapeDtypeStruct((_NC, _NPAD, _F), jnp.float32),
      mesh=mesh,
      scratch_types=[
          pltpu.VMEM((_CHUNK,), jnp.int32),
          pltpu.VMEM((_CHUNK,), jnp.int32),
          pltpu.VMEM((_CHUNK, _F), jnp.float32),
          pltpu.VMEM_SHARED((_NPAD, _F), jnp.float32),
          pltpu.SemaphoreType.DMA,
      ],
  )
  def k(u_hbm, src_hbm, dst_hbm, z_hbm, out_hbm, src_v, dst_v, rows_v, acc_sh,
        sem):
    cid = lax.axis_index("c")
    sid = lax.axis_index("s")
    wid = sid * _NC + cid
    r0 = sid * _RPS
    pltpu.sync_copy(z_hbm.at[pl.ds(r0, _RPS)], acc_sh.at[pl.ds(r0, _RPS)])
    plsc.subcore_barrier()
    base = wid * _EPW

    def body(i, carry):
      off = base + i * _CHUNK
      pltpu.sync_copy(src_hbm.at[pl.ds(off, _CHUNK)], src_v)
      pltpu.sync_copy(dst_hbm.at[pl.ds(off, _CHUNK)], dst_v)
      pltpu.async_copy(u_hbm.at[src_v], rows_v, sem).wait()
      pltpu.sync_copy(rows_v, acc_sh.at[dst_v], add=True)
      return carry

    lax.fori_loop(0, _NCHUNK, body, 0)
    plsc.subcore_barrier()
    pltpu.sync_copy(acc_sh.at[pl.ds(r0, _RPS)],
                    out_hbm.at[cid, pl.ds(r0, _RPS)])

  return k(u, src, dst, zeros)


def _xproj(x, w):
  kdim = w.shape[1]

  def body(x_ref, w_ref, o_ref):
    o_ref[...] = jnp.dot(x_ref[...], w_ref[...],
                         preferred_element_type=jnp.float32)

  return pl.pallas_call(
      body,
      grid=(_NBLK,),
      in_specs=[
          pl.BlockSpec((_BR, _F), lambda i: (i, 0)),
          pl.BlockSpec((_F, kdim), lambda i: (0, 0)),
      ],
      out_specs=pl.BlockSpec((_BR, kdim), lambda i: (i, 0)),
      out_shape=jax.ShapeDtypeStruct((_N, kdim), jnp.float32),
  )(x, w)


def _combine_stats(p, bias):

  def body(p_ref, b_ref, h_ref, mv_ref, sv_ref, acc):
    i = pl.program_id(0)
    h = p_ref[0] + p_ref[1] + b_ref[...]
    h_ref[...] = h

    @pl.when(i == 0)
    def _():
      acc[...] = jnp.zeros_like(acc)

    acc[...] += jnp.concatenate(
        [jnp.sum(h, axis=0, keepdims=True),
         jnp.sum(h * h, axis=0, keepdims=True)], axis=0)

    @pl.when(i == _NBLK - 1)
    def _():
      a = acc[...]
      mean = a[0:1] / _N
      var = a[1:2] - _N * mean * mean
      lanes = lax.broadcasted_iota(jnp.int32, (1, _F), 1)
      left = lanes < _H
      suma = jnp.sum(jnp.where(left, var, 0.0))
      sumb = jnp.sum(jnp.where(left, 0.0, var))
      sfa = lax.rsqrt(1e-6 + suma / _N)
      sfb = lax.rsqrt(1e-6 + sumb / _N)
      mv_ref[...] = mean
      sv_ref[...] = jnp.where(left, sfa, sfb)

  return pl.pallas_call(
      body,
      grid=(_NBLK,),
      in_specs=[
          pl.BlockSpec((2, _BR, _F), lambda i: (0, i, 0)),
          pl.BlockSpec((1, _F), lambda i: (0, 0)),
      ],
      out_specs=[
          pl.BlockSpec((_BR, _F), lambda i: (i, 0)),
          pl.BlockSpec((1, _F), lambda i: (0, 0)),
          pl.BlockSpec((1, _F), lambda i: (0, 0)),
      ],
      out_shape=[
          jax.ShapeDtypeStruct((_N, _F), jnp.float32),
          jax.ShapeDtypeStruct((1, _F), jnp.float32),
          jax.ShapeDtypeStruct((1, _F), jnp.float32),
      ],
      scratch_shapes=[pltpu.VMEM((2, _F), jnp.float32)],
  )(p, bias.reshape(1, _F))


def _layer_mm(xp, h, mv, sv, wb):

  def body(xp_ref, h_ref, mv_ref, sv_ref, wb_ref, u_ref, b_ref):
    blk = jnp.tanh((h_ref[...] - mv_ref[...]) * sv_ref[...])
    b_ref[...] = blk
    u_ref[...] = xp_ref[...] + jnp.dot(blk, wb_ref[...],
                                       preferred_element_type=jnp.float32)

  return pl.pallas_call(
      body,
      grid=(_NBLK,),
      in_specs=[
          pl.BlockSpec((_BR, _F), lambda i: (i, 0)),
          pl.BlockSpec((_BR, _F), lambda i: (i, 0)),
          pl.BlockSpec((1, _F), lambda i: (0, 0)),
          pl.BlockSpec((1, _F), lambda i: (0, 0)),
          pl.BlockSpec((_F, _F), lambda i: (0, 0)),
      ],
      out_specs=[
          pl.BlockSpec((_BR, _F), lambda i: (i, 0)),
          pl.BlockSpec((_BR, _F), lambda i: (i, 0)),
      ],
      out_shape=[
          jax.ShapeDtypeStruct((_N, _F), jnp.float32),
          jax.ShapeDtypeStruct((_N, _F), jnp.float32),
      ],
  )(xp, h, mv, sv, wb)


def _out_mm(xp, b0, wb0, h1, mv, sv, wb1):

  def body(xp_ref, b0_ref, wb0_ref, h1_ref, mv_ref, sv_ref, wb1_ref, u_ref):
    b1 = jnp.tanh((h1_ref[...] - mv_ref[...]) * sv_ref[...])
    u_ref[...] = (xp_ref[...] +
                  jnp.dot(b0_ref[...], wb0_ref[...],
                          preferred_element_type=jnp.float32) +
                  jnp.dot(b1, wb1_ref[...],
                          preferred_element_type=jnp.float32))

  return pl.pallas_call(
      body,
      grid=(_NBLK,),
      in_specs=[
          pl.BlockSpec((_BR, _F), lambda i: (i, 0)),
          pl.BlockSpec((_BR, _F), lambda i: (i, 0)),
          pl.BlockSpec((_F, _F), lambda i: (0, 0)),
          pl.BlockSpec((_BR, _F), lambda i: (i, 0)),
          pl.BlockSpec((1, _F), lambda i: (0, 0)),
          pl.BlockSpec((1, _F), lambda i: (0, 0)),
          pl.BlockSpec((_F, _F), lambda i: (0, 0)),
      ],
      out_specs=pl.BlockSpec((_BR, _F), lambda i: (i, 0)),
      out_shape=jax.ShapeDtypeStruct((_N, _F), jnp.float32),
  )(xp, b0, wb0, h1, mv, sv, wb1)


def _rownorm(p, bias):

  def body(p_ref, b_ref, o_ref):
    h = p_ref[0] + p_ref[1] + b_ref[...]
    lanes = lax.broadcasted_iota(jnp.int32, (_BR, _F), 1)
    left = lanes < _H
    sq = h * h
    na = jnp.sqrt(jnp.sum(jnp.where(left, sq, 0.0), axis=1, keepdims=True))
    nb = jnp.sqrt(jnp.sum(jnp.where(left, 0.0, sq), axis=1, keepdims=True))
    n = jnp.where(left, jnp.maximum(na, 1e-12), jnp.maximum(nb, 1e-12))
    o_ref[...] = h / n

  return pl.pallas_call(
      body,
      grid=(_NBLK,),
      in_specs=[
          pl.BlockSpec((2, _BR, _F), lambda i: (0, i, 0)),
          pl.BlockSpec((1, _F), lambda i: (0, 0)),
      ],
      out_specs=pl.BlockSpec((_BR, _F), lambda i: (i, 0)),
      out_shape=jax.ShapeDtypeStruct((_N, _F), jnp.float32),
  )(p, bias.reshape(1, _F))


def _fuse(op, of, aw1, ab1, aw2, mw, mb):

  def body(op_ref, of_ref, aw1_ref, ab1_ref, aw2_ref, mw_ref, mb_ref,
           out_ref, beta_ref):
    vop = op_ref[...]
    vof = of_ref[...]
    e1 = vop[:, :_H]
    c1 = vop[:, _H:]
    e2 = vof[:, :_H]
    c2 = vof[:, _H:]
    xc = (c1 + c2) * 0.5
    aw1 = aw1_ref[...]
    ab1 = ab1_ref[...]
    aw2 = aw2_ref[...]

    def att(v):
      t = jnp.tanh(jnp.dot(v, aw1, preferred_element_type=jnp.float32) + ab1)
      return jnp.sum(t * aw2, axis=1, keepdims=True)

    w1 = att(e1)
    w2 = att(e2)
    w3 = att(xc)
    m = jnp.maximum(jnp.maximum(w1, w2), w3)
    x1 = jnp.exp(w1 - m)
    x2 = jnp.exp(w2 - m)
    x3 = jnp.exp(w3 - m)
    s = x1 + x2 + x3
    emb = (x1 * e1 + x2 * e2 + x3 * xc) / s
    cols = lax.broadcasted_iota(jnp.int32, (_BR, 3), 1)
    beta_ref[...] = jnp.where(cols == 0, x1, jnp.where(cols == 1, x2, x3)) / s
    logits = jnp.dot(emb, mw_ref[...],
                     preferred_element_type=jnp.float32) + mb_ref[...]
    mx = jnp.max(logits, axis=1, keepdims=True)
    ex = jnp.exp(logits - mx)
    out_ref[...] = ex / jnp.sum(ex, axis=1, keepdims=True)

  return pl.pallas_call(
      body,
      grid=(_NBLK,),
      in_specs=[
          pl.BlockSpec((_BR, _F), lambda i: (i, 0)),
          pl.BlockSpec((_BR, _F), lambda i: (i, 0)),
          pl.BlockSpec((_H, 2), lambda i: (0, 0)),
          pl.BlockSpec((1, 2), lambda i: (0, 0)),
          pl.BlockSpec((1, 2), lambda i: (0, 0)),
          pl.BlockSpec((_H, 16), lambda i: (0, 0)),
          pl.BlockSpec((1, 16), lambda i: (0, 0)),
      ],
      out_specs=[
          pl.BlockSpec((_BR, 16), lambda i: (i, 0)),
          pl.BlockSpec((_BR, 3), lambda i: (i, 0)),
      ],
      out_shape=[
          jax.ShapeDtypeStruct((_N, 16), jnp.float32),
          jax.ShapeDtypeStruct((_N, 3), jnp.float32),
      ],
  )(op, of, aw1, ab1, aw2, mw, mb)


def _blockdiag(a, b):
  top = jnp.concatenate([a, jnp.zeros((a.shape[0], b.shape[1]), jnp.float32)],
                        axis=1)
  bot = jnp.concatenate([jnp.zeros((b.shape[0], a.shape[1]), jnp.float32), b],
                        axis=1)
  return jnp.concatenate([top, bot], axis=0)


def _pair_weights(pa, pb):
  w0 = jnp.concatenate([pa["ws"][0], pb["ws"][0]], axis=1)
  w1x = jnp.concatenate([pa["ws"][1][:_F], pb["ws"][1][:_F]], axis=1)
  w1b = _blockdiag(pa["ws"][1][_F:], pb["ws"][1][_F:])
  wox = jnp.concatenate([pa["w_out"][:_F], pb["w_out"][:_F]], axis=1)
  wob0 = _blockdiag(pa["w_out"][_F:_F + _H], pb["w_out"][_F:_F + _H])
  wob1 = _blockdiag(pa["w_out"][_F + _H:], pb["w_out"][_F + _H:])
  b0 = jnp.concatenate([pa["bs"][0], pb["bs"][0]])
  b1 = jnp.concatenate([pa["bs"][1], pb["bs"][1]])
  bo = jnp.concatenate([pa["b_out"], pb["b_out"]])
  return w0, w1x, w1b, wox, wob0, wob1, b0, b1, bo


def kernel(x, params, padj, fadj):
  wp = _pair_weights(params["sgcn1"], params["cgcn"])
  wf = _pair_weights(params["sgcn2"], params["cgcn"])
  wall = jnp.concatenate([wp[0], wp[1], wp[3], wf[0], wf[1], wf[3]], axis=1)
  xp = _xproj(x, wall)
  zeros = jnp.zeros((_NPAD, _F), jnp.float32)

  def run(adj, w, xo):
    _, _, w1b, _, wob0, wob1, b0, b1, bo = w
    src = adj[0]
    dst = adj[1]
    u0 = xp[:, xo:xo + _F]
    p0 = _spmm128(u0, src, dst, zeros)
    h0, mv0, sv0 = _combine_stats(p0, b0)
    u1, blk0 = _layer_mm(xp[:, xo + _F:xo + 2 * _F], h0, mv0, sv0, w1b)
    p1 = _spmm128(u1, src, dst, zeros)
    h1, mv1, sv1 = _combine_stats(p1, b1)
    uo = _out_mm(xp[:, xo + 2 * _F:xo + 3 * _F], blk0, wob0, h1, mv1, sv1,
                 wob1)
    po = _spmm128(uo, src, dst, zeros)
    return _rownorm(po, bo)

  o_p = run(padj, wp, 0)
  o_f = run(fadj, wf, 3 * _F)
  out, beta = _fuse(o_p, o_f, params["att_w1"],
                    params["att_b1"].reshape(1, 2),
                    params["att_w2"].reshape(1, 2), params["mlp_w"],
                    params["mlp_b"].reshape(1, 16))
  emb1 = o_p[:, :_H]
  com1 = o_p[:, _H:]
  emb2 = o_f[:, :_H]
  com2 = o_f[:, _H:]
  return (out, jnp.zeros((1,), jnp.float32), beta.reshape(_N, 3, 1), emb1,
          com1, com2, emb2)

# --- scband reference (transcript-rebuilt; emitter-appended) ---
"""Pipeline reference for scband-global-net-1202590843553 (READ-ONLY COPY).

The authoritative reference and input builder live on the scoring server;
editing this copy changes nothing except your own understanding.
"""

import jax, jax.numpy as jnp
import numpy as np

N = 10000
E = 320000
NFEAT = 128
NHID = 64
OUT = 64
NCLASS = 16
NLAYERS = 2


def _glorot(key, shape):
    limit = float(np.sqrt(6.0 / (shape[0] + shape[1])))
    return jax.random.uniform(key, shape, minval=-limit, maxval=limit, dtype=jnp.float32)


def _snowball_params(key):
    ws, bs = [], []
    for i in range(NLAYERS):
        key, k1 = jax.random.split(key)
        ws.append(_glorot(k1, (i * NHID + NFEAT, NHID)))
        bs.append(jnp.zeros((NHID,), jnp.float32))
    key, k1 = jax.random.split(key)
    return {"ws": ws, "bs": bs,
            "w_out": _glorot(k1, (NLAYERS * NHID + NFEAT, OUT)),
            "b_out": jnp.zeros((OUT,), jnp.float32)}


def setup_inputs(seed: int = 0):
    key = jax.random.key(seed)
    ks = jax.random.split(key, 10)
    x = jax.random.normal(ks[0], (N, NFEAT), dtype=jnp.float32)
    padj = jax.random.randint(ks[1], (2, E), 0, N, dtype=jnp.int32)
    fadj = jax.random.randint(ks[2], (2, E), 0, N, dtype=jnp.int32)
    params = {
        "sgcn1": _snowball_params(ks[3]),
        "sgcn2": _snowball_params(ks[4]),
        "cgcn": _snowball_params(ks[5]),
        "att_w1": _glorot(ks[6], (OUT, 2)),
        "att_b1": jnp.zeros((2,), jnp.float32),
        "att_w2": _glorot(ks[7], (2, 1)),
        "mlp_w": _glorot(ks[8], (OUT, NCLASS)),
        "mlp_b": jnp.zeros((NCLASS,), jnp.float32),
    }
    return {"x": x, "params": params, "padj": padj, "fadj": fadj}


def _spmm(edge_index, h):
    # sparse adj @ h via gather (src) + scatter-add (dst); SparseCore-friendly
    return jax.ops.segment_sum(h[edge_index[0]], edge_index[1], num_segments=N)


def _pairnorm(h, scale=1.0):
    h = h - jnp.mean(h, axis=0, keepdims=True)
    rownorm_mean = jnp.sqrt(1e-6 + jnp.mean(jnp.sum(h * h, axis=1)))
    return scale * h / rownorm_mean


def _snowball(p, x, edge_index):
    blocks = []
    for i in range(NLAYERS):
        inp = x if i == 0 else jnp.concatenate([x] + blocks, axis=1)
        h = _spmm(edge_index, inp @ p["ws"][i]) + p["bs"][i]
        blocks.append(jnp.tanh(_pairnorm(h)))
    inp = jnp.concatenate([x] + blocks, axis=1)
    o = _spmm(edge_index, inp @ p["w_out"]) + p["b_out"]
    return o / jnp.maximum(jnp.linalg.norm(o, axis=1, keepdims=True), 1e-12)


def reference(x, params, padj, fadj):
    emb1 = _snowball(params["sgcn1"], x, padj)
    emb2 = _snowball(params["sgcn2"], x, fadj)
    com1 = _snowball(params["cgcn"], x, padj)
    com2 = _snowball(params["cgcn"], x, fadj)
    xcom = (com1 + com2) / 2.0
    embs = jnp.stack([emb1, emb2, xcom], axis=1)
    w = jnp.tanh(embs @ params["att_w1"] + params["att_b1"]) @ params["att_w2"]
    beta = jax.nn.softmax(w, axis=1)
    emb = jnp.sum(beta * embs, axis=1)
    output = jax.nn.softmax(emb @ params["mlp_w"] + params["mlp_b"], axis=1)
    shift_loss = jnp.zeros((1,), jnp.float32)
    return (output, shift_loss, beta, emb1, com1, com2, emb2)

if __name__ == "__main__":
    import jax
    _d = setup_inputs()
    print(jax.jit(kernel)(*tuple(_d.values())))

</pallas_src>

<mosaic_0001>
#map = affine_map<(d0, d1) -> (0, 0)>
#map1 = affine_map<(d0, d1) -> (0)>
#map2 = affine_map<(d0, d1) -> (0, 0, 0)>
module attributes {stable_mosaic.version = 14 : i64} {
  func.func @k(%arg0: i32, %arg1: i32, %arg2: memref<10000x128xf32, #tpu.memory_space<hbm>>, %arg3: memref<320000xi32, #tpu.memory_space<hbm>>, %arg4: memref<320000xi32, #tpu.memory_space<hbm>>, %arg5: memref<10240x128xf32, #tpu.memory_space<hbm>>, %arg6: memref<2x10240x128xf32, #tpu.memory_space<hbm>>, %arg7: memref<80xi32, #tpu.memory_space<vmem>>, %arg8: memref<80xi32, #tpu.memory_space<vmem>>, %arg9: memref<80x128xf32, #tpu.memory_space<vmem>>, %arg10: memref<10240x128xf32, #tpu.memory_space<vmem_shared>>, %arg11: memref<!tpu.dma_semaphore, #tpu.memory_space<semaphore_mem>>) attributes {dimension_semantics = [#tpu.dimension_semantics<core_parallel>, #tpu.dimension_semantics<subcore_parallel>], iteration_bounds = array<i64: 2, 16>, scalar_prefetch = 0 : i64, scratch_operands = 5 : i64, tpu.core_type = #tpu.core_type<sc_vector_subcore>, window_params = [{transform_indices = #map}, {transform_indices = #map1}, {transform_indices = #map1}, {transform_indices = #map}, {transform_indices = #map2}]} {
    %mul3A = arith.constant 2 : i32
    %mul3A_0 = arith.muli %arg1, %mul3A : i32
    %add3A = arith.addi %mul3A_0, %arg0 : i32
    %mul3A_1 = arith.constant 640 : i32
    %mul3A_2 = arith.muli %arg1, %mul3A_1 : i32
    "tpu.region"() ({
      %run_scoped3A = tpu.sem_alloc : memref<!tpu.dma_semaphore, #tpu.memory_space<semaphore_mem>>
      %dma_start3A = arith.constant 0 : i32
      %dma_start3A_11 = tpu.memref_slice %arg10[%mul3A_2, %dma_start3A] : memref<10240x128xf32, #tpu.memory_space<vmem_shared>> -> memref<640x128xf32, #tpu.memory_space<vmem_shared>>
      %dma_start3A_12 = arith.constant 0 : i32
      %dma_start3A_13 = tpu.memref_slice %arg5[%mul3A_2, %dma_start3A_12] : memref<10240x128xf32, #tpu.memory_space<hbm>> -> memref<640x128xf32, #tpu.memory_space<hbm>>
      tpu.enqueue_dma source(%dma_start3A_13 : memref<640x128xf32, #tpu.memory_space<hbm>>) target(%dma_start3A_11 : memref<640x128xf32, #tpu.memory_space<vmem_shared>>) target_semaphore(%run_scoped3A : memref<!tpu.dma_semaphore, #tpu.memory_space<semaphore_mem>>)
      %dma_wait3A = arith.constant 0 : i32
      %dma_wait3A_14 = tpu.memref_slice %arg10[%mul3A_2, %dma_wait3A] : memref<10240x128xf32, #tpu.memory_space<vmem_shared>> -> memref<640x128xf32, #tpu.memory_space<vmem_shared>>
      %dma_wait3A_15 = arith.constant 0 : i32
      %dma_wait3A_16 = tpu.memref_slice %arg5[%mul3A_2, %dma_wait3A_15] : memref<10240x128xf32, #tpu.memory_space<hbm>> -> memref<640x128xf32, #tpu.memory_space<hbm>>
      tpu.wait_dma2 semaphore(%run_scoped3A : memref<!tpu.dma_semaphore, #tpu.memory_space<semaphore_mem>>) src(%dma_wait3A_16 : memref<640x128xf32, #tpu.memory_space<hbm>>) dst(%dma_wait3A_14 : memref<640x128xf32, #tpu.memory_space<vmem_shared>>)
      tpu.yield
    }) : () -> ()
    %barrier3A = arith.constant 0 : index
    tpu.barrier barrier_id(%barrier3A)
    %mul3A_3 = arith.constant 10000 : i32
    %mul3A_4 = arith.muli %add3A, %mul3A_3 : i32
    %scan3A = arith.constant 0 : i32
    %scan3A_5 = arith.constant 0 : i32
    %scan3A_6 = arith.constant 125 : i32
    %scan3A_7 = arith.addi %scan3A_5, %scan3A_6 : i32
    %scan3A_8 = arith.constant 1 : i32
    scf.for %scan3A_11 = %scan3A_5 to %scan3A_7 step %scan3A_8  : i32 {
      %mul3A_12 = arith.constant 80 : i32
      %mul3A_13 = arith.muli %scan3A_11, %mul3A_12 : i32
      %add3A_14 = arith.addi %mul3A_4, %mul3A_13 : i32
      "tpu.region"() ({
        %run_scoped3A = tpu.sem_alloc : memref<!tpu.dma_semaphore, #tpu.memory_space<semaphore_mem>>
        %dma_start3A_19 = tpu.memref_slice %arg3[%add3A_14] : memref<320000xi32, #tpu.memory_space<hbm>> -> memref<80xi32, #tpu.memory_space<hbm>>
        %dma_start3A_20 = tpu.memref_slice %arg3[%add3A_14] : memref<320000xi32, #tpu.memory_space<hbm>> -> memref<80xi32, #tpu.memory_space<hbm>>
        tpu.enqueue_dma source(%dma_start3A_20 : memref<80xi32, #tpu.memory_space<hbm>>) target(%arg7 : memref<80xi32, #tpu.memory_space<vmem>>) target_semaphore(%run_scoped3A : memref<!tpu.dma_semaphore, #tpu.memory_space<semaphore_mem>>)
        %dma_wait3A_21 = tpu.memref_slice %arg3[%add3A_14] : memref<320000xi32, #tpu.memory_space<hbm>> -> memref<80xi32, #tpu.memory_space<hbm>>
        %dma_wait3A_22 = tpu.memref_slice %arg3[%add3A_14] : memref<320000xi32, #tpu.memory_space<hbm>> -> memref<80xi32, #tpu.memory_space<hbm>>
        tpu.wait_dma2 semaphore(%run_scoped3A : memref<!tpu.dma_semaphore, #tpu.memory_space<semaphore_mem>>) src(%dma_wait3A_22 : memref<80xi32, #tpu.memory_space<hbm>>) dst(%arg7 : memref<80xi32, #tpu.memory_space<vmem>>)
        tpu.yield
      }) : () -> ()
      "tpu.region"() ({
        %run_scoped3A = tpu.sem_alloc : memref<!tpu.dma_semaphore, #tpu.memory_space<semaphore_mem>>
        %dma_start3A_19 = tpu.memref_slice %arg4[%add3A_14] : memref<320000xi32, #tpu.memory_space<hbm>> -> memref<80xi32, #tpu.memory_space<hbm>>
        %dma_start3A_20 = tpu.memref_slice %arg4[%add3A_14] : memref<320000xi32, #tpu.memory_space<hbm>> -> memref<80xi32, #tpu.memory_space<hbm>>
        tpu.enqueue_dma source(%dma_start3A_20 : memref<80xi32, #tpu.memory_space<hbm>>) target(%arg8 : memref<80xi32, #tpu.memory_space<vmem>>) target_semaphore(%run_scoped3A : memref<!tpu.dma_semaphore, #tpu.memory_space<semaphore_mem>>)
        %dma_wait3A_21 = tpu.memref_slice %arg4[%add3A_14] : memref<320000xi32, #tpu.memory_space<hbm>> -> memref<80xi32, #tpu.memory_space<hbm>>
        %dma_wait3A_22 = tpu.memref_slice %arg4[%add3A_14] : memref<320000xi32, #tpu.memory_space<hbm>> -> memref<80xi32, #tpu.memory_space<hbm>>
        tpu.wait_dma2 semaphore(%run_scoped3A : memref<!tpu.dma_semaphore, #tpu.memory_space<semaphore_mem>>) src(%dma_wait3A_22 : memref<80xi32, #tpu.memory_space<hbm>>) dst(%arg8 : memref<80xi32, #tpu.memory_space<vmem>>)
        tpu.yield
      }) : () -> ()
      %dma_start3A = arith.constant 0 : i32
      %dma_start3A_15 = arith.constant 0 : i32
      %dma_start3A_16 = tpu.memref_slice %arg2[%dma_start3A, %dma_start3A_15] : memref<10000x128xf32, #tpu.memory_space<hbm>> -> memref<10000x128xf32, #tpu.memory_space<hbm>>
      tpu.enqueue_indirect_dma source(%dma_start3A_16 : memref<10000x128xf32, #tpu.memory_space<hbm>>) target(%arg9 : memref<80x128xf32, #tpu.memory_space<vmem>>) offsets(%arg7 : memref<80xi32, #tpu.memory_space<vmem>>) semaphore(%arg11 : memref<!tpu.dma_semaphore, #tpu.memory_space<semaphore_mem>>)
      %dma_wait3A = arith.constant 0 : i32
      %dma_wait3A_17 = arith.constant 0 : i32
      %dma_wait3A_18 = tpu.memref_slice %arg2[%dma_wait3A, %dma_wait3A_17] : memref<10000x128xf32, #tpu.memory_space<hbm>> -> memref<10000x128xf32, #tpu.memory_space<hbm>>
      tpu.wait_indirect_dma semaphore(%arg11 : memref<!tpu.dma_semaphore, #tpu.memory_space<semaphore_mem>>) src(%dma_wait3A_18 : memref<10000x128xf32, #tpu.memory_space<hbm>>) dst(%arg9 : memref<80x128xf32, #tpu.memory_space<vmem>>)
      "tpu.region"() ({
        %run_scoped3A = tpu.sem_alloc : memref<!tpu.dma_semaphore, #tpu.memory_space<semaphore_mem>>
        %dma_start3A_19 = arith.constant 0 : i32
        %dma_start3A_20 = arith.constant 0 : i32
        %dma_start3A_21 = tpu.memref_slice %arg10[%dma_start3A_19, %dma_start3A_20] : memref<10240x128xf32, #tpu.memory_space<vmem_shared>> -> memref<10240x128xf32, #tpu.memory_space<vmem_shared>>
        tpu.enqueue_indirect_dma source(%arg9 : memref<80x128xf32, #tpu.memory_space<vmem>>) target(%dma_start3A_21 : memref<10240x128xf32, #tpu.memory_space<vmem_shared>>) offsets(%arg8 : memref<80xi32, #tpu.memory_space<vmem>>) semaphore(%run_scoped3A : memref<!tpu.dma_semaphore, #tpu.memory_space<semaphore_mem>>) {add = true}
        %dma_wait3A_22 = arith.constant 0 : i32
        %dma_wait3A_23 = arith.constant 0 : i32
        %dma_wait3A_24 = tpu.memref_slice %arg10[%dma_wait3A_22, %dma_wait3A_23] : memref<10240x128xf32, #tpu.memory_space<vmem_shared>> -> memref<10240x128xf32, #tpu.memory_space<vmem_shared>>
        tpu.wait_indirect_dma semaphore(%run_scoped3A : memref<!tpu.dma_semaphore, #tpu.memory_space<semaphore_mem>>) src(%arg9 : memref<80x128xf32, #tpu.memory_space<vmem>>) dst(%dma_wait3A_24 : memref<10240x128xf32, #tpu.memory_space<vmem_shared>>)
        tpu.yield
      }) : () -> ()
    }
    %scan3A_9 = arith.constant 125 : i32
    %barrier3A_10 = arith.constant 0 : index
    tpu.barrier barrier_id(%barrier3A_10)
    "tpu.region"() ({
      %run_scoped3A = tpu.sem_alloc : memref<!tpu.dma_semaphore, #tpu.memory_space<semaphore_mem>>
      %dma_start3A = arith.constant 0 : i32
      %dma_start3A_11 = tpu.memref_slice %arg6[%arg0, %mul3A_2, %dma_start3A] : memref<2x10240x128xf32, #tpu.memory_space<hbm>> -> memref<1x640x128xf32, #tpu.memory_space<hbm>>
      %dma_start3A_12 = tpu.memref_squeeze %dma_start3A_11 : memref<1x640x128xf32, #tpu.memory_space<hbm>> -> memref<640x128xf32, #tpu.memory_space<hbm>>
      %dma_start3A_13 = arith.constant 0 : i32
      %dma_start3A_14 = tpu.memref_slice %arg10[%mul3A_2, %dma_start3A_13] : memref<10240x128xf32, #tpu.memory_space<vmem_shared>> -> memref<640x128xf32, #tpu.memory_space<vmem_shared>>
      tpu.enqueue_dma source(%dma_start3A_14 : memref<640x128xf32, #tpu.memory_space<vmem_shared>>) target(%dma_start3A_12 : memref<640x128xf32, #tpu.memory_space<hbm>>) target_semaphore(%run_scoped3A : memref<!tpu.dma_semaphore, #tpu.memory_space<semaphore_mem>>)
      %dma_wait3A = arith.constant 0 : i32
      %dma_wait3A_15 = tpu.memref_slice %arg6[%arg0, %mul3A_2, %dma_wait3A] : memref<2x10240x128xf32, #tpu.memory_space<hbm>> -> memref<1x640x128xf32, #tpu.memory_space<hbm>>
      %dma_wait3A_16 = tpu.memref_squeeze %dma_wait3A_15 : memref<1x640x128xf32, #tpu.memory_space<hbm>> -> memref<640x128xf32, #tpu.memory_space<hbm>>
      %dma_wait3A_17 = arith.constant 0 : i32
      %dma_wait3A_18 = tpu.memref_slice %arg10[%mul3A_2, %dma_wait3A_17] : memref<10240x128xf32, #tpu.memory_space<vmem_shared>> -> memref<640x128xf32, #tpu.memory_space<vmem_shared>>
      tpu.wait_dma2 semaphore(%run_scoped3A : memref<!tpu.dma_semaphore, #tpu.memory_space<semaphore_mem>>) src(%dma_wait3A_18 : memref<640x128xf32, #tpu.memory_space<vmem_shared>>) dst(%dma_wait3A_16 : memref<640x128xf32, #tpu.memory_space<hbm>>)
      tpu.yield
    }) : () -> ()
    return
  }
}

#map = affine_map<(d0, d1) -> (0, 0)>
#map1 = affine_map<(d0, d1) -> (0)>
#map2 = affine_map<(d0, d1) -> (0, 0, 0)>
module attributes {stable_mosaic.version = 14 : i64} {
  func.func @k(%arg0: i32, %arg1: i32, %arg2: memref<10000x128xf32, #tpu.memory_space<hbm>>, %arg3: memref<320000xi32, #tpu.memory_space<hbm>>, %arg4: memref<320000xi32, #tpu.memory_space<hbm>>, %arg5: memref<10240x128xf32, #tpu.memory_space<hbm>>, %arg6: memref<2x10240x128xf32, #tpu.memory_space<hbm>>, %arg7: memref<80xi32, #tpu.memory_space<vmem>>, %arg8: memref<80xi32, #tpu.memory_space<vmem>>, %arg9: memref<80x128xf32, #tpu.memory_space<vmem>>, %arg10: memref<10240x128xf32, #tpu.memory_space<vmem_shared>>, %arg11: memref<!tpu.dma_semaphore, #tpu.memory_space<semaphore_mem>>) attributes {dimension_semantics = [#tpu.dimension_semantics<core_parallel>, #tpu.dimension_semantics<subcore_parallel>], iteration_bounds = array<i64: 2, 16>, scalar_prefetch = 0 : i64, scratch_operands = 5 : i64, tpu.core_type = #tpu.core_type<sc_vector_subcore>, window_params = [{transform_indices = #map}, {transform_indices = #map1}, {transform_indices = #map1}, {transform_indices = #map}, {transform_indices = #map2}]} {
    %mul3A = arith.constant 2 : i32
    %mul3A_0 = arith.muli %arg1, %mul3A : i32
    %add3A = arith.addi %mul3A_0, %arg0 : i32
    %mul3A_1 = arith.constant 640 : i32
    %mul3A_2 = arith.muli %arg1, %mul3A_1 : i32
    "tpu.region"() ({
      %run_scoped3A = tpu.sem_alloc : memref<!tpu.dma_semaphore, #tpu.memory_space<semaphore_mem>>
      %dma_start3A = arith.constant 0 : i32
      %dma_start3A_11 = tpu.memref_slice %arg10[%mul3A_2, %dma_start3A] : memref<10240x128xf32, #tpu.memory_space<vmem_shared>> -> memref<640x128xf32, #tpu.memory_space<vmem_shared>>
      %dma_start3A_12 = arith.constant 0 : i32
      %dma_start3A_13 = tpu.memref_slice %arg5[%mul3A_2, %dma_start3A_12] : memref<10240x128xf32, #tpu.memory_space<hbm>> -> memref<640x128xf32, #tpu.memory_space<hbm>>
      tpu.enqueue_dma source(%dma_start3A_13 : memref<640x128xf32, #tpu.memory_space<hbm>>) target(%dma_start3A_11 : memref<640x128xf32, #tpu.memory_space<vmem_shared>>) target_semaphore(%run_scoped3A : memref<!tpu.dma_semaphore, #tpu.memory_space<semaphore_mem>>)
      %dma_wait3A = arith.constant 0 : i32
      %dma_wait3A_14 = tpu.memref_slice %arg10[%mul3A_2, %dma_wait3A] : memref<10240x128xf32, #tpu.memory_space<vmem_shared>> -> memref<640x128xf32, #tpu.memory_space<vmem_shared>>
      %dma_wait3A_15 = arith.constant 0 : i32
      %dma_wait3A_16 = tpu.memref_slice %arg5[%mul3A_2, %dma_wait3A_15] : memref<10240x128xf32, #tpu.memory_space<hbm>> -> memref<640x128xf32, #tpu.memory_space<hbm>>
      tpu.wait_dma2 semaphore(%run_scoped3A : memref<!tpu.dma_semaphore, #tpu.memory_space<semaphore_mem>>) src(%dma_wait3A_16 : memref<640x128xf32, #tpu.memory_space<hbm>>) dst(%dma_wait3A_14 : memref<640x128xf32, #tpu.memory_space<vmem_shared>>)
      tpu.yield
    }) : () -> ()
    %barrier3A = arith.constant 0 : index
    tpu.barrier barrier_id(%barrier3A)
    %mul3A_3 = arith.constant 10000 : i32
    %mul3A_4 = arith.muli %add3A, %mul3A_3 : i32
    %scan3A = arith.constant 0 : i32
    %scan3A_5 = arith.constant 0 : i32
    %scan3A_6 = arith.constant 125 : i32
    %scan3A_7 = arith.addi %scan3A_5, %scan3A_6 : i32
    %scan3A_8 = arith.constant 1 : i32
    scf.for %scan3A_11 = %scan3A_5 to %scan3A_7 step %scan3A_8  : i32 {
      %mul3A_12 = arith.constant 80 : i32
      %mul3A_13 = arith.muli %scan3A_11, %mul3A_12 : i32
      %add3A_14 = arith.addi %mul3A_4, %mul3A_13 : i32
      "tpu.region"() ({
        %run_scoped3A = tpu.sem_alloc : memref<!tpu.dma_semaphore, #tpu.memory_space<semaphore_mem>>
        %dma_start3A_19 = tpu.memref_slice %arg3[%add3A_14] : memref<320000xi32, #tpu.memory_space<hbm>> -> memref<80xi32, #tpu.memory_space<hbm>>
        %dma_start3A_20 = tpu.memref_slice %arg3[%add3A_14] : memref<320000xi32, #tpu.memory_space<hbm>> -> memref<80xi32, #tpu.memory_space<hbm>>
        tpu.enqueue_dma source(%dma_start3A_20 : memref<80xi32, #tpu.memory_space<hbm>>) target(%arg7 : memref<80xi32, #tpu.memory_space<vmem>>) target_semaphore(%run_scoped3A : memref<!tpu.dma_semaphore, #tpu.memory_space<semaphore_mem>>)
        %dma_wait3A_21 = tpu.memref_slice %arg3[%add3A_14] : memref<320000xi32, #tpu.memory_space<hbm>> -> memref<80xi32, #tpu.memory_space<hbm>>
        %dma_wait3A_22 = tpu.memref_slice %arg3[%add3A_14] : memref<320000xi32, #tpu.memory_space<hbm>> -> memref<80xi32, #tpu.memory_space<hbm>>
        tpu.wait_dma2 semaphore(%run_scoped3A : memref<!tpu.dma_semaphore, #tpu.memory_space<semaphore_mem>>) src(%dma_wait3A_22 : memref<80xi32, #tpu.memory_space<hbm>>) dst(%arg7 : memref<80xi32, #tpu.memory_space<vmem>>)
        tpu.yield
      }) : () -> ()
      "tpu.region"() ({
        %run_scoped3A = tpu.sem_alloc : memref<!tpu.dma_semaphore, #tpu.memory_space<semaphore_mem>>
        %dma_start3A_19 = tpu.memref_slice %arg4[%add3A_14] : memref<320000xi32, #tpu.memory_space<hbm>> -> memref<80xi32, #tpu.memory_space<hbm>>
        %dma_start3A_20 = tpu.memref_slice %arg4[%add3A_14] : memref<320000xi32, #tpu.memory_space<hbm>> -> memref<80xi32, #tpu.memory_space<hbm>>
        tpu.enqueue_dma source(%dma_start3A_20 : memref<80xi32, #tpu.memory_space<hbm>>) target(%arg8 : memref<80xi32, #tpu.memory_space<vmem>>) target_semaphore(%run_scoped3A : memref<!tpu.dma_semaphore, #tpu.memory_space<semaphore_mem>>)
        %dma_wait3A_21 = tpu.memref_slice %arg4[%add3A_14] : memref<320000xi32, #tpu.memory_space<hbm>> -> memref<80xi32, #tpu.memory_space<hbm>>
        %dma_wait3A_22 = tpu.memref_slice %arg4[%add3A_14] : memref<320000xi32, #tpu.memory_space<hbm>> -> memref<80xi32, #tpu.memory_space<hbm>>
        tpu.wait_dma2 semaphore(%run_scoped3A : memref<!tpu.dma_semaphore, #tpu.memory_space<semaphore_mem>>) src(%dma_wait3A_22 : memref<80xi32, #tpu.memory_space<hbm>>) dst(%arg8 : memref<80xi32, #tpu.memory_space<vmem>>)
        tpu.yield
      }) : () -> ()
      %dma_start3A = arith.constant 0 : i32
      %dma_start3A_15 = arith.constant 0 : i32
      %dma_start3A_16 = tpu.memref_slice %arg2[%dma_start3A, %dma_start3A_15] : memref<10000x128xf32, #tpu.memory_space<hbm>> -> memref<10000x128xf32, #tpu.memory_space<hbm>>
      tpu.enqueue_indirect_dma source(%dma_start3A_16 : memref<10000x128xf32, #tpu.memory_space<hbm>>) target(%arg9 : memref<80x128xf32, #tpu.memory_space<vmem>>) offsets(%arg7 : memref<80xi32, #tpu.memory_space<vmem>>) semaphore(%arg11 : memref<!tpu.dma_semaphore, #tpu.memory_space<semaphore_mem>>)
      %dma_wait3A = arith.constant 0 : i32
      %dma_wait3A_17 = arith.constant 0 : i32
      %dma_wait3A_18 = tpu.memref_slice %arg2[%dma_wait3A, %dma_wait3A_17] : memref<10000x128xf32, #tpu.memory_space<hbm>> -> memref<10000x128xf32, #tpu.memory_space<hbm>>
      tpu.wait_indirect_dma semaphore(%arg11 : memref<!tpu.dma_semaphore, #tpu.memory_space<semaphore_mem>>) src(%dma_wait3A_18 : memref<10000x128xf32, #tpu.memory_space<hbm>>) dst(%arg9 : memref<80x128xf32, #tpu.memory_space<vmem>>)
      "tpu.region"() ({
        %run_scoped3A = tpu.sem_alloc : memref<!tpu.dma_semaphore, #tpu.memory_space<semaphore_mem>>
        %dma_start3A_19 = arith.constant 0 : i32
        %dma_start3A_20 = arith.constant 0 : i32
        %dma_start3A_21 = tpu.memref_slice %arg10[%dma_start3A_19, %dma_start3A_20] : memref<10240x128xf32, #tpu.memory_space<vmem_shared>> -> memref<10240x128xf32, #tpu.memory_space<vmem_shared>>
        tpu.enqueue_indirect_dma source(%arg9 : memref<80x128xf32, #tpu.memory_space<vmem>>) target(%dma_start3A_21 : memref<10240x128xf32, #tpu.memory_space<vmem_shared>>) offsets(%arg8 : memref<80xi32, #tpu.memory_space<vmem>>) semaphore(%run_scoped3A : memref<!tpu.dma_semaphore, #tpu.memory_space<semaphore_mem>>) {add = true}
        %dma_wait3A_22 = arith.constant 0 : i32
        %dma_wait3A_23 = arith.constant 0 : i32
        %dma_wait3A_24 = tpu.memref_slice %arg10[%dma_wait3A_22, %dma_wait3A_23] : memref<10240x128xf32, #tpu.memory_space<vmem_shared>> -> memref<10240x128xf32, #tpu.memory_space<vmem_shared>>
        tpu.wait_indirect_dma semaphore(%run_scoped3A : memref<!tpu.dma_semaphore, #tpu.memory_space<semaphore_mem>>) src(%arg9 : memref<80x128xf32, #tpu.memory_space<vmem>>) dst(%dma_wait3A_24 : memref<10240x128xf32, #tpu.memory_space<vmem_shared>>)
        tpu.yield
      }) : () -> ()
    }
    %scan3A_9 = arith.constant 125 : i32
    %barrier3A_10 = arith.constant 0 : index
    tpu.barrier barrier_id(%barrier3A_10)
    "tpu.region"() ({
      %run_scoped3A = tpu.sem_alloc : memref<!tpu.dma_semaphore, #tpu.memory_space<semaphore_mem>>
      %dma_start3A = arith.constant 0 : i32
      %dma_start3A_11 = tpu.memref_slice %arg6[%arg0, %mul3A_2, %dma_start3A] : memref<2x10240x128xf32, #tpu.memory_space<hbm>> -> memref<1x640x128xf32, #tpu.memory_space<hbm>>
      %dma_start3A_12 = tpu.memref_squeeze %dma_start3A_11 : memref<1x640x128xf32, #tpu.memory_space<hbm>> -> memref<640x128xf32, #tpu.memory_space<hbm>>
      %dma_start3A_13 = arith.constant 0 : i32
      %dma_start3A_14 = tpu.memref_slice %arg10[%mul3A_2, %dma_start3A_13] : memref<10240x128xf32, #tpu.memory_space<vmem_shared>> -> memref<640x128xf32, #tpu.memory_space<vmem_shared>>
      tpu.enqueue_dma source(%dma_start3A_14 : memref<640x128xf32, #tpu.memory_space<vmem_shared>>) target(%dma_start3A_12 : memref<640x128xf32, #tpu.memory_space<hbm>>) target_semaphore(%run_scoped3A : memref<!tpu.dma_semaphore, #tpu.memory_space<semaphore_mem>>)
      %dma_wait3A = arith.constant 0 : i32
      %dma_wait3A_15 = tpu.memref_slice %arg6[%arg0, %mul3A_2, %dma_wait3A] : memref<2x10240x128xf32, #tpu.memory_space<hbm>> -> memref<1x640x128xf32, #tpu.memory_space<hbm>>
      %dma_wait3A_16 = tpu.memref_squeeze %dma_wait3A_15 : memref<1x640x128xf32, #tpu.memory_space<hbm>> -> memref<640x128xf32, #tpu.memory_space<hbm>>
      %dma_wait3A_17 = arith.constant 0 : i32
      %dma_wait3A_18 = tpu.memref_slice %arg10[%mul3A_2, %dma_wait3A_17] : memref<10240x128xf32, #tpu.memory_space<vmem_shared>> -> memref<640x128xf32, #tpu.memory_space<vmem_shared>>
      tpu.wait_dma2 semaphore(%run_scoped3A : memref<!tpu.dma_semaphore, #tpu.memory_space<semaphore_mem>>) src(%dma_wait3A_18 : memref<640x128xf32, #tpu.memory_space<vmem_shared>>) dst(%dma_wait3A_16 : memref<640x128xf32, #tpu.memory_space<hbm>>)
      tpu.yield
    }) : () -> ()
    return
  }
}

#map = affine_map<(d0, d1) -> (0, 0)>
#map1 = affine_map<(d0, d1) -> (0)>
#map2 = affine_map<(d0, d1) -> (0, 0, 0)>
module attributes {stable_mosaic.version = 14 : i64} {
  func.func @k(%arg0: i32, %arg1: i32, %arg2: memref<10000x128xf32, #tpu.memory_space<hbm>>, %arg3: memref<320000xi32, #tpu.memory_space<hbm>>, %arg4: memref<320000xi32, #tpu.memory_space<hbm>>, %arg5: memref<10240x128xf32, #tpu.memory_space<hbm>>, %arg6: memref<2x10240x128xf32, #tpu.memory_space<hbm>>, %arg7: memref<80xi32, #tpu.memory_space<vmem>>, %arg8: memref<80xi32, #tpu.memory_space<vmem>>, %arg9: memref<80x128xf32, #tpu.memory_space<vmem>>, %arg10: memref<10240x128xf32, #tpu.memory_space<vmem_shared>>, %arg11: memref<!tpu.dma_semaphore, #tpu.memory_space<semaphore_mem>>) attributes {dimension_semantics = [#tpu.dimension_semantics<core_parallel>, #tpu.dimension_semantics<subcore_parallel>], iteration_bounds = array<i64: 2, 16>, scalar_prefetch = 0 : i64, scratch_operands = 5 : i64, tpu.core_type = #tpu.core_type<sc_vector_subcore>, window_params = [{transform_indices = #map}, {transform_indices = #map1}, {transform_indices = #map1}, {transform_indices = #map}, {transform_indices = #map2}]} {
    %mul3A = arith.constant 2 : i32
    %mul3A_0 = arith.muli %arg1, %mul3A : i32
    %add3A = arith.addi %mul3A_0, %arg0 : i32
    %mul3A_1 = arith.constant 640 : i32
    %mul3A_2 = arith.muli %arg1, %mul3A_1 : i32
    "tpu.region"() ({
      %run_scoped3A = tpu.sem_alloc : memref<!tpu.dma_semaphore, #tpu.memory_space<semaphore_mem>>
      %dma_start3A = arith.constant 0 : i32
      %dma_start3A_11 = tpu.memref_slice %arg10[%mul3A_2, %dma_start3A] : memref<10240x128xf32, #tpu.memory_space<vmem_shared>> -> memref<640x128xf32, #tpu.memory_space<vmem_shared>>
      %dma_start3A_12 = arith.constant 0 : i32
      %dma_start3A_13 = tpu.memref_slice %arg5[%mul3A_2, %dma_start3A_12] : memref<10240x128xf32, #tpu.memory_space<hbm>> -> memref<640x128xf32, #tpu.memory_space<hbm>>
      tpu.enqueue_dma source(%dma_start3A_13 : memref<640x128xf32, #tpu.memory_space<hbm>>) target(%dma_start3A_11 : memref<640x128xf32, #tpu.memory_space<vmem_shared>>) target_semaphore(%run_scoped3A : memref<!tpu.dma_semaphore, #tpu.memory_space<semaphore_mem>>)
      %dma_wait3A = arith.constant 0 : i32
      %dma_wait3A_14 = tpu.memref_slice %arg10[%mul3A_2, %dma_wait3A] : memref<10240x128xf32, #tpu.memory_space<vmem_shared>> -> memref<640x128xf32, #tpu.memory_space<vmem_shared>>
      %dma_wait3A_15 = arith.constant 0 : i32
      %dma_wait3A_16 = tpu.memref_slice %arg5[%mul3A_2, %dma_wait3A_15] : memref<10240x128xf32, #tpu.memory_space<hbm>> -> memref<640x128xf32, #tpu.memory_space<hbm>>
      tpu.wait_dma2 semaphore(%run_scoped3A : memref<!tpu.dma_semaphore, #tpu.memory_space<semaphore_mem>>) src(%dma_wait3A_16 : memref<640x128xf32, #tpu.memory_space<hbm>>) dst(%dma_wait3A_14 : memref<640x128xf32, #tpu.memory_space<vmem_shared>>)
      tpu.yield
    }) : () -> ()
    %barrier3A = arith.constant 0 : index
    tpu.barrier barrier_id(%barrier3A)
    %mul3A_3 = arith.constant 10000 : i32
    %mul3A_4 = arith.muli %add3A, %mul3A_3 : i32
    %scan3A = arith.constant 0 : i32
    %scan3A_5 = arith.constant 0 : i32
    %scan3A_6 = arith.constant 125 : i32
    %scan3A_7 = arith.addi %scan3A_5, %scan3A_6 : i32
    %scan3A_8 = arith.constant 1 : i32
    scf.for %scan3A_11 = %scan3A_5 to %scan3A_7 step %scan3A_8  : i32 {
      %mul3A_12 = arith.constant 80 : i32
      %mul3A_13 = arith.muli %scan3A_11, %mul3A_12 : i32
      %add3A_14 = arith.addi %mul3A_4, %mul3A_13 : i32
      "tpu.region"() ({
        %run_scoped3A = tpu.sem_alloc : memref<!tpu.dma_semaphore, #tpu.memory_space<semaphore_mem>>
        %dma_start3A_19 = tpu.memref_slice %arg3[%add3A_14] : memref<320000xi32, #tpu.memory_space<hbm>> -> memref<80xi32, #tpu.memory_space<hbm>>
        %dma_start3A_20 = tpu.memref_slice %arg3[%add3A_14] : memref<320000xi32, #tpu.memory_space<hbm>> -> memref<80xi32, #tpu.memory_space<hbm>>
        tpu.enqueue_dma source(%dma_start3A_20 : memref<80xi32, #tpu.memory_space<hbm>>) target(%arg7 : memref<80xi32, #tpu.memory_space<vmem>>) target_semaphore(%run_scoped3A : memref<!tpu.dma_semaphore, #tpu.memory_space<semaphore_mem>>)
        %dma_wait3A_21 = tpu.memref_slice %arg3[%add3A_14] : memref<320000xi32, #tpu.memory_space<hbm>> -> memref<80xi32, #tpu.memory_space<hbm>>
        %dma_wait3A_22 = tpu.memref_slice %arg3[%add3A_14] : memref<320000xi32, #tpu.memory_space<hbm>> -> memref<80xi32, #tpu.memory_space<hbm>>
        tpu.wait_dma2 semaphore(%run_scoped3A : memref<!tpu.dma_semaphore, #tpu.memory_space<semaphore_mem>>) src(%dma_wait3A_22 : memref<80xi32, #tpu.memory_space<hbm>>) dst(%arg7 : memref<80xi32, #tpu.memory_space<vmem>>)
        tpu.yield
      }) : () -> ()
      "tpu.region"() ({
        %run_scoped3A = tpu.sem_alloc : memref<!tpu.dma_semaphore, #tpu.memory_space<semaphore_mem>>
        %dma_start3A_19 = tpu.memref_slice %arg4[%add3A_14] : memref<320000xi32, #tpu.memory_space<hbm>> -> memref<80xi32, #tpu.memory_space<hbm>>
        %dma_start3A_20 = tpu.memref_slice %arg4[%add3A_14] : memref<320000xi32, #tpu.memory_space<hbm>> -> memref<80xi32, #tpu.memory_space<hbm>>
        tpu.enqueue_dma source(%dma_start3A_20 : memref<80xi32, #tpu.memory_space<hbm>>) target(%arg8 : memref<80xi32, #tpu.memory_space<vmem>>) target_semaphore(%run_scoped3A : memref<!tpu.dma_semaphore, #tpu.memory_space<semaphore_mem>>)
        %dma_wait3A_21 = tpu.memref_slice %arg4[%add3A_14] : memref<320000xi32, #tpu.memory_space<hbm>> -> memref<80xi32, #tpu.memory_space<hbm>>
        %dma_wait3A_22 = tpu.memref_slice %arg4[%add3A_14] : memref<320000xi32, #tpu.memory_space<hbm>> -> memref<80xi32, #tpu.memory_space<hbm>>
        tpu.wait_dma2 semaphore(%run_scoped3A : memref<!tpu.dma_semaphore, #tpu.memory_space<semaphore_mem>>) src(%dma_wait3A_22 : memref<80xi32, #tpu.memory_space<hbm>>) dst(%arg8 : memref<80xi32, #tpu.memory_space<vmem>>)
        tpu.yield
      }) : () -> ()
      %dma_start3A = arith.constant 0 : i32
      %dma_start3A_15 = arith.constant 0 : i32
      %dma_start3A_16 = tpu.memref_slice %arg2[%dma_start3A, %dma_start3A_15] : memref<10000x128xf32, #tpu.memory_space<hbm>> -> memref<10000x128xf32, #tpu.memory_space<hbm>>
      tpu.enqueue_indirect_dma source(%dma_start3A_16 : memref<10000x128xf32, #tpu.memory_space<hbm>>) target(%arg9 : memref<80x128xf32, #tpu.memory_space<vmem>>) offsets(%arg7 : memref<80xi32, #tpu.memory_space<vmem>>) semaphore(%arg11 : memref<!tpu.dma_semaphore, #tpu.memory_space<semaphore_mem>>)
      %dma_wait3A = arith.constant 0 : i32
      %dma_wait3A_17 = arith.constant 0 : i32
      %dma_wait3A_18 = tpu.memref_slice %arg2[%dma_wait3A, %dma_wait3A_17] : memref<10000x128xf32, #tpu.memory_space<hbm>> -> memref<10000x128xf32, #tpu.memory_space<hbm>>
      tpu.wait_indirect_dma semaphore(%arg11 : memref<!tpu.dma_semaphore, #tpu.memory_space<semaphore_mem>>) src(%dma_wait3A_18 : memref<10000x128xf32, #tpu.memory_space<hbm>>) dst(%arg9 : memref<80x128xf32, #tpu.memory_space<vmem>>)
      "tpu.region"() ({
        %run_scoped3A = tpu.sem_alloc : memref<!tpu.dma_semaphore, #tpu.memory_space<semaphore_mem>>
        %dma_start3A_19 = arith.constant 0 : i32
        %dma_start3A_20 = arith.constant 0 : i32
        %dma_start3A_21 = tpu.memref_slice %arg10[%dma_start3A_19, %dma_start3A_20] : memref<10240x128xf32, #tpu.memory_space<vmem_shared>> -> memref<10240x128xf32, #tpu.memory_space<vmem_shared>>
        tpu.enqueue_indirect_dma source(%arg9 : memref<80x128xf32, #tpu.memory_space<vmem>>) target(%dma_start3A_21 : memref<10240x128xf32, #tpu.memory_space<vmem_shared>>) offsets(%arg8 : memref<80xi32, #tpu.memory_space<vmem>>) semaphore(%run_scoped3A : memref<!tpu.dma_semaphore, #tpu.memory_space<semaphore_mem>>) {add = true}
        %dma_wait3A_22 = arith.constant 0 : i32
        %dma_wait3A_23 = arith.constant 0 : i32
        %dma_wait3A_24 = tpu.memref_slice %arg10[%dma_wait3A_22, %dma_wait3A_23] : memref<10240x128xf32, #tpu.memory_space<vmem_shared>> -> memref<10240x128xf32, #tpu.memory_space<vmem_shared>>
        tpu.wait_indirect_dma semaphore(%run_scoped3A : memref<!tpu.dma_semaphore, #tpu.memory_space<semaphore_mem>>) src(%arg9 : memref<80x128xf32, #tpu.memory_space<vmem>>) dst(%dma_wait3A_24 : memref<10240x128xf32, #tpu.memory_space<vmem_shared>>)
        tpu.yield
      }) : () -> ()
    }
    %scan3A_9 = arith.constant 125 : i32
    %barrier3A_10 = arith.constant 0 : index
    tpu.barrier barrier_id(%barrier3A_10)
    "tpu.region"() ({
      %run_scoped3A = tpu.sem_alloc : memref<!tpu.dma_semaphore, #tpu.memory_space<semaphore_mem>>
      %dma_start3A = arith.constant 0 : i32
      %dma_start3A_11 = tpu.memref_slice %arg6[%arg0, %mul3A_2, %dma_start3A] : memref<2x10240x128xf32, #tpu.memory_space<hbm>> -> memref<1x640x128xf32, #tpu.memory_space<hbm>>
      %dma_start3A_12 = tpu.memref_squeeze %dma_start3A_11 : memref<1x640x128xf32, #tpu.memory_space<hbm>> -> memref<640x128xf32, #tpu.memory_space<hbm>>
      %dma_start3A_13 = arith.constant 0 : i32
      %dma_start3A_14 = tpu.memref_slice %arg10[%mul3A_2, %dma_start3A_13] : memref<10240x128xf32, #tpu.memory_space<vmem_shared>> -> memref<640x128xf32, #tpu.memory_space<vmem_shared>>
      tpu.enqueue_dma source(%dma_start3A_14 : memref<640x128xf32, #tpu.memory_space<vmem_shared>>) target(%dma_start3A_12 : memref<640x128xf32, #tpu.memory_space<hbm>>) target_semaphore(%run_scoped3A : memref<!tpu.dma_semaphore, #tpu.memory_space<semaphore_mem>>)
      %dma_wait3A = arith.constant 0 : i32
      %dma_wait3A_15 = tpu.memref_slice %arg6[%arg0, %mul3A_2, %dma_wait3A] : memref<2x10240x128xf32, #tpu.memory_space<hbm>> -> memref<1x640x128xf32, #tpu.memory_space<hbm>>
      %dma_wait3A_16 = tpu.memref_squeeze %dma_wait3A_15 : memref<1x640x128xf32, #tpu.memory_space<hbm>> -> memref<640x128xf32, #tpu.memory_space<hbm>>
      %dma_wait3A_17 = arith.constant 0 : i32
      %dma_wait3A_18 = tpu.memref_slice %arg10[%mul3A_2, %dma_wait3A_17] : memref<10240x128xf32, #tpu.memory_space<vmem_shared>> -> memref<640x128xf32, #tpu.memory_space<vmem_shared>>
      tpu.wait_dma2 semaphore(%run_scoped3A : memref<!tpu.dma_semaphore, #tpu.memory_space<semaphore_mem>>) src(%dma_wait3A_18 : memref<640x128xf32, #tpu.memory_space<vmem_shared>>) dst(%dma_wait3A_16 : memref<640x128xf32, #tpu.memory_space<hbm>>)
      tpu.yield
    }) : () -> ()
    return
  }
}

#map = affine_map<(d0, d1) -> (0, 0)>
#map1 = affine_map<(d0, d1) -> (0)>
#map2 = affine_map<(d0, d1) -> (0, 0, 0)>
module attributes {stable_mosaic.version = 14 : i64} {
  func.func @k(%arg0: i32, %arg1: i32, %arg2: memref<10000x128xf32, #tpu.memory_space<hbm>>, %arg3: memref<320000xi32, #tpu.memory_space<hbm>>, %arg4: memref<320000xi32, #tpu.memory_space<hbm>>, %arg5: memref<10240x128xf32, #tpu.memory_space<hbm>>, %arg6: memref<2x10240x128xf32, #tpu.memory_space<hbm>>, %arg7: memref<80xi32, #tpu.memory_space<vmem>>, %arg8: memref<80xi32, #tpu.memory_space<vmem>>, %arg9: memref<80x128xf32, #tpu.memory_space<vmem>>, %arg10: memref<10240x128xf32, #tpu.memory_space<vmem_shared>>, %arg11: memref<!tpu.dma_semaphore, #tpu.memory_space<semaphore_mem>>) attributes {dimension_semantics = [#tpu.dimension_semantics<core_parallel>, #tpu.dimension_semantics<subcore_parallel>], iteration_bounds = array<i64: 2, 16>, scalar_prefetch = 0 : i64, scratch_operands = 5 : i64, tpu.core_type = #tpu.core_type<sc_vector_subcore>, window_params = [{transform_indices = #map}, {transform_indices = #map1}, {transform_indices = #map1}, {transform_indices = #map}, {transform_indices = #map2}]} {
    %mul3A = arith.constant 2 : i32
    %mul3A_0 = arith.muli %arg1, %mul3A : i32
    %add3A = arith.addi %mul3A_0, %arg0 : i32
    %mul3A_1 = arith.constant 640 : i32
    %mul3A_2 = arith.muli %arg1, %mul3A_1 : i32
    "tpu.region"() ({
      %run_scoped3A = tpu.sem_alloc : memref<!tpu.dma_semaphore, #tpu.memory_space<semaphore_mem>>
      %dma_start3A = arith.constant 0 : i32
      %dma_start3A_11 = tpu.memref_slice %arg10[%mul3A_2, %dma_start3A] : memref<10240x128xf32, #tpu.memory_space<vmem_shared>> -> memref<640x128xf32, #tpu.memory_space<vmem_shared>>
      %dma_start3A_12 = arith.constant 0 : i32
      %dma_start3A_13 = tpu.memref_slice %arg5[%mul3A_2, %dma_start3A_12] : memref<10240x128xf32, #tpu.memory_space<hbm>> -> memref<640x128xf32, #tpu.memory_space<hbm>>
      tpu.enqueue_dma source(%dma_start3A_13 : memref<640x128xf32, #tpu.memory_space<hbm>>) target(%dma_start3A_11 : memref<640x128xf32, #tpu.memory_space<vmem_shared>>) target_semaphore(%run_scoped3A : memref<!tpu.dma_semaphore, #tpu.memory_space<semaphore_mem>>)
      %dma_wait3A = arith.constant 0 : i32
      %dma_wait3A_14 = tpu.memref_slice %arg10[%mul3A_2, %dma_wait3A] : memref<10240x128xf32, #tpu.memory_space<vmem_shared>> -> memref<640x128xf32, #tpu.memory_space<vmem_shared>>
      %dma_wait3A_15 = arith.constant 0 : i32
      %dma_wait3A_16 = tpu.memref_slice %arg5[%mul3A_2, %dma_wait3A_15] : memref<10240x128xf32, #tpu.memory_space<hbm>> -> memref<640x128xf32, #tpu.memory_space<hbm>>
      tpu.wait_dma2 semaphore(%run_scoped3A : memref<!tpu.dma_semaphore, #tpu.memory_space<semaphore_mem>>) src(%dma_wait3A_16 : memref<640x128xf32, #tpu.memory_space<hbm>>) dst(%dma_wait3A_14 : memref<640x128xf32, #tpu.memory_space<vmem_shared>>)
      tpu.yield
    }) : () -> ()
    %barrier3A = arith.constant 0 : index
    tpu.barrier barrier_id(%barrier3A)
    %mul3A_3 = arith.constant 10000 : i32
    %mul3A_4 = arith.muli %add3A, %mul3A_3 : i32
    %scan3A = arith.constant 0 : i32
    %scan3A_5 = arith.constant 0 : i32
    %scan3A_6 = arith.constant 125 : i32
    %scan3A_7 = arith.addi %scan3A_5, %scan3A_6 : i32
    %scan3A_8 = arith.constant 1 : i32
    scf.for %scan3A_11 = %scan3A_5 to %scan3A_7 step %scan3A_8  : i32 {
      %mul3A_12 = arith.constant 80 : i32
      %mul3A_13 = arith.muli %scan3A_11, %mul3A_12 : i32
      %add3A_14 = arith.addi %mul3A_4, %mul3A_13 : i32
      "tpu.region"() ({
        %run_scoped3A = tpu.sem_alloc : memref<!tpu.dma_semaphore, #tpu.memory_space<semaphore_mem>>
        %dma_start3A_19 = tpu.memref_slice %arg3[%add3A_14] : memref<320000xi32, #tpu.memory_space<hbm>> -> memref<80xi32, #tpu.memory_space<hbm>>
        %dma_start3A_20 = tpu.memref_slice %arg3[%add3A_14] : memref<320000xi32, #tpu.memory_space<hbm>> -> memref<80xi32, #tpu.memory_space<hbm>>
        tpu.enqueue_dma source(%dma_start3A_20 : memref<80xi32, #tpu.memory_space<hbm>>) target(%arg7 : memref<80xi32, #tpu.memory_space<vmem>>) target_semaphore(%run_scoped3A : memref<!tpu.dma_semaphore, #tpu.memory_space<semaphore_mem>>)
        %dma_wait3A_21 = tpu.memref_slice %arg3[%add3A_14] : memref<320000xi32, #tpu.memory_space<hbm>> -> memref<80xi32, #tpu.memory_space<hbm>>
        %dma_wait3A_22 = tpu.memref_slice %arg3[%add3A_14] : memref<320000xi32, #tpu.memory_space<hbm>> -> memref<80xi32, #tpu.memory_space<hbm>>
        tpu.wait_dma2 semaphore(%run_scoped3A : memref<!tpu.dma_semaphore, #tpu.memory_space<semaphore_mem>>) src(%dma_wait3A_22 : memref<80xi32, #tpu.memory_space<hbm>>) dst(%arg7 : memref<80xi32, #tpu.memory_space<vmem>>)
        tpu.yield
      }) : () -> ()
      "tpu.region"() ({
        %run_scoped3A = tpu.sem_alloc : memref<!tpu.dma_semaphore, #tpu.memory_space<semaphore_mem>>
        %dma_start3A_19 = tpu.memref_slice %arg4[%add3A_14] : memref<320000xi32, #tpu.memory_space<hbm>> -> memref<80xi32, #tpu.memory_space<hbm>>
        %dma_start3A_20 = tpu.memref_slice %arg4[%add3A_14] : memref<320000xi32, #tpu.memory_space<hbm>> -> memref<80xi32, #tpu.memory_space<hbm>>
        tpu.enqueue_dma source(%dma_start3A_20 : memref<80xi32, #tpu.memory_space<hbm>>) target(%arg8 : memref<80xi32, #tpu.memory_space<vmem>>) target_semaphore(%run_scoped3A : memref<!tpu.dma_semaphore, #tpu.memory_space<semaphore_mem>>)
        %dma_wait3A_21 = tpu.memref_slice %arg4[%add3A_14] : memref<320000xi32, #tpu.memory_space<hbm>> -> memref<80xi32, #tpu.memory_space<hbm>>
        %dma_wait3A_22 = tpu.memref_slice %arg4[%add3A_14] : memref<320000xi32, #tpu.memory_space<hbm>> -> memref<80xi32, #tpu.memory_space<hbm>>
        tpu.wait_dma2 semaphore(%run_scoped3A : memref<!tpu.dma_semaphore, #tpu.memory_space<semaphore_mem>>) src(%dma_wait3A_22 : memref<80xi32, #tpu.memory_space<hbm>>) dst(%arg8 : memref<80xi32, #tpu.memory_space<vmem>>)
        tpu.yield
      }) : () -> ()
      %dma_start3A = arith.constant 0 : i32
      %dma_start3A_15 = arith.constant 0 : i32
      %dma_start3A_16 = tpu.memref_slice %arg2[%dma_start3A, %dma_start3A_15] : memref<10000x128xf32, #tpu.memory_space<hbm>> -> memref<10000x128xf32, #tpu.memory_space<hbm>>
      tpu.enqueue_indirect_dma source(%dma_start3A_16 : memref<10000x128xf32, #tpu.memory_space<hbm>>) target(%arg9 : memref<80x128xf32, #tpu.memory_space<vmem>>) offsets(%arg7 : memref<80xi32, #tpu.memory_space<vmem>>) semaphore(%arg11 : memref<!tpu.dma_semaphore, #tpu.memory_space<semaphore_mem>>)
      %dma_wait3A = arith.constant 0 : i32
      %dma_wait3A_17 = arith.constant 0 : i32
      %dma_wait3A_18 = tpu.memref_slice %arg2[%dma_wait3A, %dma_wait3A_17] : memref<10000x128xf32, #tpu.memory_space<hbm>> -> memref<10000x128xf32, #tpu.memory_space<hbm>>
      tpu.wait_indirect_dma semaphore(%arg11 : memref<!tpu.dma_semaphore, #tpu.memory_space<semaphore_mem>>) src(%dma_wait3A_18 : memref<10000x128xf32, #tpu.memory_space<hbm>>) dst(%arg9 : memref<80x128xf32, #tpu.memory_space<vmem>>)
      "tpu.region"() ({
        %run_scoped3A = tpu.sem_alloc : memref<!tpu.dma_semaphore, #tpu.memory_space<semaphore_mem>>
        %dma_start3A_19 = arith.constant 0 : i32
        %dma_start3A_20 = arith.constant 0 : i32
        %dma_start3A_21 = tpu.memref_slice %arg10[%dma_start3A_19, %dma_start3A_20] : memref<10240x128xf32, #tpu.memory_space<vmem_shared>> -> memref<10240x128xf32, #tpu.memory_space<vmem_shared>>
        tpu.enqueue_indirect_dma source(%arg9 : memref<80x128xf32, #tpu.memory_space<vmem>>) target(%dma_start3A_21 : memref<10240x128xf32, #tpu.memory_space<vmem_shared>>) offsets(%arg8 : memref<80xi32, #tpu.memory_space<vmem>>) semaphore(%run_scoped3A : memref<!tpu.dma_semaphore, #tpu.memory_space<semaphore_mem>>) {add = true}
        %dma_wait3A_22 = arith.constant 0 : i32
        %dma_wait3A_23 = arith.constant 0 : i32
        %dma_wait3A_24 = tpu.memref_slice %arg10[%dma_wait3A_22, %dma_wait3A_23] : memref<10240x128xf32, #tpu.memory_space<vmem_shared>> -> memref<10240x128xf32, #tpu.memory_space<vmem_shared>>
        tpu.wait_indirect_dma semaphore(%run_scoped3A : memref<!tpu.dma_semaphore, #tpu.memory_space<semaphore_mem>>) src(%arg9 : memref<80x128xf32, #tpu.memory_space<vmem>>) dst(%dma_wait3A_24 : memref<10240x128xf32, #tpu.memory_space<vmem_shared>>)
        tpu.yield
      }) : () -> ()
    }
    %scan3A_9 = arith.constant 125 : i32
    %barrier3A_10 = arith.constant 0 : index
    tpu.barrier barrier_id(%barrier3A_10)
    "tpu.region"() ({
      %run_scoped3A = tpu.sem_alloc : memref<!tpu.dma_semaphore, #tpu.memory_space<semaphore_mem>>
      %dma_start3A = arith.constant 0 : i32
      %dma_start3A_11 = tpu.memref_slice %arg6[%arg0, %mul3A_2, %dma_start3A] : memref<2x10240x128xf32, #tpu.memory_space<hbm>> -> memref<1x640x128xf32, #tpu.memory_space<hbm>>
      %dma_start3A_12 = tpu.memref_squeeze %dma_start3A_11 : memref<1x640x128xf32, #tpu.memory_space<hbm>> -> memref<640x128xf32, #tpu.memory_space<hbm>>
      %dma_start3A_13 = arith.constant 0 : i32
      %dma_start3A_14 = tpu.memref_slice %arg10[%mul3A_2, %dma_start3A_13] : memref<10240x128xf32, #tpu.memory_space<vmem_shared>> -> memref<640x128xf32, #tpu.memory_space<vmem_shared>>
      tpu.enqueue_dma source(%dma_start3A_14 : memref<640x128xf32, #tpu.memory_space<vmem_shared>>) target(%dma_start3A_12 : memref<640x128xf32, #tpu.memory_space<hbm>>) target_semaphore(%run_scoped3A : memref<!tpu.dma_semaphore, #tpu.memory_space<semaphore_mem>>)
      %dma_wait3A = arith.constant 0 : i32
      %dma_wait3A_15 = tpu.memref_slice %arg6[%arg0, %mul3A_2, %dma_wait3A] : memref<2x10240x128xf32, #tpu.memory_space<hbm>> -> memref<1x640x128xf32, #tpu.memory_space<hbm>>
      %dma_wait3A_16 = tpu.memref_squeeze %dma_wait3A_15 : memref<1x640x128xf32, #tpu.memory_space<hbm>> -> memref<640x128xf32, #tpu.memory_space<hbm>>
      %dma_wait3A_17 = arith.constant 0 : i32
      %dma_wait3A_18 = tpu.memref_slice %arg10[%mul3A_2, %dma_wait3A_17] : memref<10240x128xf32, #tpu.memory_space<vmem_shared>> -> memref<640x128xf32, #tpu.memory_space<vmem_shared>>
      tpu.wait_dma2 semaphore(%run_scoped3A : memref<!tpu.dma_semaphore, #tpu.memory_space<semaphore_mem>>) src(%dma_wait3A_18 : memref<640x128xf32, #tpu.memory_space<vmem_shared>>) dst(%dma_wait3A_16 : memref<640x128xf32, #tpu.memory_space<hbm>>)
      tpu.yield
    }) : () -> ()
    return
  }
}

#map = affine_map<(d0, d1) -> (0, 0)>
#map1 = affine_map<(d0, d1) -> (0)>
#map2 = affine_map<(d0, d1) -> (0, 0, 0)>
module attributes {stable_mosaic.version = 14 : i64} {
  func.func @k(%arg0: i32, %arg1: i32, %arg2: memref<10000x128xf32, #tpu.memory_space<hbm>>, %arg3: memref<320000xi32, #tpu.memory_space<hbm>>, %arg4: memref<320000xi32, #tpu.memory_space<hbm>>, %arg5: memref<10240x128xf32, #tpu.memory_space<hbm>>, %arg6: memref<2x10240x128xf32, #tpu.memory_space<hbm>>, %arg7: memref<80xi32, #tpu.memory_space<vmem>>, %arg8: memref<80xi32, #tpu.memory_space<vmem>>, %arg9: memref<80x128xf32, #tpu.memory_space<vmem>>, %arg10: memref<10240x128xf32, #tpu.memory_space<vmem_shared>>, %arg11: memref<!tpu.dma_semaphore, #tpu.memory_space<semaphore_mem>>) attributes {dimension_semantics = [#tpu.dimension_semantics<core_parallel>, #tpu.dimension_semantics<subcore_parallel>], iteration_bounds = array<i64: 2, 16>, scalar_prefetch = 0 : i64, scratch_operands = 5 : i64, tpu.core_type = #tpu.core_type<sc_vector_subcore>, window_params = [{transform_indices = #map}, {transform_indices = #map1}, {transform_indices = #map1}, {transform_indices = #map}, {transform_indices = #map2}]} {
    %mul3A = arith.constant 2 : i32
    %mul3A_0 = arith.muli %arg1, %mul3A : i32
    %add3A = arith.addi %mul3A_0, %arg0 : i32
    %mul3A_1 = arith.constant 640 : i32
    %mul3A_2 = arith.muli %arg1, %mul3A_1 : i32
    "tpu.region"() ({
      %run_scoped3A = tpu.sem_alloc : memref<!tpu.dma_semaphore, #tpu.memory_space<semaphore_mem>>
      %dma_start3A = arith.constant 0 : i32
      %dma_start3A_11 = tpu.memref_slice %arg10[%mul3A_2, %dma_start3A] : memref<10240x128xf32, #tpu.memory_space<vmem_shared>> -> memref<640x128xf32, #tpu.memory_space<vmem_shared>>
      %dma_start3A_12 = arith.constant 0 : i32
      %dma_start3A_13 = tpu.memref_slice %arg5[%mul3A_2, %dma_start3A_12] : memref<10240x128xf32, #tpu.memory_space<hbm>> -> memref<640x128xf32, #tpu.memory_space<hbm>>
      tpu.enqueue_dma source(%dma_start3A_13 : memref<640x128xf32, #tpu.memory_space<hbm>>) target(%dma_start3A_11 : memref<640x128xf32, #tpu.memory_space<vmem_shared>>) target_semaphore(%run_scoped3A : memref<!tpu.dma_semaphore, #tpu.memory_space<semaphore_mem>>)
      %dma_wait3A = arith.constant 0 : i32
      %dma_wait3A_14 = tpu.memref_slice %arg10[%mul3A_2, %dma_wait3A] : memref<10240x128xf32, #tpu.memory_space<vmem_shared>> -> memref<640x128xf32, #tpu.memory_space<vmem_shared>>
      %dma_wait3A_15 = arith.constant 0 : i32
      %dma_wait3A_16 = tpu.memref_slice %arg5[%mul3A_2, %dma_wait3A_15] : memref<10240x128xf32, #tpu.memory_space<hbm>> -> memref<640x128xf32, #tpu.memory_space<hbm>>
      tpu.wait_dma2 semaphore(%run_scoped3A : memref<!tpu.dma_semaphore, #tpu.memory_space<semaphore_mem>>) src(%dma_wait3A_16 : memref<640x128xf32, #tpu.memory_space<hbm>>) dst(%dma_wait3A_14 : memref<640x128xf32, #tpu.memory_space<vmem_shared>>)
      tpu.yield
    }) : () -> ()
    %barrier3A = arith.constant 0 : index
    tpu.barrier barrier_id(%barrier3A)
    %mul3A_3 = arith.constant 10000 : i32
    %mul3A_4 = arith.muli %add3A, %mul3A_3 : i32
    %scan3A = arith.constant 0 : i32
    %scan3A_5 = arith.constant 0 : i32
    %scan3A_6 = arith.constant 125 : i32
    %scan3A_7 = arith.addi %scan3A_5, %scan3A_6 : i32
    %scan3A_8 = arith.constant 1 : i32
    scf.for %scan3A_11 = %scan3A_5 to %scan3A_7 step %scan3A_8  : i32 {
      %mul3A_12 = arith.constant 80 : i32
      %mul3A_13 = arith.muli %scan3A_11, %mul3A_12 : i32
      %add3A_14 = arith.addi %mul3A_4, %mul3A_13 : i32
      "tpu.region"() ({
        %run_scoped3A = tpu.sem_alloc : memref<!tpu.dma_semaphore, #tpu.memory_space<semaphore_mem>>
        %dma_start3A_19 = tpu.memref_slice %arg3[%add3A_14] : memref<320000xi32, #tpu.memory_space<hbm>> -> memref<80xi32, #tpu.memory_space<hbm>>
        %dma_start3A_20 = tpu.memref_slice %arg3[%add3A_14] : memref<320000xi32, #tpu.memory_space<hbm>> -> memref<80xi32, #tpu.memory_space<hbm>>
        tpu.enqueue_dma source(%dma_start3A_20 : memref<80xi32, #tpu.memory_space<hbm>>) target(%arg7 : memref<80xi32, #tpu.memory_space<vmem>>) target_semaphore(%run_scoped3A : memref<!tpu.dma_semaphore, #tpu.memory_space<semaphore_mem>>)
        %dma_wait3A_21 = tpu.memref_slice %arg3[%add3A_14] : memref<320000xi32, #tpu.memory_space<hbm>> -> memref<80xi32, #tpu.memory_space<hbm>>
        %dma_wait3A_22 = tpu.memref_slice %arg3[%add3A_14] : memref<320000xi32, #tpu.memory_space<hbm>> -> memref<80xi32, #tpu.memory_space<hbm>>
        tpu.wait_dma2 semaphore(%run_scoped3A : memref<!tpu.dma_semaphore, #tpu.memory_space<semaphore_mem>>) src(%dma_wait3A_22 : memref<80xi32, #tpu.memory_space<hbm>>) dst(%arg7 : memref<80xi32, #tpu.memory_space<vmem>>)
        tpu.yield
      }) : () -> ()
      "tpu.region"() ({
        %run_scoped3A = tpu.sem_alloc : memref<!tpu.dma_semaphore, #tpu.memory_space<semaphore_mem>>
        %dma_start3A_19 = tpu.memref_slice %arg4[%add3A_14] : memref<320000xi32, #tpu.memory_space<hbm>> -> memref<80xi32, #tpu.memory_space<hbm>>
        %dma_start3A_20 = tpu.memref_slice %arg4[%add3A_14] : memref<320000xi32, #tpu.memory_space<hbm>> -> memref<80xi32, #tpu.memory_space<hbm>>
        tpu.enqueue_dma source(%dma_start3A_20 : memref<80xi32, #tpu.memory_space<hbm>>) target(%arg8 : memref<80xi32, #tpu.memory_space<vmem>>) target_semaphore(%run_scoped3A : memref<!tpu.dma_semaphore, #tpu.memory_space<semaphore_mem>>)
        %dma_wait3A_21 = tpu.memref_slice %arg4[%add3A_14] : memref<320000xi32, #tpu.memory_space<hbm>> -> memref<80xi32, #tpu.memory_space<hbm>>
        %dma_wait3A_22 = tpu.memref_slice %arg4[%add3A_14] : memref<320000xi32, #tpu.memory_space<hbm>> -> memref<80xi32, #tpu.memory_space<hbm>>
        tpu.wait_dma2 semaphore(%run_scoped3A : memref<!tpu.dma_semaphore, #tpu.memory_space<semaphore_mem>>) src(%dma_wait3A_22 : memref<80xi32, #tpu.memory_space<hbm>>) dst(%arg8 : memref<80xi32, #tpu.memory_space<vmem>>)
        tpu.yield
      }) : () -> ()
      %dma_start3A = arith.constant 0 : i32
      %dma_start3A_15 = arith.constant 0 : i32
      %dma_start3A_16 = tpu.memref_slice %arg2[%dma_start3A, %dma_start3A_15] : memref<10000x128xf32, #tpu.memory_space<hbm>> -> memref<10000x128xf32, #tpu.memory_space<hbm>>
      tpu.enqueue_indirect_dma source(%dma_start3A_16 : memref<10000x128xf32, #tpu.memory_space<hbm>>) target(%arg9 : memref<80x128xf32, #tpu.memory_space<vmem>>) offsets(%arg7 : memref<80xi32, #tpu.memory_space<vmem>>) semaphore(%arg11 : memref<!tpu.dma_semaphore, #tpu.memory_space<semaphore_mem>>)
      %dma_wait3A = arith.constant 0 : i32
      %dma_wait3A_17 = arith.constant 0 : i32
      %dma_wait3A_18 = tpu.memref_slice %arg2[%dma_wait3A, %dma_wait3A_17] : memref<10000x128xf32, #tpu.memory_space<hbm>> -> memref<10000x128xf32, #tpu.memory_space<hbm>>
      tpu.wait_indirect_dma semaphore(%arg11 : memref<!tpu.dma_semaphore, #tpu.memory_space<semaphore_mem>>) src(%dma_wait3A_18 : memref<10000x128xf32, #tpu.memory_space<hbm>>) dst(%arg9 : memref<80x128xf32, #tpu.memory_space<vmem>>)
      "tpu.region"() ({
        %run_scoped3A = tpu.sem_alloc : memref<!tpu.dma_semaphore, #tpu.memory_space<semaphore_mem>>
        %dma_start3A_19 = arith.constant 0 : i32
        %dma_start3A_20 = arith.constant 0 : i32
        %dma_start3A_21 = tpu.memref_slice %arg10[%dma_start3A_19, %dma_start3A_20] : memref<10240x128xf32, #tpu.memory_space<vmem_shared>> -> memref<10240x128xf32, #tpu.memory_space<vmem_shared>>
        tpu.enqueue_indirect_dma source(%arg9 : memref<80x128xf32, #tpu.memory_space<vmem>>) target(%dma_start3A_21 : memref<10240x128xf32, #tpu.memory_space<vmem_shared>>) offsets(%arg8 : memref<80xi32, #tpu.memory_space<vmem>>) semaphore(%run_scoped3A : memref<!tpu.dma_semaphore, #tpu.memory_space<semaphore_mem>>) {add = true}
        %dma_wait3A_22 = arith.constant 0 : i32
        %dma_wait3A_23 = arith.constant 0 : i32
        %dma_wait3A_24 = tpu.memref_slice %arg10[%dma_wait3A_22, %dma_wait3A_23] : memref<10240x128xf32, #tpu.memory_space<vmem_shared>> -> memref<10240x128xf32, #tpu.memory_space<vmem_shared>>
        tpu.wait_indirect_dma semaphore(%run_scoped3A : memref<!tpu.dma_semaphore, #tpu.memory_space<semaphore_mem>>) src(%arg9 : memref<80x128xf32, #tpu.memory_space<vmem>>) dst(%dma_wait3A_24 : memref<10240x128xf32, #tpu.memory_space<vmem_shared>>)
        tpu.yield
      }) : () -> ()
    }
    %scan3A_9 = arith.constant 125 : i32
    %barrier3A_10 = arith.constant 0 : index
    tpu.barrier barrier_id(%barrier3A_10)
    "tpu.region"() ({
      %run_scoped3A = tpu.sem_alloc : memref<!tpu.dma_semaphore, #tpu.memory_space<semaphore_mem>>
      %dma_start3A = arith.constant 0 : i32
      %dma_start3A_11 = tpu.memref_slice %arg6[%arg0, %mul3A_2, %dma_start3A] : memref<2x10240x128xf32, #tpu.memory_space<hbm>> -> memref<1x640x128xf32, #tpu.memory_space<hbm>>
      %dma_start3A_12 = tpu.memref_squeeze %dma_start3A_11 : memref<1x640x128xf32, #tpu.memory_space<hbm>> -> memref<640x128xf32, #tpu.memory_space<hbm>>
      %dma_start3A_13 = arith.constant 0 : i32
      %dma_start3A_14 = tpu.memref_slice %arg10[%mul3A_2, %dma_start3A_13] : memref<10240x128xf32, #tpu.memory_space<vmem_shared>> -> memref<640x128xf32, #tpu.memory_space<vmem_shared>>
      tpu.enqueue_dma source(%dma_start3A_14 : memref<640x128xf32, #tpu.memory_space<vmem_shared>>) target(%dma_start3A_12 : memref<640x128xf32, #tpu.memory_space<hbm>>) target_semaphore(%run_scoped3A : memref<!tpu.dma_semaphore, #tpu.memory_space<semaphore_mem>>)
      %dma_wait3A = arith.constant 0 : i32
      %dma_wait3A_15 = tpu.memref_slice %arg6[%arg0, %mul3A_2, %dma_wait3A] : memref<2x10240x128xf32, #tpu.memory_space<hbm>> -> memref<1x640x128xf32, #tpu.memory_space<hbm>>
      %dma_wait3A_16 = tpu.memref_squeeze %dma_wait3A_15 : memref<1x640x128xf32, #tpu.memory_space<hbm>> -> memref<640x128xf32, #tpu.memory_space<hbm>>
      %dma_wait3A_17 = arith.constant 0 : i32
      %dma_wait3A_18 = tpu.memref_slice %arg10[%mul3A_2, %dma_wait3A_17] : memref<10240x128xf32, #tpu.memory_space<vmem_shared>> -> memref<640x128xf32, #tpu.memory_space<vmem_shared>>
      tpu.wait_dma2 semaphore(%run_scoped3A : memref<!tpu.dma_semaphore, #tpu.memory_space<semaphore_mem>>) src(%dma_wait3A_18 : memref<640x128xf32, #tpu.memory_space<vmem_shared>>) dst(%dma_wait3A_16 : memref<640x128xf32, #tpu.memory_space<hbm>>)
      tpu.yield
    }) : () -> ()
    return
  }
}

#map = affine_map<(d0, d1) -> (0, 0)>
#map1 = affine_map<(d0, d1) -> (0)>
#map2 = affine_map<(d0, d1) -> (0, 0, 0)>
module attributes {stable_mosaic.version = 14 : i64} {
  func.func @k(%arg0: i32, %arg1: i32, %arg2: memref<10000x128xf32, #tpu.memory_space<hbm>>, %arg3: memref<320000xi32, #tpu.memory_space<hbm>>, %arg4: memref<320000xi32, #tpu.memory_space<hbm>>, %arg5: memref<10240x128xf32, #tpu.memory_space<hbm>>, %arg6: memref<2x10240x128xf32, #tpu.memory_space<hbm>>, %arg7: memref<80xi32, #tpu.memory_space<vmem>>, %arg8: memref<80xi32, #tpu.memory_space<vmem>>, %arg9: memref<80x128xf32, #tpu.memory_space<vmem>>, %arg10: memref<10240x128xf32, #tpu.memory_space<vmem_shared>>, %arg11: memref<!tpu.dma_semaphore, #tpu.memory_space<semaphore_mem>>) attributes {dimension_semantics = [#tpu.dimension_semantics<core_parallel>, #tpu.dimension_semantics<subcore_parallel>], iteration_bounds = array<i64: 2, 16>, scalar_prefetch = 0 : i64, scratch_operands = 5 : i64, tpu.core_type = #tpu.core_type<sc_vector_subcore>, window_params = [{transform_indices = #map}, {transform_indices = #map1}, {transform_indices = #map1}, {transform_indices = #map}, {transform_indices = #map2}]} {
    %mul3A = arith.constant 2 : i32
    %mul3A_0 = arith.muli %arg1, %mul3A : i32
    %add3A = arith.addi %mul3A_0, %arg0 : i32
    %mul3A_1 = arith.constant 640 : i32
    %mul3A_2 = arith.muli %arg1, %mul3A_1 : i32
    "tpu.region"() ({
      %run_scoped3A = tpu.sem_alloc : memref<!tpu.dma_semaphore, #tpu.memory_space<semaphore_mem>>
      %dma_start3A = arith.constant 0 : i32
      %dma_start3A_11 = tpu.memref_slice %arg10[%mul3A_2, %dma_start3A] : memref<10240x128xf32, #tpu.memory_space<vmem_shared>> -> memref<640x128xf32, #tpu.memory_space<vmem_shared>>
      %dma_start3A_12 = arith.constant 0 : i32
      %dma_start3A_13 = tpu.memref_slice %arg5[%mul3A_2, %dma_start3A_12] : memref<10240x128xf32, #tpu.memory_space<hbm>> -> memref<640x128xf32, #tpu.memory_space<hbm>>
      tpu.enqueue_dma source(%dma_start3A_13 : memref<640x128xf32, #tpu.memory_space<hbm>>) target(%dma_start3A_11 : memref<640x128xf32, #tpu.memory_space<vmem_shared>>) target_semaphore(%run_scoped3A : memref<!tpu.dma_semaphore, #tpu.memory_space<semaphore_mem>>)
      %dma_wait3A = arith.constant 0 : i32
      %dma_wait3A_14 = tpu.memref_slice %arg10[%mul3A_2, %dma_wait3A] : memref<10240x128xf32, #tpu.memory_space<vmem_shared>> -> memref<640x128xf32, #tpu.memory_space<vmem_shared>>
      %dma_wait3A_15 = arith.constant 0 : i32
      %dma_wait3A_16 = tpu.memref_slice %arg5[%mul3A_2, %dma_wait3A_15] : memref<10240x128xf32, #tpu.memory_space<hbm>> -> memref<640x128xf32, #tpu.memory_space<hbm>>
      tpu.wait_dma2 semaphore(%run_scoped3A : memref<!tpu.dma_semaphore, #tpu.memory_space<semaphore_mem>>) src(%dma_wait3A_16 : memref<640x128xf32, #tpu.memory_space<hbm>>) dst(%dma_wait3A_14 : memref<640x128xf32, #tpu.memory_space<vmem_shared>>)
      tpu.yield
    }) : () -> ()
    %barrier3A = arith.constant 0 : index
    tpu.barrier barrier_id(%barrier3A)
    %mul3A_3 = arith.constant 10000 : i32
    %mul3A_4 = arith.muli %add3A, %mul3A_3 : i32
    %scan3A = arith.constant 0 : i32
    %scan3A_5 = arith.constant 0 : i32
    %scan3A_6 = arith.constant 125 : i32
    %scan3A_7 = arith.addi %scan3A_5, %scan3A_6 : i32
    %scan3A_8 = arith.constant 1 : i32
    scf.for %scan3A_11 = %scan3A_5 to %scan3A_7 step %scan3A_8  : i32 {
      %mul3A_12 = arith.constant 80 : i32
      %mul3A_13 = arith.muli %scan3A_11, %mul3A_12 : i32
      %add3A_14 = arith.addi %mul3A_4, %mul3A_13 : i32
      "tpu.region"() ({
        %run_scoped3A = tpu.sem_alloc : memref<!tpu.dma_semaphore, #tpu.memory_space<semaphore_mem>>
        %dma_start3A_19 = tpu.memref_slice %arg3[%add3A_14] : memref<320000xi32, #tpu.memory_space<hbm>> -> memref<80xi32, #tpu.memory_space<hbm>>
        %dma_start3A_20 = tpu.memref_slice %arg3[%add3A_14] : memref<320000xi32, #tpu.memory_space<hbm>> -> memref<80xi32, #tpu.memory_space<hbm>>
        tpu.enqueue_dma source(%dma_start3A_20 : memref<80xi32, #tpu.memory_space<hbm>>) target(%arg7 : memref<80xi32, #tpu.memory_space<vmem>>) target_semaphore(%run_scoped3A : memref<!tpu.dma_semaphore, #tpu.memory_space<semaphore_mem>>)
        %dma_wait3A_21 = tpu.memref_slice %arg3[%add3A_14] : memref<320000xi32, #tpu.memory_space<hbm>> -> memref<80xi32, #tpu.memory_space<hbm>>
        %dma_wait3A_22 = tpu.memref_slice %arg3[%add3A_14] : memref<320000xi32, #tpu.memory_space<hbm>> -> memref<80xi32, #tpu.memory_space<hbm>>
        tpu.wait_dma2 semaphore(%run_scoped3A : memref<!tpu.dma_semaphore, #tpu.memory_space<semaphore_mem>>) src(%dma_wait3A_22 : memref<80xi32, #tpu.memory_space<hbm>>) dst(%arg7 : memref<80xi32, #tpu.memory_space<vmem>>)
        tpu.yield
      }) : () -> ()
      "tpu.region"() ({
        %run_scoped3A = tpu.sem_alloc : memref<!tpu.dma_semaphore, #tpu.memory_space<semaphore_mem>>
        %dma_start3A_19 = tpu.memref_slice %arg4[%add3A_14] : memref<320000xi32, #tpu.memory_space<hbm>> -> memref<80xi32, #tpu.memory_space<hbm>>
        %dma_start3A_20 = tpu.memref_slice %arg4[%add3A_14] : memref<320000xi32, #tpu.memory_space<hbm>> -> memref<80xi32, #tpu.memory_space<hbm>>
        tpu.enqueue_dma source(%dma_start3A_20 : memref<80xi32, #tpu.memory_space<hbm>>) target(%arg8 : memref<80xi32, #tpu.memory_space<vmem>>) target_semaphore(%run_scoped3A : memref<!tpu.dma_semaphore, #tpu.memory_space<semaphore_mem>>)
        %dma_wait3A_21 = tpu.memref_slice %arg4[%add3A_14] : memref<320000xi32, #tpu.memory_space<hbm>> -> memref<80xi32, #tpu.memory_space<hbm>>
        %dma_wait3A_22 = tpu.memref_slice %arg4[%add3A_14] : memref<320000xi32, #tpu.memory_space<hbm>> -> memref<80xi32, #tpu.memory_space<hbm>>
        tpu.wait_dma2 semaphore(%run_scoped3A : memref<!tpu.dma_semaphore, #tpu.memory_space<semaphore_mem>>) src(%dma_wait3A_22 : memref<80xi32, #tpu.memory_space<hbm>>) dst(%arg8 : memref<80xi32, #tpu.memory_space<vmem>>)
        tpu.yield
      }) : () -> ()
      %dma_start3A = arith.constant 0 : i32
      %dma_start3A_15 = arith.constant 0 : i32
      %dma_start3A_16 = tpu.memref_slice %arg2[%dma_start3A, %dma_start3A_15] : memref<10000x128xf32, #tpu.memory_space<hbm>> -> memref<10000x128xf32, #tpu.memory_space<hbm>>
      tpu.enqueue_indirect_dma source(%dma_start3A_16 : memref<10000x128xf32, #tpu.memory_space<hbm>>) target(%arg9 : memref<80x128xf32, #tpu.memory_space<vmem>>) offsets(%arg7 : memref<80xi32, #tpu.memory_space<vmem>>) semaphore(%arg11 : memref<!tpu.dma_semaphore, #tpu.memory_space<semaphore_mem>>)
      %dma_wait3A = arith.constant 0 : i32
      %dma_wait3A_17 = arith.constant 0 : i32
      %dma_wait3A_18 = tpu.memref_slice %arg2[%dma_wait3A, %dma_wait3A_17] : memref<10000x128xf32, #tpu.memory_space<hbm>> -> memref<10000x128xf32, #tpu.memory_space<hbm>>
      tpu.wait_indirect_dma semaphore(%arg11 : memref<!tpu.dma_semaphore, #tpu.memory_space<semaphore_mem>>) src(%dma_wait3A_18 : memref<10000x128xf32, #tpu.memory_space<hbm>>) dst(%arg9 : memref<80x128xf32, #tpu.memory_space<vmem>>)
      "tpu.region"() ({
        %run_scoped3A = tpu.sem_alloc : memref<!tpu.dma_semaphore, #tpu.memory_space<semaphore_mem>>
        %dma_start3A_19 = arith.constant 0 : i32
        %dma_start3A_20 = arith.constant 0 : i32
        %dma_start3A_21 = tpu.memref_slice %arg10[%dma_start3A_19, %dma_start3A_20] : memref<10240x128xf32, #tpu.memory_space<vmem_shared>> -> memref<10240x128xf32, #tpu.memory_space<vmem_shared>>
        tpu.enqueue_indirect_dma source(%arg9 : memref<80x128xf32, #tpu.memory_space<vmem>>) target(%dma_start3A_21 : memref<10240x128xf32, #tpu.memory_space<vmem_shared>>) offsets(%arg8 : memref<80xi32, #tpu.memory_space<vmem>>) semaphore(%run_scoped3A : memref<!tpu.dma_semaphore, #tpu.memory_space<semaphore_mem>>) {add = true}
        %dma_wait3A_22 = arith.constant 0 : i32
        %dma_wait3A_23 = arith.constant 0 : i32
        %dma_wait3A_24 = tpu.memref_slice %arg10[%dma_wait3A_22, %dma_wait3A_23] : memref<10240x128xf32, #tpu.memory_space<vmem_shared>> -> memref<10240x128xf32, #tpu.memory_space<vmem_shared>>
        tpu.wait_indirect_dma semaphore(%run_scoped3A : memref<!tpu.dma_semaphore, #tpu.memory_space<semaphore_mem>>) src(%arg9 : memref<80x128xf32, #tpu.memory_space<vmem>>) dst(%dma_wait3A_24 : memref<10240x128xf32, #tpu.memory_space<vmem_shared>>)
        tpu.yield
      }) : () -> ()
    }
    %scan3A_9 = arith.constant 125 : i32
    %barrier3A_10 = arith.constant 0 : index
    tpu.barrier barrier_id(%barrier3A_10)
    "tpu.region"() ({
      %run_scoped3A = tpu.sem_alloc : memref<!tpu.dma_semaphore, #tpu.memory_space<semaphore_mem>>
      %dma_start3A = arith.constant 0 : i32
      %dma_start3A_11 = tpu.memref_slice %arg6[%arg0, %mul3A_2, %dma_start3A] : memref<2x10240x128xf32, #tpu.memory_space<hbm>> -> memref<1x640x128xf32, #tpu.memory_space<hbm>>
      %dma_start3A_12 = tpu.memref_squeeze %dma_start3A_11 : memref<1x640x128xf32, #tpu.memory_space<hbm>> -> memref<640x128xf32, #tpu.memory_space<hbm>>
      %dma_start3A_13 = arith.constant 0 : i32
      %dma_start3A_14 = tpu.memref_slice %arg10[%mul3A_2, %dma_start3A_13] : memref<10240x128xf32, #tpu.memory_space<vmem_shared>> -> memref<640x128xf32, #tpu.memory_space<vmem_shared>>
      tpu.enqueue_dma source(%dma_start3A_14 : memref<640x128xf32, #tpu.memory_space<vmem_shared>>) target(%dma_start3A_12 : memref<640x128xf32, #tpu.memory_space<hbm>>) target_semaphore(%run_scoped3A : memref<!tpu.dma_semaphore, #tpu.memory_space<semaphore_mem>>)
      %dma_wait3A = arith.constant 0 : i32
      %dma_wait3A_15 = tpu.memref_slice %arg6[%arg0, %mul3A_2, %dma_wait3A] : memref<2x10240x128xf32, #tpu.memory_space<hbm>> -> memref<1x640x128xf32, #tpu.memory_space<hbm>>
      %dma_wait3A_16 = tpu.memref_squeeze %dma_wait3A_15 : memref<1x640x128xf32, #tpu.memory_space<hbm>> -> memref<640x128xf32, #tpu.memory_space<hbm>>
      %dma_wait3A_17 = arith.constant 0 : i32
      %dma_wait3A_18 = tpu.memref_slice %arg10[%mul3A_2, %dma_wait3A_17] : memref<10240x128xf32, #tpu.memory_space<vmem_shared>> -> memref<640x128xf32, #tpu.memory_space<vmem_shared>>
      tpu.wait_dma2 semaphore(%run_scoped3A : memref<!tpu.dma_semaphore, #tpu.memory_space<semaphore_mem>>) src(%dma_wait3A_18 : memref<640x128xf32, #tpu.memory_space<vmem_shared>>) dst(%dma_wait3A_16 : memref<640x128xf32, #tpu.memory_space<hbm>>)
      tpu.yield
    }) : () -> ()
    return
  }
}

module attributes {stable_mosaic.version = 14 : i64} {
  func.func @body(%arg0: i32, %arg1: memref<1000x128xf32, #tpu.memory_space<vmem>>, %arg2: memref<128x768xf32, #tpu.memory_space<vmem>>, %arg3: memref<1000x768xf32, #tpu.memory_space<vmem>>) attributes {dimension_semantics = [#tpu.dimension_semantics<arbitrary>], iteration_bounds = array<i64: 10>, scalar_prefetch = 0 : i64, scratch_operands = 0 : i64, tpu.core_type = #tpu.core_type<tc>, window_params = [{transform_indices = @transform_0, window_bounds = array<i64: 1000, 128>}, {pipeline_mode = #tpu.pipeline_mode<synchronous>, transform_indices = @transform_1, window_bounds = array<i64: 128, 768>}, {transform_indices = @transform_2, window_bounds = array<i64: 1000, 768>}]} {
    %get3A = arith.constant 0 : index
    %get3A_0 = arith.constant 0 : index
    %get3A_1 = vector.load %arg1[%get3A, %get3A_0] : memref<1000x128xf32, #tpu.memory_space<vmem>>, vector<1000x128xf32>
    %get3A_2 = arith.constant 0 : index
    %get3A_3 = arith.constant 0 : index
    %get3A_4 = vector.load %arg2[%get3A_2, %get3A_3] : memref<128x768xf32, #tpu.memory_space<vmem>>, vector<128x768xf32>
    %dot_general3A = arith.constant dense<0.000000e+00> : vector<1000x768xf32>
    %dot_general3A_5 = tpu.matmul %get3A_1, %get3A_4, %dot_general3A {dimension_numbers = #tpu.dot_dimension_numbers<[1], [0], [0], [1], [0, 0, 1, 1], [], []>, transpose_lhs_hint = false} : vector<1000x128xf32>, vector<128x768xf32>, vector<1000x768xf32> -> vector<1000x768xf32>
    %swap3A = arith.constant 0 : index
    %swap3A_6 = arith.constant 0 : index
    %swap3A_7 = vector.load %arg3[%swap3A, %swap3A_6] : memref<1000x768xf32, #tpu.memory_space<vmem>>, vector<1000x768xf32>
    tpu.vector_store %arg3[%swap3A, %swap3A_6], %dot_general3A_5 {strides = array<i32>} : memref<1000x768xf32, #tpu.memory_space<vmem>>, vector<1000x768xf32>,
    return
  }
  func.func @transform_0(%arg0: i32) -> (i32, i32) {
    %c0_i32 = arith.constant 0 : i32
    %c0_i32_0 = arith.constant 0 : i32
    return %arg0, %c0_i32 : i32, i32
  }
  func.func @transform_1(%arg0: i32) -> (i32, i32) {
    %c0_i32 = arith.constant 0 : i32
    %c0_i32_0 = arith.constant 0 : i32
    %c0_i32_1 = arith.constant 0 : i32
    return %c0_i32, %c0_i32_0 : i32, i32
  }
  func.func @transform_2(%arg0: i32) -> (i32, i32) {
    %c0_i32 = arith.constant 0 : i32
    %c0_i32_0 = arith.constant 0 : i32
    return %arg0, %c0_i32 : i32, i32
  }
}

module attributes {stable_mosaic.version = 14 : i64} {
  func.func @body(%arg0: i32, %arg1: memref<2x1000x128xf32, #tpu.memory_space<vmem>>, %arg2: memref<1x128xf32, #tpu.memory_space<vmem>>, %arg3: memref<1000x128xf32, #tpu.memory_space<vmem>>, %arg4: memref<1x128xf32, #tpu.memory_space<vmem>>, %arg5: memref<1x128xf32, #tpu.memory_space<vmem>>, %arg6: memref<2x128xf32, #tpu.memory_space<vmem>>) attributes {dimension_semantics = [#tpu.dimension_semantics<arbitrary>], iteration_bounds = array<i64: 10>, scalar_prefetch = 0 : i64, scratch_operands = 1 : i64, tpu.core_type = #tpu.core_type<tc>, window_params = [{transform_indices = @transform_0, window_bounds = array<i64: 2, 1000, 128>}, {pipeline_mode = #tpu.pipeline_mode<synchronous>, transform_indices = @transform_1, window_bounds = array<i64: 1, 128>}, {transform_indices = @transform_2, window_bounds = array<i64: 1000, 128>}, {pipeline_mode = #tpu.pipeline_mode<synchronous>, transform_indices = @transform_3, window_bounds = array<i64: 1, 128>}, {pipeline_mode = #tpu.pipeline_mode<synchronous>, transform_indices = @transform_4, window_bounds = array<i64: 1, 128>}]} {
    %get3A = arith.constant 0 : index
    %get3A_0 = arith.constant 0 : index
    %get3A_1 = arith.constant 0 : index
    %get3A_2 = vector.load %arg1[%get3A, %get3A_0, %get3A_1] : memref<2x1000x128xf32, #tpu.memory_space<vmem>>, vector<1x1000x128xf32>
    %get3A_3 = vector.shape_cast %get3A_2 : vector<1x1000x128xf32> to vector<1000x128xf32>
    %get3A_4 = arith.constant 1 : index
    %get3A_5 = arith.constant 0 : index
    %get3A_6 = arith.constant 0 : index
    %get3A_7 = vector.load %arg1[%get3A_4, %get3A_5, %get3A_6] : memref<2x1000x128xf32, #tpu.memory_space<vmem>>, vector<1x1000x128xf32>
    %get3A_8 = vector.shape_cast %get3A_7 : vector<1x1000x128xf32> to vector<1000x128xf32>
    %add3A = arith.addf %get3A_3, %get3A_8 : vector<1000x128xf32>
    %get3A_9 = arith.constant 0 : index
    %get3A_10 = arith.constant 0 : index
    %get3A_11 = vector.load %arg2[%get3A_9, %get3A_10] : memref<1x128xf32, #tpu.memory_space<vmem>>, vector<1x128xf32>
    %add3A_12 = vector.broadcast %get3A_11 : vector<1x128xf32> to vector<1000x128xf32>
    %add3A_13 = arith.addf %add3A, %add3A_12 : vector<1000x128xf32>
    %swap3A = arith.constant 0 : index
    %swap3A_14 = arith.constant 0 : index
    %swap3A_15 = vector.load %arg3[%swap3A, %swap3A_14] : memref<1000x128xf32, #tpu.memory_space<vmem>>, vector<1000x128xf32>
    tpu.vector_store %arg3[%swap3A, %swap3A_14], %add3A_13 {strides = array<i32>} : memref<1000x128xf32, #tpu.memory_space<vmem>>, vector<1000x128xf32>,
    %eq3A = arith.constant 0 : i32
    %eq3A_16 = arith.cmpi eq, %arg0, %eq3A : i32
    %convert_element_type3A = arith.extui %eq3A_16 : i1 to i32
    %cond3A = arith.constant 0 : i32
    %cond3A_17 = arith.cmpi ne, %convert_element_type3A, %cond3A : i32
    scf.if %cond3A_17 {
      %broadcast_in_dim3A_34 = arith.constant 0.000000e+00 : f32
      %broadcast_in_dim3A_35 = vector.broadcast %broadcast_in_dim3A_34 : f32 to vector<2x128xf32>
      %swap3A_36 = arith.constant 0 : index
      %swap3A_37 = arith.constant 0 : index
      %swap3A_38 = vector.load %arg6[%swap3A_36, %swap3A_37] : memref<2x128xf32, #tpu.memory_space<vmem>>, vector<2x128xf32>
      tpu.vector_store %arg6[%swap3A_36, %swap3A_37], %broadcast_in_dim3A_35 {strides = array<i32>} : memref<2x128xf32, #tpu.memory_space<vmem>>, vector<2x128xf32>,
    } else {
    }
    %get3A_18 = arith.constant 0 : index
    %get3A_19 = arith.constant 0 : index
    %get3A_20 = vector.load %arg6[%get3A_18, %get3A_19] : memref<2x128xf32, #tpu.memory_space<vmem>>, vector<2x128xf32>
    %reduce_sum3A = arith.constant dense<0.000000e+00> : vector<128xf32>
    %reduce_sum3A_21 = vector.multi_reduction <add>, %add3A_13, %reduce_sum3A [0] : vector<1000x128xf32> to vector<128xf32>
    %broadcast_in_dim3A = vector.shape_cast %reduce_sum3A_21 : vector<128xf32> to vector<1x128xf32>
    %mul3A = arith.mulf %add3A_13, %add3A_13 : vector<1000x128xf32>
    %reduce_sum3A_22 = arith.constant dense<0.000000e+00> : vector<128xf32>
    %reduce_sum3A_23 = vector.multi_reduction <add>, %mul3A, %reduce_sum3A_22 [0] : vector<1000x128xf32> to vector<128xf32>
    %broadcast_in_dim3A_24 = vector.shape_cast %reduce_sum3A_23 : vector<128xf32> to vector<1x128xf32>
    %concatenate3A = tpu.concatenate %broadcast_in_dim3A, %broadcast_in_dim3A_24 in 0 : vector<1x128xf32>, vector<1x128xf32> -> vector<2x128xf32>
    %add3A_25 = arith.addf %get3A_20, %concatenate3A : vector<2x128xf32>
    %swap3A_26 = arith.constant 0 : index
    %swap3A_27 = arith.constant 0 : index
    %swap3A_28 = vector.load %arg6[%swap3A_26, %swap3A_27] : memref<2x128xf32, #tpu.memory_space<vmem>>, vector<2x128xf32>
    tpu.vector_store %arg6[%swap3A_26, %swap3A_27], %add3A_25 {strides = array<i32>} : memref<2x128xf32, #tpu.memory_space<vmem>>, vector<2x128xf32>,
    %eq3A_29 = arith.constant 9 : i32
    %eq3A_30 = arith.cmpi eq, %arg0, %eq3A_29 : i32
    %convert_element_type3A_31 = arith.extui %eq3A_30 : i1 to i32
    %cond3A_32 = arith.constant 0 : i32
    %cond3A_33 = arith.cmpi ne, %convert_element_type3A_31, %cond3A_32 : i32
    scf.if %cond3A_33 {
      %get3A_34 = arith.constant 0 : index
      %get3A_35 = arith.constant 0 : index
      %get3A_36 = vector.load %arg6[%get3A_34, %get3A_35] : memref<2x128xf32, #tpu.memory_space<vmem>>, vector<2x128xf32>
      %slice3A = vector.extract_strided_slice %get3A_36 {offsets = [0, 0], sizes = [1, 128], strides = [1, 1]} : vector<2x128xf32> to vector<1x128xf32>
      %div3A = arith.constant 1.000000e+04 : f32
      %div3A_37 = vector.broadcast %div3A : f32 to vector<1x128xf32>
      %div3A_38 = arith.divf %slice3A, %div3A_37 : vector<1x128xf32>
      %slice3A_39 = vector.extract_strided_slice %get3A_36 {offsets = [1, 0], sizes = [1, 128], strides = [1, 1]} : vector<2x128xf32> to vector<1x128xf32>
      %mul3A_40 = arith.constant 1.000000e+04 : f32
      %mul3A_41 = vector.broadcast %mul3A_40 : f32 to vector<1x128xf32>
      %mul3A_42 = arith.mulf %mul3A_41, %div3A_38 : vector<1x128xf32>
      %mul3A_43 = arith.mulf %mul3A_42, %div3A_38 : vector<1x128xf32>
      %sub3A = arith.subf %slice3A_39, %mul3A_43 : vector<1x128xf32>
      %iota3A = tpu.iota {dimensions = array<i32: 1>} : vector<1x128xi32>
      %lt3A = arith.constant 64 : i32
      %lt3A_44 = vector.broadcast %lt3A : i32 to vector<1x128xi32>
      %lt3A_45 = arith.cmpi slt, %iota3A, %lt3A_44 : vector<1x128xi32>
      %jit3A = arith.constant 0.000000e+00 : f32
      %broadcast_in_dim3A_46 = vector.broadcast %jit3A : f32 to vector<1x128xf32>
      %select_n3A = arith.select %lt3A_45, %sub3A, %broadcast_in_dim3A_46 : vector<1x128xi1>, vector<1x128xf32>
      %reduce_sum3A_47 = vector.shape_cast %select_n3A : vector<1x128xf32> to vector<1x1x128xf32>
      %reduce_sum3A_48 = arith.constant dense<0.000000e+00> : vector<1xf32>
      %reduce_sum3A_49 = vector.multi_reduction <add>, %reduce_sum3A_47, %reduce_sum3A_48 [1, 2] : vector<1x1x128xf32> to vector<1xf32>
      %reduce_sum3A_50 = vector.shape_cast %reduce_sum3A_49 : vector<1xf32> to vector<1x1x1xf32>
      %reduce_sum3A_51 = vector.extract %reduce_sum3A_50[0, 0, 0] : f32 from vector<1x1x1xf32>
      %jit3A_52 = arith.constant 0.000000e+00 : f32
      %broadcast_in_dim3A_53 = vector.broadcast %jit3A_52 : f32 to vector<1x128xf32>
      %select_n3A_54 = arith.select %lt3A_45, %broadcast_in_dim3A_53, %sub3A : vector<1x128xi1>, vector<1x128xf32>
      %reduce_sum3A_55 = vector.shape_cast %select_n3A_54 : vector<1x128xf32> to vector<1x1x128xf32>
      %reduce_sum3A_56 = arith.constant dense<0.000000e+00> : vector<1xf32>
      %reduce_sum3A_57 = vector.multi_reduction <add>, %reduce_sum3A_55, %reduce_sum3A_56 [1, 2] : vector<1x1x128xf32> to vector<1xf32>
      %reduce_sum3A_58 = vector.shape_cast %reduce_sum3A_57 : vector<1xf32> to vector<1x1x1xf32>
      %reduce_sum3A_59 = vector.extract %reduce_sum3A_58[0, 0, 0] : f32 from vector<1x1x1xf32>
      %div3A_60 = arith.constant 1.000000e+04 : f32
      %div3A_61 = arith.divf %reduce_sum3A_51, %div3A_60 : f32
      %add3A_62 = arith.constant 9.99999997E-7 : f32
      %add3A_63 = arith.addf %add3A_62, %div3A_61 : f32
      %rsqrt3A = math.rsqrt %add3A_63 : f32
      %div3A_64 = arith.constant 1.000000e+04 : f32
      %div3A_65 = arith.divf %reduce_sum3A_59, %div3A_64 : f32
      %add3A_66 = arith.constant 9.99999997E-7 : f32
      %add3A_67 = arith.addf %add3A_66, %div3A_65 : f32
      %rsqrt3A_68 = math.rsqrt %add3A_67 : f32
      %swap3A_69 = arith.constant 0 : index
      %swap3A_70 = arith.constant 0 : index
      %swap3A_71 = vector.load %arg4[%swap3A_69, %swap3A_70] : memref<1x128xf32, #tpu.memory_space<vmem>>, vector<1x128xf32>
      tpu.vector_store %arg4[%swap3A_69, %swap3A_70], %div3A_38 {strides = array<i32>} : memref<1x128xf32, #tpu.memory_space<vmem>>, vector<1x128xf32>,
      %broadcast_in_dim3A_72 = vector.broadcast %rsqrt3A : f32 to vector<1x128xf32>
      %broadcast_in_dim3A_73 = vector.broadcast %rsqrt3A_68 : f32 to vector<1x128xf32>
      %select_n3A_74 = arith.select %lt3A_45, %broadcast_in_dim3A_72, %broadcast_in_dim3A_73 : vector<1x128xi1>, vector<1x128xf32>
      %swap3A_75 = arith.constant 0 : index
      %swap3A_76 = arith.constant 0 : index
      %swap3A_77 = vector.load %arg5[%swap3A_75, %swap3A_76] : memref<1x128xf32, #tpu.memory_space<vmem>>, vector<1x128xf32>
      tpu.vector_store %arg5[%swap3A_75, %swap3A_76], %select_n3A_74 {strides = array<i32>} : memref<1x128xf32, #tpu.memory_space<vmem>>, vector<1x128xf32>,
    } else {
    }
    return
  }
  func.func @transform_0(%arg0: i32) -> (i32, i32, i32) {
    %c0_i32 = arith.constant 0 : i32
    %c0_i32_0 = arith.constant 0 : i32
    %c0_i32_1 = arith.constant 0 : i32
    return %c0_i32, %arg0, %c0_i32_0 : i32, i32, i32
  }
  func.func @transform_1(%arg0: i32) -> (i32, i32) {
    %c0_i32 = arith.constant 0 : i32
    %c0_i32_0 = arith.constant 0 : i32
    %c0_i32_1 = arith.constant 0 : i32
    return %c0_i32, %c0_i32_0 : i32, i32
  }
  func.func @transform_2(%arg0: i32) -> (i32, i32) {
    %c0_i32 = arith.constant 0 : i32
    %c0_i32_0 = arith.constant 0 : i32
    return %arg0, %c0_i32 : i32, i32
  }
  func.func @transform_3(%arg0: i32) -> (i32, i32) {
    %c0_i32 = arith.constant 0 : i32
    %c0_i32_0 = arith.constant 0 : i32
    %c0_i32_1 = arith.constant 0 : i32
    return %c0_i32, %c0_i32_0 : i32, i32
  }
  func.func @transform_4(%arg0: i32) -> (i32, i32) {
    %c0_i32 = arith.constant 0 : i32
    %c0_i32_0 = arith.constant 0 : i32
    %c0_i32_1 = arith.constant 0 : i32
    return %c0_i32, %c0_i32_0 : i32, i32
  }
}

module attributes {stable_mosaic.version = 14 : i64} {
  func.func @body(%arg0: i32, %arg1: memref<1000x128xf32, #tpu.memory_space<vmem>>, %arg2: memref<1000x128xf32, #tpu.memory_space<vmem>>, %arg3: memref<1x128xf32, #tpu.memory_space<vmem>>, %arg4: memref<1x128xf32, #tpu.memory_space<vmem>>, %arg5: memref<128x128xf32, #tpu.memory_space<vmem>>, %arg6: memref<1000x128xf32, #tpu.memory_space<vmem>>, %arg7: memref<1000x128xf32, #tpu.memory_space<vmem>>) attributes {dimension_semantics = [#tpu.dimension_semantics<arbitrary>], iteration_bounds = array<i64: 10>, scalar_prefetch = 0 : i64, scratch_operands = 0 : i64, tpu.core_type = #tpu.core_type<tc>, window_params = [{transform_indices = @transform_0, window_bounds = array<i64: 1000, 128>}, {transform_indices = @transform_1, window_bounds = array<i64: 1000, 128>}, {pipeline_mode = #tpu.pipeline_mode<synchronous>, transform_indices = @transform_2, window_bounds = array<i64: 1, 128>}, {pipeline_mode = #tpu.pipeline_mode<synchronous>, transform_indices = @transform_3, window_bounds = array<i64: 1, 128>}, {pipeline_mode = #tpu.pipeline_mode<synchronous>, transform_indices = @transform_4, window_bounds = array<i64: 128, 128>}, {transform_indices = @transform_5, window_bounds = array<i64: 1000, 128>}, {transform_indices = @transform_6, window_bounds = array<i64: 1000, 128>}]} {
    %get3A = arith.constant 0 : index
    %get3A_0 = arith.constant 0 : index
    %get3A_1 = vector.load %arg2[%get3A, %get3A_0] : memref<1000x128xf32, #tpu.memory_space<vmem>>, vector<1000x128xf32>
    %get3A_2 = arith.constant 0 : index
    %get3A_3 = arith.constant 0 : index
    %get3A_4 = vector.load %arg3[%get3A_2, %get3A_3] : memref<1x128xf32, #tpu.memory_space<vmem>>, vector<1x128xf32>
    %sub3A = vector.broadcast %get3A_4 : vector<1x128xf32> to vector<1000x128xf32>
    %sub3A_5 = arith.subf %get3A_1, %sub3A : vector<1000x128xf32>
    %get3A_6 = arith.constant 0 : index
    %get3A_7 = arith.constant 0 : index
    %get3A_8 = vector.load %arg4[%get3A_6, %get3A_7] : memref<1x128xf32, #tpu.memory_space<vmem>>, vector<1x128xf32>
    %mul3A = vector.broadcast %get3A_8 : vector<1x128xf32> to vector<1000x128xf32>
    %mul3A_9 = arith.mulf %sub3A_5, %mul3A : vector<1000x128xf32>
    %tanh3A = math.tanh %mul3A_9 : vector<1000x128xf32>
    %swap3A = arith.constant 0 : index
    %swap3A_10 = arith.constant 0 : index
    %swap3A_11 = vector.load %arg7[%swap3A, %swap3A_10] : memref<1000x128xf32, #tpu.memory_space<vmem>>, vector<1000x128xf32>
    tpu.vector_store %arg7[%swap3A, %swap3A_10], %tanh3A {strides = array<i32>} : memref<1000x128xf32, #tpu.memory_space<vmem>>, vector<1000x128xf32>,
    %get3A_12 = arith.constant 0 : index
    %get3A_13 = arith.constant 0 : index
    %get3A_14 = vector.load %arg1[%get3A_12, %get3A_13] : memref<1000x128xf32, #tpu.memory_space<vmem>>, vector<1000x128xf32>
    %get3A_15 = arith.constant 0 : index
    %get3A_16 = arith.constant 0 : index
    %get3A_17 = vector.load %arg5[%get3A_15, %get3A_16] : memref<128x128xf32, #tpu.memory_space<vmem>>, vector<128x128xf32>
    %dot_general3A = arith.constant dense<0.000000e+00> : vector<1000x128xf32>
    %dot_general3A_18 = tpu.matmul %tanh3A, %get3A_17, %dot_general3A {dimension_numbers = #tpu.dot_dimension_numbers<[1], [0], [0], [1], [0, 0, 1, 1], [], []>, transpose_lhs_hint = false} : vector<1000x128xf32>, vector<128x128xf32>, vector<1000x128xf32> -> vector<1000x128xf32>
    %add3A = arith.addf %get3A_14, %dot_general3A_18 : vector<1000x128xf32>
    %swap3A_19 = arith.constant 0 : index
    %swap3A_20 = arith.constant 0 : index
    %swap3A_21 = vector.load %arg6[%swap3A_19, %swap3A_20] : memref<1000x128xf32, #tpu.memory_space<vmem>>, vector<1000x128xf32>
    tpu.vector_store %arg6[%swap3A_19, %swap3A_20], %add3A {strides = array<i32>} : memref<1000x128xf32, #tpu.memory_space<vmem>>, vector<1000x128xf32>,
    return
  }
  func.func @transform_0(%arg0: i32) -> (i32, i32) {
    %c0_i32 = arith.constant 0 : i32
    %c0_i32_0 = arith.constant 0 : i32
    return %arg0, %c0_i32 : i32, i32
  }
  func.func @transform_1(%arg0: i32) -> (i32, i32) {
    %c0_i32 = arith.constant 0 : i32
    %c0_i32_0 = arith.constant 0 : i32
    return %arg0, %c0_i32 : i32, i32
  }
  func.func @transform_2(%arg0: i32) -> (i32, i32) {
    %c0_i32 = arith.constant 0 : i32
    %c0_i32_0 = arith.constant 0 : i32
    %c0_i32_1 = arith.constant 0 : i32
    return %c0_i32, %c0_i32_0 : i32, i32
  }
  func.func @transform_3(%arg0: i32) -> (i32, i32) {
    %c0_i32 = arith.constant 0 : i32
    %c0_i32_0 = arith.constant 0 : i32
    %c0_i32_1 = arith.constant 0 : i32
    return %c0_i32, %c0_i32_0 : i32, i32
  }
  func.func @transform_4(%arg0: i32) -> (i32, i32) {
    %c0_i32 = arith.constant 0 : i32
    %c0_i32_0 = arith.constant 0 : i32
    %c0_i32_1 = arith.constant 0 : i32
    return %c0_i32, %c0_i32_0 : i32, i32
  }
  func.func @transform_5(%arg0: i32) -> (i32, i32) {
    %c0_i32 = arith.constant 0 : i32
    %c0_i32_0 = arith.constant 0 : i32
    return %arg0, %c0_i32 : i32, i32
  }
  func.func @transform_6(%arg0: i32) -> (i32, i32) {
    %c0_i32 = arith.constant 0 : i32
    %c0_i32_0 = arith.constant 0 : i32
    return %arg0, %c0_i32 : i32, i32
  }
}

module attributes {stable_mosaic.version = 14 : i64} {
  func.func @body(%arg0: i32, %arg1: memref<1000x128xf32, #tpu.memory_space<vmem>>, %arg2: memref<1000x128xf32, #tpu.memory_space<vmem>>, %arg3: memref<128x128xf32, #tpu.memory_space<vmem>>, %arg4: memref<1000x128xf32, #tpu.memory_space<vmem>>, %arg5: memref<1x128xf32, #tpu.memory_space<vmem>>, %arg6: memref<1x128xf32, #tpu.memory_space<vmem>>, %arg7: memref<128x128xf32, #tpu.memory_space<vmem>>, %arg8: memref<1000x128xf32, #tpu.memory_space<vmem>>) attributes {dimension_semantics = [#tpu.dimension_semantics<arbitrary>], iteration_bounds = array<i64: 10>, scalar_prefetch = 0 : i64, scratch_operands = 0 : i64, tpu.core_type = #tpu.core_type<tc>, window_params = [{transform_indices = @transform_0, window_bounds = array<i64: 1000, 128>}, {transform_indices = @transform_1, window_bounds = array<i64: 1000, 128>}, {pipeline_mode = #tpu.pipeline_mode<synchronous>, transform_indices = @transform_2, window_bounds = array<i64: 128, 128>}, {transform_indices = @transform_3, window_bounds = array<i64: 1000, 128>}, {pipeline_mode = #tpu.pipeline_mode<synchronous>, transform_indices = @transform_4, window_bounds = array<i64: 1, 128>}, {pipeline_mode = #tpu.pipeline_mode<synchronous>, transform_indices = @transform_5, window_bounds = array<i64: 1, 128>}, {pipeline_mode = #tpu.pipeline_mode<synchronous>, transform_indices = @transform_6, window_bounds = array<i64: 128, 128>}, {transform_indices = @transform_7, window_bounds = array<i64: 1000, 128>}]} {
    %get3A = arith.constant 0 : index
    %get3A_0 = arith.constant 0 : index
    %get3A_1 = vector.load %arg4[%get3A, %get3A_0] : memref<1000x128xf32, #tpu.memory_space<vmem>>, vector<1000x128xf32>
    %get3A_2 = arith.constant 0 : index
    %get3A_3 = arith.constant 0 : index
    %get3A_4 = vector.load %arg5[%get3A_2, %get3A_3] : memref<1x128xf32, #tpu.memory_space<vmem>>, vector<1x128xf32>
    %sub3A = vector.broadcast %get3A_4 : vector<1x128xf32> to vector<1000x128xf32>
    %sub3A_5 = arith.subf %get3A_1, %sub3A : vector<1000x128xf32>
    %get3A_6 = arith.constant 0 : index
    %get3A_7 = arith.constant 0 : index
    %get3A_8 = vector.load %arg6[%get3A_6, %get3A_7] : memref<1x128xf32, #tpu.memory_space<vmem>>, vector<1x128xf32>
    %mul3A = vector.broadcast %get3A_8 : vector<1x128xf32> to vector<1000x128xf32>
    %mul3A_9 = arith.mulf %sub3A_5, %mul3A : vector<1000x128xf32>
    %tanh3A = math.tanh %mul3A_9 : vector<1000x128xf32>
    %get3A_10 = arith.constant 0 : index
    %get3A_11 = arith.constant 0 : index
    %get3A_12 = vector.load %arg1[%get3A_10, %get3A_11] : memref<1000x128xf32, #tpu.memory_space<vmem>>, vector<1000x128xf32>
    %get3A_13 = arith.constant 0 : index
    %get3A_14 = arith.constant 0 : index
    %get3A_15 = vector.load %arg2[%get3A_13, %get3A_14] : memref<1000x128xf32, #tpu.memory_space<vmem>>, vector<1000x128xf32>
    %get3A_16 = arith.constant 0 : index
    %get3A_17 = arith.constant 0 : index
    %get3A_18 = vector.load %arg3[%get3A_16, %get3A_17] : memref<128x128xf32, #tpu.memory_space<vmem>>, vector<128x128xf32>
    %dot_general3A = arith.constant dense<0.000000e+00> : vector<1000x128xf32>
    %dot_general3A_19 = tpu.matmul %get3A_15, %get3A_18, %dot_general3A {dimension_numbers = #tpu.dot_dimension_numbers<[1], [0], [0], [1], [0, 0, 1, 1], [], []>, transpose_lhs_hint = false} : vector<1000x128xf32>, vector<128x128xf32>, vector<1000x128xf32> -> vector<1000x128xf32>
    %add3A = arith.addf %get3A_12, %dot_general3A_19 : vector<1000x128xf32>
    %get3A_20 = arith.constant 0 : index
    %get3A_21 = arith.constant 0 : index
    %get3A_22 = vector.load %arg7[%get3A_20, %get3A_21] : memref<128x128xf32, #tpu.memory_space<vmem>>, vector<128x128xf32>
    %dot_general3A_23 = arith.constant dense<0.000000e+00> : vector<1000x128xf32>
    %dot_general3A_24 = tpu.matmul %tanh3A, %get3A_22, %dot_general3A_23 {dimension_numbers = #tpu.dot_dimension_numbers<[1], [0], [0], [1], [0, 0, 1, 1], [], []>, transpose_lhs_hint = false} : vector<1000x128xf32>, vector<128x128xf32>, vector<1000x128xf32> -> vector<1000x128xf32>
    %add3A_25 = arith.addf %add3A, %dot_general3A_24 : vector<1000x128xf32>
    %swap3A = arith.constant 0 : index
    %swap3A_26 = arith.constant 0 : index
    %swap3A_27 = vector.load %arg8[%swap3A, %swap3A_26] : memref<1000x128xf32, #tpu.memory_space<vmem>>, vector<1000x128xf32>
    tpu.vector_store %arg8[%swap3A, %swap3A_26], %add3A_25 {strides = array<i32>} : memref<1000x128xf32, #tpu.memory_space<vmem>>, vector<1000x128xf32>,
    return
  }
  func.func @transform_0(%arg0: i32) -> (i32, i32) {
    %c0_i32 = arith.constant 0 : i32
    %c0_i32_0 = arith.constant 0 : i32
    return %arg0, %c0_i32 : i32, i32
  }
  func.func @transform_1(%arg0: i32) -> (i32, i32) {
    %c0_i32 = arith.constant 0 : i32
    %c0_i32_0 = arith.constant 0 : i32
    return %arg0, %c0_i32 : i32, i32
  }
  func.func @transform_2(%arg0: i32) -> (i32, i32) {
    %c0_i32 = arith.constant 0 : i32
    %c0_i32_0 = arith.constant 0 : i32
    %c0_i32_1 = arith.constant 0 : i32
    return %c0_i32, %c0_i32_0 : i32, i32
  }
  func.func @transform_3(%arg0: i32) -> (i32, i32) {
    %c0_i32 = arith.constant 0 : i32
    %c0_i32_0 = arith.constant 0 : i32
    return %arg0, %c0_i32 : i32, i32
  }
  func.func @transform_4(%arg0: i32) -> (i32, i32) {
    %c0_i32 = arith.constant 0 : i32
    %c0_i32_0 = arith.constant 0 : i32
    %c0_i32_1 = arith.constant 0 : i32
    return %c0_i32, %c0_i32_0 : i32, i32
  }
  func.func @transform_5(%arg0: i32) -> (i32, i32) {
    %c0_i32 = arith.constant 0 : i32
    %c0_i32_0 = arith.constant 0 : i32
    %c0_i32_1 = arith.constant 0 : i32
    return %c0_i32, %c0_i32_0 : i32, i32
  }
  func.func @transform_6(%arg0: i32) -> (i32, i32) {
    %c0_i32 = arith.constant 0 : i32
    %c0_i32_0 = arith.constant 0 : i32
    %c0_i32_1 = arith.constant 0 : i32
    return %c0_i32, %c0_i32_0 : i32, i32
  }
  func.func @transform_7(%arg0: i32) -> (i32, i32) {
    %c0_i32 = arith.constant 0 : i32
    %c0_i32_0 = arith.constant 0 : i32
    return %arg0, %c0_i32 : i32, i32
  }
}

module attributes {stable_mosaic.version = 14 : i64} {
  func.func @body(%arg0: i32, %arg1: memref<2x1000x128xf32, #tpu.memory_space<vmem>>, %arg2: memref<1x128xf32, #tpu.memory_space<vmem>>, %arg3: memref<1000x128xf32, #tpu.memory_space<vmem>>) attributes {dimension_semantics = [#tpu.dimension_semantics<arbitrary>], iteration_bounds = array<i64: 10>, scalar_prefetch = 0 : i64, scratch_operands = 0 : i64, tpu.core_type = #tpu.core_type<tc>, window_params = [{transform_indices = @transform_0, window_bounds = array<i64: 2, 1000, 128>}, {pipeline_mode = #tpu.pipeline_mode<synchronous>, transform_indices = @transform_1, window_bounds = array<i64: 1, 128>}, {transform_indices = @transform_2, window_bounds = array<i64: 1000, 128>}]} {
    %get3A = arith.constant 0 : index
    %get3A_0 = arith.constant 0 : index
    %get3A_1 = arith.constant 0 : index
    %get3A_2 = vector.load %arg1[%get3A, %get3A_0, %get3A_1] : memref<2x1000x128xf32, #tpu.memory_space<vmem>>, vector<1x1000x128xf32>
    %get3A_3 = vector.shape_cast %get3A_2 : vector<1x1000x128xf32> to vector<1000x128xf32>
    %get3A_4 = arith.constant 1 : index
    %get3A_5 = arith.constant 0 : index
    %get3A_6 = arith.constant 0 : index
    %get3A_7 = vector.load %arg1[%get3A_4, %get3A_5, %get3A_6] : memref<2x1000x128xf32, #tpu.memory_space<vmem>>, vector<1x1000x128xf32>
    %get3A_8 = vector.shape_cast %get3A_7 : vector<1x1000x128xf32> to vector<1000x128xf32>
    %add3A = arith.addf %get3A_3, %get3A_8 : vector<1000x128xf32>
    %get3A_9 = arith.constant 0 : index
    %get3A_10 = arith.constant 0 : index
    %get3A_11 = vector.load %arg2[%get3A_9, %get3A_10] : memref<1x128xf32, #tpu.memory_space<vmem>>, vector<1x128xf32>
    %add3A_12 = vector.broadcast %get3A_11 : vector<1x128xf32> to vector<1000x128xf32>
    %add3A_13 = arith.addf %add3A, %add3A_12 : vector<1000x128xf32>
    %iota3A = tpu.iota {dimensions = array<i32: 1>} : vector<1000x128xi32>
    %lt3A = arith.constant 64 : i32
    %lt3A_14 = vector.broadcast %lt3A : i32 to vector<1000x128xi32>
    %lt3A_15 = arith.cmpi slt, %iota3A, %lt3A_14 : vector<1000x128xi32>
    %mul3A = arith.mulf %add3A_13, %add3A_13 : vector<1000x128xf32>
    %jit3A = arith.constant 0.000000e+00 : f32
    %broadcast_in_dim3A = vector.broadcast %jit3A : f32 to vector<1000x128xf32>
    %select_n3A = arith.select %lt3A_15, %mul3A, %broadcast_in_dim3A : vector<1000x128xi1>, vector<1000x128xf32>
    %reduce_sum3A = arith.constant dense<0.000000e+00> : vector<1000xf32>
    %reduce_sum3A_16 = vector.multi_reduction <add>, %select_n3A, %reduce_sum3A [1] : vector<1000x128xf32> to vector<1000xf32>
    %broadcast_in_dim3A_17 = vector.shape_cast %reduce_sum3A_16 : vector<1000xf32> to vector<1000x1xf32>
    %sqrt3A = math.sqrt %broadcast_in_dim3A_17 : vector<1000x1xf32>
    %jit3A_18 = arith.constant 0.000000e+00 : f32
    %broadcast_in_dim3A_19 = vector.broadcast %jit3A_18 : f32 to vector<1000x128xf32>
    %select_n3A_20 = arith.select %lt3A_15, %broadcast_in_dim3A_19, %mul3A : vector<1000x128xi1>, vector<1000x128xf32>
    %reduce_sum3A_21 = arith.constant dense<0.000000e+00> : vector<1000xf32>
    %reduce_sum3A_22 = vector.multi_reduction <add>, %select_n3A_20, %reduce_sum3A_21 [1] : vector<1000x128xf32> to vector<1000xf32>
    %broadcast_in_dim3A_23 = vector.shape_cast %reduce_sum3A_22 : vector<1000xf32> to vector<1000x1xf32>
    %sqrt3A_24 = math.sqrt %broadcast_in_dim3A_23 : vector<1000x1xf32>
    %max3A = arith.constant 9.99999996E-13 : f32
    %max3A_25 = vector.broadcast %max3A : f32 to vector<1000x1xf32>
    %max3A_26 = arith.maximumf %sqrt3A, %max3A_25 : vector<1000x1xf32>
    %max3A_27 = arith.constant 9.99999996E-13 : f32
    %max3A_28 = vector.broadcast %max3A_27 : f32 to vector<1000x1xf32>
    %max3A_29 = arith.maximumf %sqrt3A_24, %max3A_28 : vector<1000x1xf32>
    %broadcast_in_dim3A_30 = vector.shape_cast %max3A_26 : vector<1000x1xf32> to vector<1000x1xf32>
    %broadcast_in_dim3A_31 = vector.broadcast %broadcast_in_dim3A_30 : vector<1000x1xf32> to vector<1000x128xf32>
    %broadcast_in_dim3A_32 = vector.shape_cast %max3A_29 : vector<1000x1xf32> to vector<1000x1xf32>
    %broadcast_in_dim3A_33 = vector.broadcast %broadcast_in_dim3A_32 : vector<1000x1xf32> to vector<1000x128xf32>
    %select_n3A_34 = arith.select %lt3A_15, %broadcast_in_dim3A_31, %broadcast_in_dim3A_33 : vector<1000x128xi1>, vector<1000x128xf32>
    %div3A = arith.divf %add3A_13, %select_n3A_34 : vector<1000x128xf32>
    %swap3A = arith.constant 0 : index
    %swap3A_35 = arith.constant 0 : index
    %swap3A_36 = vector.load %arg3[%swap3A, %swap3A_35] : memref<1000x128xf32, #tpu.memory_space<vmem>>, vector<1000x128xf32>
    tpu.vector_store %arg3[%swap3A, %swap3A_35], %div3A {strides = array<i32>} : memref<1000x128xf32, #tpu.memory_space<vmem>>, vector<1000x128xf32>,
    return
  }
  func.func @transform_0(%arg0: i32) -> (i32, i32, i32) {
    %c0_i32 = arith.constant 0 : i32
    %c0_i32_0 = arith.constant 0 : i32
    %c0_i32_1 = arith.constant 0 : i32
    return %c0_i32, %arg0, %c0_i32_0 : i32, i32, i32
  }
  func.func @transform_1(%arg0: i32) -> (i32, i32) {
    %c0_i32 = arith.constant 0 : i32
    %c0_i32_0 = arith.constant 0 : i32
    %c0_i32_1 = arith.constant 0 : i32
    return %c0_i32, %c0_i32_0 : i32, i32
  }
  func.func @transform_2(%arg0: i32) -> (i32, i32) {
    %c0_i32 = arith.constant 0 : i32
    %c0_i32_0 = arith.constant 0 : i32
    return %arg0, %c0_i32 : i32, i32
  }
}

module attributes {stable_mosaic.version = 14 : i64} {
  func.func @body(%arg0: i32, %arg1: memref<1000x128xf32, #tpu.memory_space<vmem>>, %arg2: memref<1000x128xf32, #tpu.memory_space<vmem>>, %arg3: memref<64x2xf32, #tpu.memory_space<vmem>>, %arg4: memref<1x2xf32, #tpu.memory_space<vmem>>, %arg5: memref<1x2xf32, #tpu.memory_space<vmem>>, %arg6: memref<64x16xf32, #tpu.memory_space<vmem>>, %arg7: memref<1x16xf32, #tpu.memory_space<vmem>>, %arg8: memref<1000x16xf32, #tpu.memory_space<vmem>>, %arg9: memref<1000x3xf32, #tpu.memory_space<vmem>>) attributes {dimension_semantics = [#tpu.dimension_semantics<arbitrary>], iteration_bounds = array<i64: 10>, scalar_prefetch = 0 : i64, scratch_operands = 0 : i64, tpu.core_type = #tpu.core_type<tc>, window_params = [{transform_indices = @transform_0, window_bounds = array<i64: 1000, 128>}, {transform_indices = @transform_1, window_bounds = array<i64: 1000, 128>}, {pipeline_mode = #tpu.pipeline_mode<synchronous>, transform_indices = @transform_2, window_bounds = array<i64: 64, 2>}, {pipeline_mode = #tpu.pipeline_mode<synchronous>, transform_indices = @transform_3, window_bounds = array<i64: 1, 2>}, {pipeline_mode = #tpu.pipeline_mode<synchronous>, transform_indices = @transform_4, window_bounds = array<i64: 1, 2>}, {pipeline_mode = #tpu.pipeline_mode<synchronous>, transform_indices = @transform_5, window_bounds = array<i64: 64, 16>}, {pipeline_mode = #tpu.pipeline_mode<synchronous>, transform_indices = @transform_6, window_bounds = array<i64: 1, 16>}, {transform_indices = @transform_7, window_bounds = array<i64: 1000, 16>}, {transform_indices = @transform_8, window_bounds = array<i64: 1000, 3>}]} {
    %get3A = arith.constant 0 : index
    %get3A_0 = arith.constant 0 : index
    %get3A_1 = vector.load %arg1[%get3A, %get3A_0] : memref<1000x128xf32, #tpu.memory_space<vmem>>, vector<1000x128xf32>
    %get3A_2 = arith.constant 0 : index
    %get3A_3 = arith.constant 0 : index
    %get3A_4 = vector.load %arg2[%get3A_2, %get3A_3] : memref<1000x128xf32, #tpu.memory_space<vmem>>, vector<1000x128xf32>
    %slice3A = vector.extract_strided_slice %get3A_1 {offsets = [0, 0], sizes = [1000, 64], strides = [1, 1]} : vector<1000x128xf32> to vector<1000x64xf32>
    %slice3A_5 = vector.extract_strided_slice %get3A_1 {offsets = [0, 64], sizes = [1000, 64], strides = [1, 1]} : vector<1000x128xf32> to vector<1000x64xf32>
    %slice3A_6 = vector.extract_strided_slice %get3A_4 {offsets = [0, 0], sizes = [1000, 64], strides = [1, 1]} : vector<1000x128xf32> to vector<1000x64xf32>
    %slice3A_7 = vector.extract_strided_slice %get3A_4 {offsets = [0, 64], sizes = [1000, 64], strides = [1, 1]} : vector<1000x128xf32> to vector<1000x64xf32>
    %add3A = arith.addf %slice3A_5, %slice3A_7 : vector<1000x64xf32>
    %mul3A = arith.constant 5.000000e-01 : f32
    %mul3A_8 = vector.broadcast %mul3A : f32 to vector<1000x64xf32>
    %mul3A_9 = arith.mulf %add3A, %mul3A_8 : vector<1000x64xf32>
    %get3A_10 = arith.constant 0 : index
    %get3A_11 = arith.constant 0 : index
    %get3A_12 = vector.load %arg3[%get3A_10, %get3A_11] : memref<64x2xf32, #tpu.memory_space<vmem>>, vector<64x2xf32>
    %get3A_13 = arith.constant 0 : index
    %get3A_14 = arith.constant 0 : index
    %get3A_15 = vector.load %arg4[%get3A_13, %get3A_14] : memref<1x2xf32, #tpu.memory_space<vmem>>, vector<1x2xf32>
    %get3A_16 = arith.constant 0 : index
    %get3A_17 = arith.constant 0 : index
    %get3A_18 = vector.load %arg5[%get3A_16, %get3A_17] : memref<1x2xf32, #tpu.memory_space<vmem>>, vector<1x2xf32>
    %dot_general3A = arith.constant dense<0.000000e+00> : vector<1000x2xf32>
    %dot_general3A_19 = tpu.matmul %slice3A, %get3A_12, %dot_general3A {dimension_numbers = #tpu.dot_dimension_numbers<[1], [0], [0], [1], [0, 0, 1, 1], [], []>, transpose_lhs_hint = false} : vector<1000x64xf32>, vector<64x2xf32>, vector<1000x2xf32> -> vector<1000x2xf32>
    %add3A_20 = vector.broadcast %get3A_15 : vector<1x2xf32> to vector<1000x2xf32>
    %add3A_21 = arith.addf %dot_general3A_19, %add3A_20 : vector<1000x2xf32>
    %tanh3A = math.tanh %add3A_21 : vector<1000x2xf32>
    %mul3A_22 = vector.broadcast %get3A_18 : vector<1x2xf32> to vector<1000x2xf32>
    %mul3A_23 = arith.mulf %tanh3A, %mul3A_22 : vector<1000x2xf32>
    %reduce_sum3A = arith.constant dense<0.000000e+00> : vector<1000xf32>
    %reduce_sum3A_24 = vector.multi_reduction <add>, %mul3A_23, %reduce_sum3A [1] : vector<1000x2xf32> to vector<1000xf32>
    %broadcast_in_dim3A = vector.shape_cast %reduce_sum3A_24 : vector<1000xf32> to vector<1000x1xf32>
    %dot_general3A_25 = arith.constant dense<0.000000e+00> : vector<1000x2xf32>
    %dot_general3A_26 = tpu.matmul %slice3A_6, %get3A_12, %dot_general3A_25 {dimension_numbers = #tpu.dot_dimension_numbers<[1], [0], [0], [1], [0, 0, 1, 1], [], []>, transpose_lhs_hint = false} : vector<1000x64xf32>, vector<64x2xf32>, vector<1000x2xf32> -> vector<1000x2xf32>
    %add3A_27 = vector.broadcast %get3A_15 : vector<1x2xf32> to vector<1000x2xf32>
    %add3A_28 = arith.addf %dot_general3A_26, %add3A_27 : vector<1000x2xf32>
    %tanh3A_29 = math.tanh %add3A_28 : vector<1000x2xf32>
    %mul3A_30 = vector.broadcast %get3A_18 : vector<1x2xf32> to vector<1000x2xf32>
    %mul3A_31 = arith.mulf %tanh3A_29, %mul3A_30 : vector<1000x2xf32>
    %reduce_sum3A_32 = arith.constant dense<0.000000e+00> : vector<1000xf32>
    %reduce_sum3A_33 = vector.multi_reduction <add>, %mul3A_31, %reduce_sum3A_32 [1] : vector<1000x2xf32> to vector<1000xf32>
    %broadcast_in_dim3A_34 = vector.shape_cast %reduce_sum3A_33 : vector<1000xf32> to vector<1000x1xf32>
    %dot_general3A_35 = arith.constant dense<0.000000e+00> : vector<1000x2xf32>
    %dot_general3A_36 = tpu.matmul %mul3A_9, %get3A_12, %dot_general3A_35 {dimension_numbers = #tpu.dot_dimension_numbers<[1], [0], [0], [1], [0, 0, 1, 1], [], []>, transpose_lhs_hint = false} : vector<1000x64xf32>, vector<64x2xf32>, vector<1000x2xf32> -> vector<1000x2xf32>
    %add3A_37 = vector.broadcast %get3A_15 : vector<1x2xf32> to vector<1000x2xf32>
    %add3A_38 = arith.addf %dot_general3A_36, %add3A_37 : vector<1000x2xf32>
    %tanh3A_39 = math.tanh %add3A_38 : vector<1000x2xf32>
    %mul3A_40 = vector.broadcast %get3A_18 : vector<1x2xf32> to vector<1000x2xf32>
    %mul3A_41 = arith.mulf %tanh3A_39, %mul3A_40 : vector<1000x2xf32>
    %reduce_sum3A_42 = arith.constant dense<0.000000e+00> : vector<1000xf32>
    %reduce_sum3A_43 = vector.multi_reduction <add>, %mul3A_41, %reduce_sum3A_42 [1] : vector<1000x2xf32> to vector<1000xf32>
    %broadcast_in_dim3A_44 = vector.shape_cast %reduce_sum3A_43 : vector<1000xf32> to vector<1000x1xf32>
    %max3A = arith.maximumf %broadcast_in_dim3A, %broadcast_in_dim3A_34 : vector<1000x1xf32>
    %max3A_45 = arith.maximumf %max3A, %broadcast_in_dim3A_44 : vector<1000x1xf32>
    %sub3A = arith.subf %broadcast_in_dim3A, %max3A_45 : vector<1000x1xf32>
    %exp3A = math.exp %sub3A : vector<1000x1xf32>
    %sub3A_46 = arith.subf %broadcast_in_dim3A_34, %max3A_45 : vector<1000x1xf32>
    %exp3A_47 = math.exp %sub3A_46 : vector<1000x1xf32>
    %sub3A_48 = arith.subf %broadcast_in_dim3A_44, %max3A_45 : vector<1000x1xf32>
    %exp3A_49 = math.exp %sub3A_48 : vector<1000x1xf32>
    %add3A_50 = arith.addf %exp3A, %exp3A_47 : vector<1000x1xf32>
    %add3A_51 = arith.addf %add3A_50, %exp3A_49 : vector<1000x1xf32>
    %mul3A_52 = vector.broadcast %exp3A : vector<1000x1xf32> to vector<1000x64xf32>
    %mul3A_53 = arith.mulf %mul3A_52, %slice3A : vector<1000x64xf32>
    %mul3A_54 = vector.broadcast %exp3A_47 : vector<1000x1xf32> to vector<1000x64xf32>
    %mul3A_55 = arith.mulf %mul3A_54, %slice3A_6 : vector<1000x64xf32>
    %add3A_56 = arith.addf %mul3A_53, %mul3A_55 : vector<1000x64xf32>
    %mul3A_57 = vector.broadcast %exp3A_49 : vector<1000x1xf32> to vector<1000x64xf32>
    %mul3A_58 = arith.mulf %mul3A_57, %mul3A_9 : vector<1000x64xf32>
    %add3A_59 = arith.addf %add3A_56, %mul3A_58 : vector<1000x64xf32>
    %div3A = vector.broadcast %add3A_51 : vector<1000x1xf32> to vector<1000x64xf32>
    %div3A_60 = arith.divf %add3A_59, %div3A : vector<1000x64xf32>
    %iota3A = tpu.iota {dimensions = array<i32: 1>} : vector<1000x3xi32>
    %eq3A = arith.constant 0 : i32
    %eq3A_61 = vector.broadcast %eq3A : i32 to vector<1000x3xi32>
    %eq3A_62 = arith.cmpi eq, %iota3A, %eq3A_61 : vector<1000x3xi32>
    %eq3A_63 = arith.constant 1 : i32
    %eq3A_64 = vector.broadcast %eq3A_63 : i32 to vector<1000x3xi32>
    %eq3A_65 = arith.cmpi eq, %iota3A, %eq3A_64 : vector<1000x3xi32>
    %broadcast_in_dim3A_66 = vector.shape_cast %exp3A_47 : vector<1000x1xf32> to vector<1000x1xf32>
    %broadcast_in_dim3A_67 = vector.broadcast %broadcast_in_dim3A_66 : vector<1000x1xf32> to vector<1000x3xf32>
    %broadcast_in_dim3A_68 = vector.shape_cast %exp3A_49 : vector<1000x1xf32> to vector<1000x1xf32>
    %broadcast_in_dim3A_69 = vector.broadcast %broadcast_in_dim3A_68 : vector<1000x1xf32> to vector<1000x3xf32>
    %select_n3A = arith.select %eq3A_65, %broadcast_in_dim3A_67, %broadcast_in_dim3A_69 : vector<1000x3xi1>, vector<1000x3xf32>
    %broadcast_in_dim3A_70 = vector.shape_cast %exp3A : vector<1000x1xf32> to vector<1000x1xf32>
    %broadcast_in_dim3A_71 = vector.broadcast %broadcast_in_dim3A_70 : vector<1000x1xf32> to vector<1000x3xf32>
    %select_n3A_72 = arith.select %eq3A_62, %broadcast_in_dim3A_71, %select_n3A : vector<1000x3xi1>, vector<1000x3xf32>
    %div3A_73 = vector.broadcast %add3A_51 : vector<1000x1xf32> to vector<1000x3xf32>
    %div3A_74 = arith.divf %select_n3A_72, %div3A_73 : vector<1000x3xf32>
    %swap3A = arith.constant 0 : index
    %swap3A_75 = arith.constant 0 : index
    %swap3A_76 = vector.load %arg9[%swap3A, %swap3A_75] : memref<1000x3xf32, #tpu.memory_space<vmem>>, vector<1000x3xf32>
    tpu.vector_store %arg9[%swap3A, %swap3A_75], %div3A_74 {strides = array<i32>} : memref<1000x3xf32, #tpu.memory_space<vmem>>, vector<1000x3xf32>,
    %get3A_77 = arith.constant 0 : index
    %get3A_78 = arith.constant 0 : index
    %get3A_79 = vector.load %arg6[%get3A_77, %get3A_78] : memref<64x16xf32, #tpu.memory_space<vmem>>, vector<64x16xf32>
    %dot_general3A_80 = arith.constant dense<0.000000e+00> : vector<1000x16xf32>
    %dot_general3A_81 = tpu.matmul %div3A_60, %get3A_79, %dot_general3A_80 {dimension_numbers = #tpu.dot_dimension_numbers<[1], [0], [0], [1], [0, 0, 1, 1], [], []>, transpose_lhs_hint = false} : vector<1000x64xf32>, vector<64x16xf32>, vector<1000x16xf32> -> vector<1000x16xf32>
    %get3A_82 = arith.constant 0 : index
    %get3A_83 = arith.constant 0 : index
    %get3A_84 = vector.load %arg7[%get3A_82, %get3A_83] : memref<1x16xf32, #tpu.memory_space<vmem>>, vector<1x16xf32>
    %add3A_85 = vector.broadcast %get3A_84 : vector<1x16xf32> to vector<1000x16xf32>
    %add3A_86 = arith.addf %dot_general3A_81, %add3A_85 : vector<1000x16xf32>
    %reduce_max3A = arith.constant dense<0xFF800000> : vector<1000xf32>
    %reduce_max3A_87 = vector.multi_reduction <maximumf>, %add3A_86, %reduce_max3A [1] : vector<1000x16xf32> to vector<1000xf32>
    %broadcast_in_dim3A_88 = vector.shape_cast %reduce_max3A_87 : vector<1000xf32> to vector<1000x1xf32>
    %sub3A_89 = vector.broadcast %broadcast_in_dim3A_88 : vector<1000x1xf32> to vector<1000x16xf32>
    %sub3A_90 = arith.subf %add3A_86, %sub3A_89 : vector<1000x16xf32>
    %exp3A_91 = math.exp %sub3A_90 : vector<1000x16xf32>
    %reduce_sum3A_92 = arith.constant dense<0.000000e+00> : vector<1000xf32>
    %reduce_sum3A_93 = vector.multi_reduction <add>, %exp3A_91, %reduce_sum3A_92 [1] : vector<1000x16xf32> to vector<1000xf32>
    %broadcast_in_dim3A_94 = vector.shape_cast %reduce_sum3A_93 : vector<1000xf32> to vector<1000x1xf32>
    %div3A_95 = vector.broadcast %broadcast_in_dim3A_94 : vector<1000x1xf32> to vector<1000x16xf32>
    %div3A_96 = arith.divf %exp3A_91, %div3A_95 : vector<1000x16xf32>
    %swap3A_97 = arith.constant 0 : index
    %swap3A_98 = arith.constant 0 : index
    %swap3A_99 = vector.load %arg8[%swap3A_97, %swap3A_98] : memref<1000x16xf32, #tpu.memory_space<vmem>>, vector<1000x16xf32>
    tpu.vector_store %arg8[%swap3A_97, %swap3A_98], %div3A_96 {strides = array<i32>} : memref<1000x16xf32, #tpu.memory_space<vmem>>, vector<1000x16xf32>,
    return
  }
  func.func @transform_0(%arg0: i32) -> (i32, i32) {
    %c0_i32 = arith.constant 0 : i32
    %c0_i32_0 = arith.constant 0 : i32
    return %arg0, %c0_i32 : i32, i32
  }
  func.func @transform_1(%arg0: i32) -> (i32, i32) {
    %c0_i32 = arith.constant 0 : i32
    %c0_i32_0 = arith.constant 0 : i32
    return %arg0, %c0_i32 : i32, i32
  }
  func.func @transform_2(%arg0: i32) -> (i32, i32) {
    %c0_i32 = arith.constant 0 : i32
    %c0_i32_0 = arith.constant 0 : i32
    %c0_i32_1 = arith.constant 0 : i32
    return %c0_i32, %c0_i32_0 : i32, i32
  }
  func.func @transform_3(%arg0: i32) -> (i32, i32) {
    %c0_i32 = arith.constant 0 : i32
    %c0_i32_0 = arith.constant 0 : i32
    %c0_i32_1 = arith.constant 0 : i32
    return %c0_i32, %c0_i32_0 : i32, i32
  }
  func.func @transform_4(%arg0: i32) -> (i32, i32) {
    %c0_i32 = arith.constant 0 : i32
    %c0_i32_0 = arith.constant 0 : i32
    %c0_i32_1 = arith.constant 0 : i32
    return %c0_i32, %c0_i32_0 : i32, i32
  }
  func.func @transform_5(%arg0: i32) -> (i32, i32) {
    %c0_i32 = arith.constant 0 : i32
    %c0_i32_0 = arith.constant 0 : i32
    %c0_i32_1 = arith.constant 0 : i32
    return %c0_i32, %c0_i32_0 : i32, i32
  }
  func.func @transform_6(%arg0: i32) -> (i32, i32) {
    %c0_i32 = arith.constant 0 : i32
    %c0_i32_0 = arith.constant 0 : i32
    %c0_i32_1 = arith.constant 0 : i32
    return %c0_i32, %c0_i32_0 : i32, i32
  }
  func.func @transform_7(%arg0: i32) -> (i32, i32) {
    %c0_i32 = arith.constant 0 : i32
    %c0_i32_0 = arith.constant 0 : i32
    return %arg0, %c0_i32 : i32, i32
  }
  func.func @transform_8(%arg0: i32) -> (i32, i32) {
    %c0_i32 = arith.constant 0 : i32
    %c0_i32_0 = arith.constant 0 : i32
    return %arg0, %c0_i32 : i32, i32
  }
}

</mosaic_0001>

<sc_bundles>
// kernel: kernel.20.cloned.1.call-start
scs
__scs_entry_jumppad:
0x0: {  	(pc) =	sbr.rel $0x88, $3  }
0x1: {  	(tag) =	ssettag $0x0;
	lr =	simm.s32 $0x1  }
0x2: {  	[smem:$0x3F87] =	sst lr;
	_ =	strace $0xD0000000  }
0x3: {  	_ = 	snop  }
0x4: {  	_ = 	snop  }
0x5: {  	_ = 	snop  }
0x6: {  	_ = 	snop  }
0x7: {  	_ = 	snop  }
__scs_overlays_trampoline_lowered:
0x8: {  	[smem:$0x3F96] =	sst s0  }
0x9: {  	[smem:$0x3F97] =	sst s1  }
0xa: {  	[smem:$0x3F98] =	sst s2  }
0xb: {  	[smem:$0x3F99] =	sst s3  }
0xc: {  	[smem:$0x3F9A] =	sst s4  }
0xd: {  	[smem:$0x3F9B] =	sst s5  }
0xe: {  	[smem:$0x3F9C] =	sst s6  }
0xf: {  	[smem:$0x3F9D] =	sst s7  }
0x10: {  	[smem:$0x3F9E] =	sst s8  }
0x11: {  	[smem:$0x3F9F] =	sst s9;
	s0 =	simm.s32 @!p0 $0x0  }
0x12: {  	s1 =	sld [smem:$0x3F85];
	s0 =	simm.s32 @p0 $0x1  }
0x13: {  	[smem:$0x3FA0] =	sst s0;
	s0 =	simm.s32 @!p1 $0x0  }
0x14: {  	s2 =	sld [smem:$0x3F84];
	s0 =	simm.s32 @p1 $0x1  }
0x15: {  	[smem:$0x3FA1] =	sst s0;
	s0 =	simm.s32 @!p2 $0x0  }
0x16: {  	s3 =	sld [smem:$0x3FDB];
	s0 =	simm.s32 @p2 $0x1  }
0x17: {  	s4 =	simm.s32 $0x1BF5;
	[smem:$0x3FA3] =	sst s0  }
0x18: {  	s0 =	sld [smem:$0x3F86];
	_ =	swait.ge [sflag:s4], $0x0  }
0x19: {  	s7 =	sld [smem:$0x3F87]  }
0x1a: {  	s8 =	sadd.s32 $0xFFFFE003, lr  }
0x1b: {  	s9 =	sadd.s32 $0xFFFFFEF7, lr;
	s5 =	simm.s32 $0xFFFFFFFF;
	p2 =	slt.u32 s8, $0xFFFFF086  }
0x1c: {  	p1 =	slt.u32 s9, $0xF7A;
	s5 =	simm.s32 @!p2 $0x0  }
0x1d: {  	s5 =	simm.s32 @p1 $0x1;
	p0 =	seq.s32 s7, s2  }
0x1e: {  	s7 =	smul.u32 @!p0 $0xF7A, s2;
	p2 =	seq.s32 @!p0 s5, $0x0  }
0x1f: {  	s9 =	smul.u32 $0xF7A, s1;
	s8 =	simm.s32 @!p0 $0x1BF5;
	p2 =	por !p2, p0  }
0x20: {  	[sflag:s8] =	ssyncset.s32 @!p0 $0xFFFFF086;
	s6 =	sadd.s32 @!p0 s3, s7;
	s7 =	simm.s32 @!p0 $0x108  }
0x21: {  	s3 =	sadd.s32 s3, s9;
	s6 =	sadd.s32 @!p0 $0x88, s6;
	s7 =	simm.s32 @p2 $0x1082  }
0x22: {  	[simem:s7], [sflag:s8] =	dma.local @!p0 [hbm:s6], $0xF7A  }
0x23: {  	s9 =	sor.u32 $0xD0000000, s2;
	s6 =	simm.s32 $0x108;
	_ =	swait.ge @!p0 [sflag:s8], $0x0  }
0x24: {  	s3 =	sadd.s32 $0x88, s3;
	s6 =	simm.s32 @!p1 $0x1082;
	[sflag:s4] =	ssyncset.s32 $0xFFFFF086  }
0x25: {  	[simem:s6], [sflag:s4] =	dma.local [hbm:s3], $0xF7A  }
0x26: {  	[smem:$0x3F87] =	sst s1;
	(tag) =	ssettag s2;
	_ =	strace s9  }
0x27: {  	s1 =	sld [smem:$0x3F97]  }
0x28: {  	s2 =	sld [smem:$0x3F98]  }
0x29: {  	s4 =	sld [smem:$0x3F9A]  }
0x2a: {  	p0 =	seq.s32 s5, $0x0;
	s5 =	sld [smem:$0x3F9B]  }
0x2b: {  	s6 =	sld [smem:$0x3F9C]  }
0x2c: {  	s7 =	sld [smem:$0x3F9D]  }
0x2d: {  	s3 =	simm.s32 $0x108;
	s8 =	sld [smem:$0x3F9E]  }
0x2e: {  	s3 =	simm.s32 @!p0 $0x1082;
	s9 =	sld [smem:$0x3F9F]  }
0x2f: {  	lr =	sadd.s32 s0, s3;
	s0 =	sld [smem:$0x3F96]  }
0x30: {  	s3 =	sld [smem:$0x3F99]  }
0x31: {  	[smem:$0x3FA2] =	sst s10  }
0x32: {  	s10 =	sld [smem:$0x3FA0];
	_ =	sdelay $0x3  }
0x33: {  	p0 =	seq.s32 s10, $0x1;
	s10 =	sld [smem:$0x3FA2];
	_ =	sdelay $0x3  }
0x34: {  	[smem:$0x3FA2] =	sst s10  }
0x35: {  	s10 =	sld [smem:$0x3FA1];
	_ =	sdelay $0x3  }
0x36: {  	p1 =	seq.s32 s10, $0x1;
	s10 =	sld [smem:$0x3FA2];
	_ =	sdelay $0x3  }
0x37: {  	[smem:$0x3FA2] =	sst s10  }
0x38: {  	s10 =	sld [smem:$0x3FA3]  }
0x39: {  	_ = 	snop;
	(pc) =	sbr.ind lr, $3  }
0x3a: {  	_ = 	snop  }
0x3b: {  	_ = 	snop  }
0x3c: {  	p2 =	seq.s32 s10, $0x1;
	s10 =	sld [smem:$0x3FA2]  }
0x3d: {  	_ =	shalt  }
0x3e: {  	_ =	shalt  }
0x3f: {  	_ =	shalt  }
0x40: {  	_ =	shalt  }
0x41: {  	_ =	shalt  }
0x42: {  	_ =	shalt  }
0x43: {  	_ =	shalt  }
0x44: {  	_ =	shalt  }
0x45: {  	_ =	shalt  }
0x46: {  	_ =	shalt  }
0x47: {  	_ =	shalt  }
0x48: {  	_ =	shalt  }
0x49: {  	_ =	shalt  }
0x4a: {  	_ =	shalt  }
0x4b: {  	_ =	shalt  }
0x4c: {  	_ =	shalt  }
0x4d: {  	_ =	shalt  }
0x4e: {  	_ =	shalt  }
0x4f: {  	_ =	shalt  }
0x50: {  	_ =	shalt  }
0x51: {  	_ =	shalt  }
0x52: {  	_ =	shalt  }
0x53: {  	_ =	shalt  }
0x54: {  	_ =	shalt  }
0x55: {  	_ =	shalt  }
0x56: {  	_ =	shalt  }
0x57: {  	_ =	shalt  }
0x58: {  	_ =	shalt  }
0x59: {  	_ =	shalt  }
0x5a: {  	_ =	shalt  }
0x5b: {  	_ =	shalt  }
0x5c: {  	_ =	shalt  }
0x5d: {  	_ =	shalt  }
0x5e: {  	_ =	shalt  }
0x5f: {  	_ =	shalt  }
0x60: {  	_ =	shalt  }
0x61: {  	_ =	shalt  }
0x62: {  	_ =	shalt  }
0x63: {  	_ =	shalt  }
0x64: {  	_ =	shalt  }
0x65: {  	_ =	shalt  }
0x66: {  	_ =	shalt  }
0x67: {  	_ =	shalt  }
0x68: {  	_ =	shalt  }
0x69: {  	_ =	shalt  }
0x6a: {  	_ =	shalt  }
0x6b: {  	_ =	shalt  }
0x6c: {  	_ =	shalt  }
0x6d: {  	_ =	shalt  }
0x6e: {  	_ =	shalt  }
0x6f: {  	_ =	shalt  }
0x70: {  	_ =	shalt  }
0x71: {  	_ =	shalt  }
0x72: {  	_ =	shalt  }
0x73: {  	_ =	shalt  }
0x74: {  	_ =	shalt  }
0x75: {  	_ =	shalt  }
0x76: {  	_ =	shalt  }
0x77: {  	_ =	shalt  }
0x78: {  	_ =	shalt  }
0x79: {  	_ =	shalt  }
0x7a: {  	_ =	shalt  }
0x7b: {  	_ =	shalt  }
0x7c: {  	_ =	shalt  }
0x7d: {  	_ =	shalt  }
0x7e: {  	_ =	shalt  }
0x7f: {  	_ =	shalt  }
0x80: {  	_ =	shalt  }
0x81: {  	_ =	shalt  }
0x82: {  	_ =	shalt  }
0x83: {  	_ =	shalt  }
0x84: {  	_ =	shalt  }
0x85: {  	_ =	shalt  }
0x86: {  	_ =	shalt  }
0x87: {  	_ =	shalt  }
.Lfunc_end0:
.L_simem_size_0:
called_computation_lowered:
.L_overlay_start_0:
0x88: {  	s2 =	sld [smem:$0x3FD9]  }
0x89: {  	s3 =	sld [smem:$0x3FFE];
	_ =	sdelay $0x1  }
0x8a: {  	s1 =	srdreg.scid  }
0x8b: {  	s0 =	sand.u32 $0x1, s1  }
0x8c: {  	s15 =	sshll.u32 s0, $0xA;
	s2 =	sadd.s32 s3, s2  }
0x8d: {  	s2 =	sadd.s32 s2, s15  }
0x8e: {  	[smem:$0x3FAE] =	sst s2  }
0x8f: {  	_ = 	snop  }
0x90: {  	s2 =	sld [smem:$0x3FD0];
	_ =	sdelay $0x2  }
0x91: {  	s4 =	simm.s32 $0xB;
	s16 =	simm.s32 $0x10  }
0x92: {  	[smem:s16], [sflag:s4] =	dma.local [hbm:s2], $0x1  }
0x93: {  	_ =	swait.eq [sflag:s4], $0x1  }
0x94: {  	[sflag:s4] =	ssyncset.done $0x0  }
0x95: {  	s17 =	sld [smem:$0x13];
	[sflag:s4] =	ssyncadd.s32 $0xFFFFFFFF  }
0x96: {  	s18 =	sld [smem:$0x14];
	(tm) =	ssettm $0x1  }
0x97: {  	s19 =	sld [smem:$0x3FFB];
	_ =	sdelay $0x3  }
0x98: {  	_ =	strace s19  }
0x99: {  	s2 =	sld [smem:$0x3FFC];
	_ =	sdelay $0x3  }
0x9a: {  	_ =	strace s2  }
0x9b: {  	s2 =	sld [smem:$0x3FFD];
	_ =	sdelay $0x3  }
0x9c: {  	_ =	strace s2  }
0x9d: {  	_ =	strace $0x8FFFFFFF  }
0x9e: {  	s20 =	sld [smem:$0x3FDB];
	_ =	sdelay $0x1  }
0x9f: {  	s5 =	simm.s32 $_scs_section_size  }
0xa0: {  	s6 =	simm.s32 $_size__tile_overlayer_lowered;
	s7 =	simm.s32 $_tile_overlayer_lowered  }
0xa1: {  	s8 =	simm.s32 $0x1BFF;
	s21 =	sshll.u32 s7, $0x1;
	s5 =	sadd.s32 s5, s20  }
0xa2: {  	s22 =	simm.s32 $0x0;
	s6 =	sshll.u32 s6, $0x1;
	s7 =	sadd.s32 s21, s5  }
0xa3: {  	[timem:s22], [sflag:s8] =	dma.local [hbm:s7], s6  }
0xa4: {  	_ =	swait.ge [sflag:s8], s6  }
0xa5: {  	s6 =	ssub.s32 $0x0, s6;
	[sflag:s8] =	ssyncset.done $0x0  }
0xa6: {  	[sflag:s8] =	ssyncadd.s32 s6;
	_ =	sdelay $0x1  }
0xa7: {  	s23 =	simm.s32 $0x1B8B  }
0xa8: {  	_ =	swait.ge [sflag:s23], $0x1  }
0xa9: {  	[sflag:s23] =	ssyncset.done $0x0  }
0xaa: {  	[sflag:s23] =	ssyncadd.s32 $0xFFFFFFFF  }
0xab: {  	s6 =	sld [smem:$0x0]  }
0xac: {  	s7 =	sand.u32 $0xFFFFFFFE, s1  }
0xad: {  	p0 =	sne.s32 s1, s7  }
0xae: {  	s7 =	sshll.u32 @p0 s7, $0xE  }
0xaf: {  	s7 =	sadd.s32 @p0 $0x11B8D, s7;
	s8 =	sshll.u32 @p0 s6, $0x11  }
0xb0: {  	s7 =	sor.u32 @p0 s8, s7  }
0xb1: {  	[sflag:s7] =	ssyncadd.remote.s32 @p0 $0x1;
	_ =	sdelay $0x1  }
0xb2: {  	s7 =	simm.s32 @p0 $0x1B8D  }
0xb3: {  	_ =	swait.eq @p0 [sflag:s7], $0x1  }
0xb4: {  	[sflag:s7] =	ssyncadd.s32 @p0 $0xFFFFFFFF  }
0xb5: {  	s8 =	sshll.u32 @!p0 s1, $0xE  }
0xb6: {  	s8 =	sor.u32 @!p0 $0x4000, s8;
	s7 =	simm.s32 @!p0 $0x1B8D  }
0xb7: {  	s6 =	sshll.u32 @!p0 s6, $0x11;
	s8 =	sadd.s32 @!p0 $0x11B8D, s8;
	_ =	swait.eq @!p0 [sflag:s7], $0x1  }
0xb8: {  	s6 =	sor.u32 @!p0 s6, s8;
	[sflag:s7] =	ssyncadd.s32 @!p0 $0xFFFFFFFF  }
0xb9: {  	s25 =	simm.s32 $0x1B8E;
	s24 =	sld [smem:$0x3FFE];
	[sflag:s6] =	ssyncadd.remote.s32 @!p0 $0x1  }
0xba: {  	s26 =	simm.s32 $execute0_lowered;
	[smem:$0x3FD2] =	sst s25  }
0xbb: {  	s7 =	sshll.u32 s26, $0x1;
	_ =	strace $0x80000049;
	[dreg:$0x1] =	wrdreg $0xFFFFFFFF  }
0xbc: {  	s28 =	simm.s32 $_size_execute0_lowered;
	s5 =	sadd.s32 s5, s7;
	[dreg:$0x0] =	wrdreg $0x0  }
0xbd: {  	s7 =	sshll.u32 s28, $0x1;
	[dreg:$0x2] =	wrdreg s5  }
0xbe: {  	[dreg:$0x3] =	wrdreg s7  }
0xbf: {  	[dreg:$0x4] =	wrdreg $0xC0  }
0xc0: {  	_ =	task [dreg:s22], $0x5FFFF  }
0xc1: {  	[dreg:$0x1] =	wrdreg $0xFFFFFFFF  }
0xc2: {  	[dreg:$0x0] =	wrdreg $0x60  }
0xc3: {  	[dreg:$0x2] =	wrdreg s24  }
0xc4: {  	[dreg:$0x3] =	wrdreg s17  }
0xc5: {  	[dreg:$0x4] =	wrdreg s18  }
0xc6: {  	[dreg:$0x5] =	wrdreg $0x29000  }
0xc7: {  	[dreg:$0x6] =	wrdreg $0x9  }
0xc8: {  	_ =	task.clear_ibuf [dreg:s22], $0x7FFFF;
	_ =	strace $0x90000049  }
0xc9: {  	s29 =	simm.s32 $0x9;
	_ =	strace $0x8000004B  }
0xca: {  	_ =	swait.ge [sflag:s29], $0x1  }
0xcb: {  	[sflag:s29] =	ssyncadd.s32 $0xFFFFFFFF  }
0xcc: {  	_ =	strace $0x9000004B  }
0xcd: {  	_ =	sfence  }
0xce: {  	s30 =	sld [smem:$0x0];
	_ =	sdelay $0x2  }
0xcf: {  	s31 =	sshll.u32 s1, $0xD;
	s1 =	sshrl.u32 s1, $0x2  }
0xd0: {  	s4 =	sand.u32 $0x4000, s31;
	s1 =	sadd.s32 s1, s30  }
0xd1: {  	s0 =	sor.u32 s4, s0;
	s1 =	sshll.u32 s1, $0x11  }
0xd2: {  	s0 =	sor.u32 s1, s0  }
0xd3: {  	s0 =	sadd.s32 $0x8F2B, s0  }
0xd4: {  	[sflag:s0] =	ssyncadd.remote.s32 $0x1  }
0xd5: {  	_ =	sfence.sel $0xFFFF  }
0xd6: {  	[dreg:$0x0] =	wrdreg $0xFFFFFFFF;
	(pc) =	sbr.abs _section_cstart, $3  }
0xd7: {  	[dreg:$0x1] =	wrdreg $0xFFFFFFFF  }
0xd8: {  	_ =	task.clear_ibuf [dreg:s22], $0x2FFFF;
	_ =	strace $0x9FFFFFFF  }
0xd9: {  	(tm) =	ssettm $0x7FFFFFFF  }
tec
execute0_lowered:
.L_overlay_start_1:
0x0: {  	(tag) =	ssettag $0x1  }
0x1: {  	s5 =	rddreg [dreg:$0x0]  }
0x2: {  	s10 =	rddreg [dreg:$0x1]  }
0x3: {  	s9 =	rddreg [dreg:$0x2]  }
0x4: {  	s2 =	rddreg [dreg:$0x3]  }
0x5: {  	s0 =	rddreg [dreg:$0x4]  }
0x6: {  	s1 =	stileid.u32;
	s4 =	srdreg.scid  }
0x7: {  	s3 =	simm.s32 $0x0;
	s15 =	simm.s32 $0x100;
	s6 =	smul.u32 $0x14000, s1  }
0x8: {  	s16 =	simm.s32 $0x1;
	s17 =	simm.s32 $0x0;
	s26 =	smul.u32 $0x50000, s1  }
0x9: {  	s7 =	sand.u32 $0x1, s4;
	[smem:$0x7FF] =	sst s3;
	s13 =	smul.u32 $0x4E20, s1  }
0xa: {  	s4 =	sadd.s32 $0x11C000, s5;
	s30 =	sshll.u32 s1, $0x6;
	s8 =	smul.u32 $0x140000, s7  }
0xb: {  	_ =	strace $0x8000004A;
	s28 =	ssub.s32 $0x2, s7;
	s7 =	smul.u32 $0x2710, s7  }
0xc: {  	s11 =	sshrl.u32 s6, $0x3;
	s29 =	sshrl.u32 s28, $0x1;
	s6 =	sadd.s32 s6, s8  }
0xd: {  	s25 =	sadd.s32 s11, s5;
	s11 =	sshrl.u32 s26, $0x2;
	s14 =	ssub.s32 s28, s29  }
0xe: {  	s13 =	sadd.s32 s7, s13;
	s6 =	sshrl.u32 s6, $0x3;
	s11 =	sadd.s32 s11, s2  }
0xf: {  	s8 =	smax.u32 s14, $0x1;
	s31 =	sshrl.u32 s13, $0x3;
	s13 =	simm.s32 $0x80  }
0x10: {  	s14 =	simm.s32 $0x50;
	s12 =	sadd.s32 s6, s5;
	s5 =	sadd.s32 $0xA800, s25  }
0x11: {  	s6 =	sor.u32 $0x1C02, s30;
	s9 =	sadd.s32 s31, s9;
	s10 =	sadd.s32 s31, s10  }
0x12: {  	s11 =	sshrl.u32 s11, $0x3;
	s7 =	sadd.s32 $0x82800, s12;
	s12 =	simm.s32 $0x2  }
.LBB2_1:
0x13: {  	[spmem:s11], [sflag:s6] =	dma.local [hbm:s5], $0x2800  }
0x14: {  	_ =	swait.ge [sflag:s12], $0x2800  }
0x15: {  	[sflag:s12] =	ssyncset.done $0x0  }
0x16: {  	[sflag:s12] =	ssyncadd.s32 $0xFFFFD800  }
0x17: {  	s18 =	sadd.s32 $0x0, s10;
	[bflag:$0x0] =	sbarrier.arrive $0xFFFF  }
0x18: {  	[tilespmem:s3], [sflag:$0x2] =	stream.linear.gather [hbm4b:s18+s3], $0x50, $0x38;
	[tilespmem:$0x16900] =	vst v63  }
0x19: {  	_ =	swait.ge [sflag:s12], $0x50  }
0x1a: {  	[sflag:s12] =	ssyncset.done $0x0  }
0x1b: {  	s31 =	sadd.s32 $0x0, s9;
	[sflag:s12] =	ssyncadd.s32 $0xFFFFFFB0  }
0x1c: {  	[tilespmem:s13], [sflag:$0x2] =	stream.linear.gather [hbm4b:s31+s3], $0x50, $0x38;
	[tilespmem:$0x16900] =	vst v63  }
0x1d: {  	_ =	swait.ge [sflag:s12], $0x50  }
0x1e: {  	[sflag:s12] =	ssyncset.done $0x0  }
0x1f: {  	[sflag:s12] =	ssyncadd.s32 $0xFFFFFFB0  }
0x20: {  	[tilespmem:s15], [sflag:$0x1] =	stream.indirect.gather [hbm4b:s4+s14], $0x80, s3, s14, $0xb8;
	[tilespmem:$0x16900] =	vst v63  }
0x21: {  	_ =	swait.ge [sflag:s16], $0x2800  }
0x22: {  	[sflag:s16] =	ssyncset.done $0x0  }
0x23: {  	[sflag:s16] =	ssyncadd.s32 $0xFFFFD800  }
0x24: {  	[spmem:s2] =	stream.indirect.scatter.add.f32 [tilespmem:s15], [sflag:$0x2], $0x80, s13, s14, $0xb8;
	[tilespmem:$0x16900] =	vst v63  }
0x25: {  	_ =	swait.ge [sflag:s12], $0x2800  }
0x26: {  	s19 =	simm.s32 $0x14;
	s18 =	simm.s32 $0xA;
	[sflag:s12] =	ssyncset.done $0x0  }
.LBB2_2:
0x27: {  	s20 =	sadd.s32 s18, s10  }
0x28: {  	[sflag:s12] =	ssyncadd.s32 $0xFFFFD800;
	s21 =	smov.u32 s19;
	s22 =	sadd.s32 $0xA, s19  }
0x29: {  	[tilespmem:s3], [sflag:$0x2] =	stream.linear.gather [hbm4b:s20+s3], $0x50, $0x38;
	[tilespmem:$0x16900] =	vst v63  }
0x2a: {  	p0 =	sne.s32 s19, $0x4D8;
	_ =	swait.ge [sflag:s12], $0x50  }
0x2b: {  	[sflag:s12] =	ssyncset.done $0x0  }
0x2c: {  	s19 =	sadd.s32 s18, s9;
	s18 =	smov.u32 s21;
	[sflag:s12] =	ssyncadd.s32 $0xFFFFFFB0  }
0x2d: {  	[tilespmem:s13], [sflag:$0x2] =	stream.linear.gather [hbm4b:s19+s3], $0x50, $0x38;
	[tilespmem:$0x16900] =	vst v63  }
0x2e: {  	_ =	swait.ge [sflag:s12], $0x50  }
0x2f: {  	[sflag:s12] =	ssyncset.done $0x0  }
0x30: {  	[sflag:s12] =	ssyncadd.s32 $0xFFFFFFB0  }
0x31: {  	[tilespmem:s15], [sflag:$0x1] =	stream.indirect.gather [hbm4b:s4+s14], $0x80, s3, s14, $0xb8;
	[tilespmem:$0x16900] =	vst v63  }
0x32: {  	_ =	swait.ge [sflag:s16], $0x2800  }
.Ltmp0:
0x33: {  	[sflag:s16] =	ssyncset.done $0x0;
	(pc) =	sbr.rel @p0 .LBB2_2-.Ltmp0, $4  }
0x34: {  	[sflag:s16] =	ssyncadd.s32 $0xFFFFD800  }
0x35: {  	[spmem:s2] =	stream.indirect.scatter.add.f32 [tilespmem:s15], [sflag:$0x2], $0x80, s13, s14, $0xb8;
	[tilespmem:$0x16900] =	vst v63  }
0x36: {  	_ =	swait.ge [sflag:s12], $0x2800  }
0x37: {  	s19 =	smov.u32 s22;
	[sflag:s12] =	ssyncset.done $0x0  }
0x38: {  	s19 =	sadd.s32 s18, s10;
	[sflag:s12] =	ssyncadd.s32 $0xFFFFD800  }
0x39: {  	[tilespmem:s3], [sflag:$0x2] =	stream.linear.gather [hbm4b:s19+s3], $0x50, $0x38;
	[tilespmem:$0x16900] =	vst v63  }
0x3a: {  	_ =	swait.ge [sflag:s12], $0x50  }
0x3b: {  	[sflag:s12] =	ssyncset.done $0x0  }
0x3c: {  	s31 =	sadd.s32 s18, s9;
	[sflag:s12] =	ssyncadd.s32 $0xFFFFFFB0  }
0x3d: {  	[tilespmem:s13], [sflag:$0x2] =	stream.linear.gather [hbm4b:s31+s3], $0x50, $0x38;
	[tilespmem:$0x16900] =	vst v63  }
0x3e: {  	_ =	swait.ge [sflag:s12], $0x50  }
0x3f: {  	[sflag:s12] =	ssyncset.done $0x0  }
0x40: {  	[sflag:s12] =	ssyncadd.s32 $0xFFFFFFB0  }
0x41: {  	[tilespmem:s15], [sflag:$0x1] =	stream.indirect.gather [hbm4b:s4+s14], $0x80, s3, s14, $0xb8;
	[tilespmem:$0x16900] =	vst v63  }
0x42: {  	_ =	swait.ge [sflag:s16], $0x2800  }
0x43: {  	[sflag:s16] =	ssyncset.done $0x0  }
0x44: {  	[sflag:s16] =	ssyncadd.s32 $0xFFFFD800  }
0x45: {  	[spmem:s2] =	stream.indirect.scatter.add.f32 [tilespmem:s15], [sflag:$0x2], $0x80, s13, s14, $0xb8;
	[tilespmem:$0x16900] =	vst v63  }
0x46: {  	_ =	swait.ge [sflag:s12], $0x2800  }
0x47: {  	s17 =	sadd.s32 $0x1, s17;
	[sflag:s12] =	ssyncset.done $0x0  }
0x48: {  	p0 =	sne.s32 s17, s8;
	[sflag:s12] =	ssyncadd.s32 $0xFFFFD800  }
.Ltmp1:
0x49: {  	[bflag:$0x0] =	sbarrier.arrive $0xFFFF;
	(pc) =	sbr.rel @p0 .LBB2_1-.Ltmp1, $4  }
0x4a: {  	[hbm:s7], [sflag:s6] =	dma.local [spmem:s11], $0x2800  }
0x4b: {  	_ =	swait.ge [sflag:s12], $0x2800  }
0x4c: {  	[sflag:s12] =	ssyncset.done $0x0  }
0x4d: {  	[sflag:s12] =	ssyncadd.s32 $0xFFFFD800  }
0x4e: {  	_ =	sfence.sel $0x180000  }
0x4f: {  	[bflag:$0x0] =	sbarrier.arrive $0xFFFF  }
0x50: {  	p0 =	sne.s32 s1, $0x0;
	_ =	strace $0x9000004A  }
0x51: {  	s0 =	sadd.s32 @!p0 $0x100000, s0;
	[bflag:$0x2] =	sbarrier.arrive $0xFFFF  }
0x52: {  	[sflag:s0] =	ssyncadd.tile.s32 @!p0 $0x1;
	_ =	shalt  }
.Lfunc_end2:
_tile_overlayer_lowered:
.L_overlay_start_2:
0x53: {  	(tag) =	ssettag $0x2  }
0x54: {  	s0 =	rddreg [dreg:$0x0];
	s2 =	stileid.u32  }
0x55: {  	s1 =	rddreg [dreg:$0x1];
	p0 =	sne.s32 s2, $0x0  }
0x56: {  	s3 =	rddreg [dreg:$0x2];
	[bflag:$0x3] =	sbarrier.arrive $0xFFFF;
	s2 =	simm.s32 @!p0 $0x1C02  }
0x57: {  	[timem:s3], [sflag:s2] =	dma.local @!p0 [hbm:s0], s1  }
0x58: {  	s0 =	simm.s32 @!p0 $0x2  }
0x59: {  	_ =	swait.ge @!p0 [sflag:s0], s1  }
0x5a: {  	s1 =	ssub.s32 @!p0 $0x0, s1;
	[sflag:s0] =	ssyncset.done @!p0 $0x0  }
0x5b: {  	[sflag:s0] =	ssyncadd.s32 @!p0 s1  }
0x5c: {  	[bflag:$0x3] =	sbarrier.arrive $0xFFFF  }
0x5d: {  	_ =	shalt  }

// kernel: kernel.23.cloned.1.call-start
scs
__scs_entry_jumppad:
0x0: {  	(pc) =	sbr.rel $0x88, $3  }
0x1: {  	(tag) =	ssettag $0x0;
	lr =	simm.s32 $0x1  }
0x2: {  	[smem:$0x3F87] =	sst lr;
	_ =	strace $0xD0000000  }
0x3: {  	_ = 	snop  }
0x4: {  	_ = 	snop  }
0x5: {  	_ = 	snop  }
0x6: {  	_ = 	snop  }
0x7: {  	_ = 	snop  }
__scs_overlays_trampoline_lowered:
0x8: {  	[smem:$0x3F96] =	sst s0  }
0x9: {  	[smem:$0x3F97] =	sst s1  }
0xa: {  	[smem:$0x3F98] =	sst s2  }
0xb: {  	[smem:$0x3F99] =	sst s3  }
0xc: {  	[smem:$0x3F9A] =	sst s4  }
0xd: {  	[smem:$0x3F9B] =	sst s5  }
0xe: {  	[smem:$0x3F9C] =	sst s6  }
0xf: {  	[smem:$0x3F9D] =	sst s7  }
0x10: {  	[smem:$0x3F9E] =	sst s8  }
0x11: {  	[smem:$0x3F9F] =	sst s9;
	s0 =	simm.s32 @!p0 $0x0  }
0x12: {  	s1 =	sld [smem:$0x3F85];
	s0 =	simm.s32 @p0 $0x1  }
0x13: {  	[smem:$0x3FA0] =	sst s0;
	s0 =	simm.s32 @!p1 $0x0  }
0x14: {  	s2 =	sld [smem:$0x3F84];
	s0 =	simm.s32 @p1 $0x1  }
0x15: {  	[smem:$0x3FA1] =	sst s0;
	s0 =	simm.s32 @!p2 $0x0  }
0x16: {  	s3 =	sld [smem:$0x3FDB];
	s0 =	simm.s32 @p2 $0x1  }
0x17: {  	s4 =	simm.s32 $0x1BF5;
	[smem:$0x3FA3] =	sst s0  }
0x18: {  	s0 =	sld [smem:$0x3F86];
	_ =	swait.ge [sflag:s4], $0x0  }
0x19: {  	s7 =	sld [smem:$0x3F87]  }
0x1a: {  	s8 =	sadd.s32 $0xFFFFE003, lr  }
0x1b: {  	s9 =	sadd.s32 $0xFFFFFEF7, lr;
	s5 =	simm.s32 $0xFFFFFFFF;
	p2 =	slt.u32 s8, $0xFFFFF086  }
0x1c: {  	p1 =	slt.u32 s9, $0xF7A;
	s5 =	simm.s32 @!p2 $0x0  }
0x1d: {  	s5 =	simm.s32 @p1 $0x1;
	p0 =	seq.s32 s7, s2  }
0x1e: {  	s7 =	smul.u32 @!p0 $0xF7A, s2;
	p2 =	seq.s32 @!p0 s5, $0x0  }
0x1f: {  	s9 =	smul.u32 $0xF7A, s1;
	s8 =	simm.s32 @!p0 $0x1BF5;
	p2 =	por !p2, p0  }
0x20: {  	[sflag:s8] =	ssyncset.s32 @!p0 $0xFFFFF086;
	s6 =	sadd.s32 @!p0 s3, s7;
	s7 =	simm.s32 @!p0 $0x108  }
0x21: {  	s3 =	sadd.s32 s3, s9;
	s6 =	sadd.s32 @!p0 $0x88, s6;
	s7 =	simm.s32 @p2 $0x1082  }
0x22: {  	[simem:s7], [sflag:s8] =	dma.local @!p0 [hbm:s6], $0xF7A  }
0x23: {  	s9 =	sor.u32 $0xD0000000, s2;
	s6 =	simm.s32 $0x108;
	_ =	swait.ge @!p0 [sflag:s8], $0x0  }
0x24: {  	s3 =	sadd.s32 $0x88, s3;
	s6 =	simm.s32 @!p1 $0x1082;
	[sflag:s4] =	ssyncset.s32 $0xFFFFF086  }
0x25: {  	[simem:s6], [sflag:s4] =	dma.local [hbm:s3], $0xF7A  }
0x26: {  	[smem:$0x3F87] =	sst s1;
	(tag) =	ssettag s2;
	_ =	strace s9  }
0x27: {  	s1 =	sld [smem:$0x3F97]  }
0x28: {  	s2 =	sld [smem:$0x3F98]  }
0x29: {  	s4 =	sld [smem:$0x3F9A]  }
0x2a: {  	p0 =	seq.s32 s5, $0x0;
	s5 =	sld [smem:$0x3F9B]  }
0x2b: {  	s6 =	sld [smem:$0x3F9C]  }
0x2c: {  	s7 =	sld [smem:$0x3F9D]  }
0x2d: {  	s3 =	simm.s32 $0x108;
	s8 =	sld [smem:$0x3F9E]  }
0x2e: {  	s3 =	simm.s32 @!p0 $0x1082;
	s9 =	sld [smem:$0x3F9F]  }
0x2f: {  	lr =	sadd.s32 s0, s3;
	s0 =	sld [smem:$0x3F96]  }
0x30: {  	s3 =	sld [smem:$0x3F99]  }
0x31: {  	[smem:$0x3FA2] =	sst s10  }
0x32: {  	s10 =	sld [smem:$0x3FA0];
	_ =	sdelay $0x3  }
0x33: {  	p0 =	seq.s32 s10, $0x1;
	s10 =	sld [smem:$0x3FA2];
	_ =	sdelay $0x3  }
0x34: {  	[smem:$0x3FA2] =	sst s10  }
0x35: {  	s10 =	sld [smem:$0x3FA1];
	_ =	sdelay $0x3  }
0x36: {  	p1 =	seq.s32 s10, $0x1;
	s10 =	sld [smem:$0x3FA2];
	_ =	sdelay $0x3  }
0x37: {  	[smem:$0x3FA2] =	sst s10  }
0x38: {  	s10 =	sld [smem:$0x3FA3]  }
0x39: {  	_ = 	snop;
	(pc) =	sbr.ind lr, $3  }
0x3a: {  	_ = 	snop  }
0x3b: {  	_ = 	snop  }
0x3c: {  	p2 =	seq.s32 s10, $0x1;
	s10 =	sld [smem:$0x3FA2]  }
0x3d: {  	_ =	shalt  }
0x3e: {  	_ =	shalt  }
0x3f: {  	_ =	shalt  }
0x40: {  	_ =	shalt  }
0x41: {  	_ =	shalt  }
0x42: {  	_ =	shalt  }
0x43: {  	_ =	shalt  }
0x44: {  	_ =	shalt  }
0x45: {  	_ =	shalt  }
0x46: {  	_ =	shalt  }
0x47: {  	_ =	shalt  }
0x48: {  	_ =	shalt  }
0x49: {  	_ =	shalt  }
0x4a: {  	_ =	shalt  }
0x4b: {  	_ =	shalt  }
0x4c: {  	_ =	shalt  }
0x4d: {  	_ =	shalt  }
0x4e: {  	_ =	shalt  }
0x4f: {  	_ =	shalt  }
0x50: {  	_ =	shalt  }
0x51: {  	_ =	shalt  }
0x52: {  	_ =	shalt  }
0x53: {  	_ =	shalt  }
0x54: {  	_ =	shalt  }
0x55: {  	_ =	shalt  }
0x56: {  	_ =	shalt  }
0x57: {  	_ =	shalt  }
0x58: {  	_ =	shalt  }
0x59: {  	_ =	shalt  }
0x5a: {  	_ =	shalt  }
0x5b: {  	_ =	shalt  }
0x5c: {  	_ =	shalt  }
0x5d: {  	_ =	shalt  }
0x5e: {  	_ =	shalt  }
0x5f: {  	_ =	shalt  }
0x60: {  	_ =	shalt  }
0x61: {  	_ =	shalt  }
0x62: {  	_ =	shalt  }
0x63: {  	_ =	shalt  }
0x64: {  	_ =	shalt  }
0x65: {  	_ =	shalt  }
0x66: {  	_ =	shalt  }
0x67: {  	_ =	shalt  }
0x68: {  	_ =	shalt  }
0x69: {  	_ =	shalt  }
0x6a: {  	_ =	shalt  }
0x6b: {  	_ =	shalt  }
0x6c: {  	_ =	shalt  }
0x6d: {  	_ =	shalt  }
0x6e: {  	_ =	shalt  }
0x6f: {  	_ =	shalt  }
0x70: {  	_ =	shalt  }
0x71: {  	_ =	shalt  }
0x72: {  	_ =	shalt  }
0x73: {  	_ =	shalt  }
0x74: {  	_ =	shalt  }
0x75: {  	_ =	shalt  }
0x76: {  	_ =	shalt  }
0x77: {  	_ =	shalt  }
0x78: {  	_ =	shalt  }
0x79: {  	_ =	shalt  }
0x7a: {  	_ =	shalt  }
0x7b: {  	_ =	shalt  }
0x7c: {  	_ =	shalt  }
0x7d: {  	_ =	shalt  }
0x7e: {  	_ =	shalt  }
0x7f: {  	_ =	shalt  }
0x80: {  	_ =	shalt  }
0x81: {  	_ =	shalt  }
0x82: {  	_ =	shalt  }
0x83: {  	_ =	shalt  }
0x84: {  	_ =	shalt  }
0x85: {  	_ =	shalt  }
0x86: {  	_ =	shalt  }
0x87: {  	_ =	shalt  }
.Lfunc_end0:
.L_simem_size_0:
called_computation.1_lowered:
.L_overlay_start_0:
0x88: {  	s2 =	sld [smem:$0x3FD9]  }
0x89: {  	s3 =	sld [smem:$0x3FFE];
	_ =	sdelay $0x1  }
0x8a: {  	s1 =	srdreg.scid  }
0x8b: {  	s0 =	sand.u32 $0x1, s1  }
0x8c: {  	s15 =	sshll.u32 s0, $0xA;
	s2 =	sadd.s32 s3, s2  }
0x8d: {  	s2 =	sadd.s32 s2, s15  }
0x8e: {  	[smem:$0x3FAE] =	sst s2  }
0x8f: {  	_ = 	snop  }
0x90: {  	s2 =	sld [smem:$0x3FD0];
	_ =	sdelay $0x2  }
0x91: {  	s4 =	simm.s32 $0xB;
	s16 =	simm.s32 $0x10  }
0x92: {  	[smem:s16], [sflag:s4] =	dma.local [hbm:s2], $0x1  }
0x93: {  	_ =	swait.eq [sflag:s4], $0x1  }
0x94: {  	[sflag:s4] =	ssyncset.done $0x0  }
0x95: {  	s17 =	sld [smem:$0x13];
	[sflag:s4] =	ssyncadd.s32 $0xFFFFFFFF  }
0x96: {  	s18 =	sld [smem:$0x14];
	(tm) =	ssettm $0x1  }
0x97: {  	s19 =	sld [smem:$0x3FFB];
	_ =	sdelay $0x3  }
0x98: {  	_ =	strace s19  }
0x99: {  	s2 =	sld [smem:$0x3FFC];
	_ =	sdelay $0x3  }
0x9a: {  	_ =	strace s2  }
0x9b: {  	s2 =	sld [smem:$0x3FFD];
	_ =	sdelay $0x3  }
0x9c: {  	_ =	strace s2  }
0x9d: {  	_ =	strace $0x8FFFFFFF  }
0x9e: {  	s20 =	sld [smem:$0x3FDB];
	_ =	sdelay $0x1  }
0x9f: {  	s5 =	simm.s32 $_scs_section_size  }
0xa0: {  	s6 =	simm.s32 $_size__tile_overlayer_lowered;
	s7 =	simm.s32 $_tile_overlayer_lowered  }
0xa1: {  	s8 =	simm.s32 $0x1BFF;
	s21 =	sshll.u32 s7, $0x1;
	s5 =	sadd.s32 s5, s20  }
0xa2: {  	s22 =	simm.s32 $0x0;
	s6 =	sshll.u32 s6, $0x1;
	s7 =	sadd.s32 s21, s5  }
0xa3: {  	[timem:s22], [sflag:s8] =	dma.local [hbm:s7], s6  }
0xa4: {  	_ =	swait.ge [sflag:s8], s6  }
0xa5: {  	s6 =	ssub.s32 $0x0, s6;
	[sflag:s8] =	ssyncset.done $0x0  }
0xa6: {  	[sflag:s8] =	ssyncadd.s32 s6;
	_ =	sdelay $0x1  }
0xa7: {  	s23 =	simm.s32 $0x1B8B  }
0xa8: {  	_ =	swait.ge [sflag:s23], $0x1  }
0xa9: {  	[sflag:s23] =	ssyncset.done $0x0  }
0xaa: {  	[sflag:s23] =	ssyncadd.s32 $0xFFFFFFFF  }
0xab: {  	s6 =	sld [smem:$0x0]  }
0xac: {  	s7 =	sand.u32 $0xFFFFFFFE, s1  }
0xad: {  	p0 =	sne.s32 s1, s7  }
0xae: {  	s7 =	sshll.u32 @p0 s7, $0xE  }
0xaf: {  	s7 =	sadd.s32 @p0 $0x11B8D, s7;
	s8 =	sshll.u32 @p0 s6, $0x11  }
0xb0: {  	s7 =	sor.u32 @p0 s8, s7  }
0xb1: {  	[sflag:s7] =	ssyncadd.remote.s32 @p0 $0x1;
	_ =	sdelay $0x1  }
0xb2: {  	s7 =	simm.s32 @p0 $0x1B8D  }
0xb3: {  	_ =	swait.eq @p0 [sflag:s7], $0x1  }
0xb4: {  	[sflag:s7] =	ssyncadd.s32 @p0 $0xFFFFFFFF  }
0xb5: {  	s8 =	sshll.u32 @!p0 s1, $0xE  }
0xb6: {  	s8 =	sor.u32 @!p0 $0x4000, s8;
	s7 =	simm.s32 @!p0 $0x1B8D  }
0xb7: {  	s6 =	sshll.u32 @!p0 s6, $0x11;
	s8 =	sadd.s32 @!p0 $0x11B8D, s8;
	_ =	swait.eq @!p0 [sflag:s7], $0x1  }
0xb8: {  	s6 =	sor.u32 @!p0 s6, s8;
	[sflag:s7] =	ssyncadd.s32 @!p0 $0xFFFFFFFF  }
0xb9: {  	s25 =	simm.s32 $0x1B8E;
	s24 =	sld [smem:$0x3FFE];
	[sflag:s6] =	ssyncadd.remote.s32 @!p0 $0x1  }
0xba: {  	s26 =	simm.s32 $execute0_lowered;
	[smem:$0x3FD2] =	sst s25  }
0xbb: {  	s7 =	sshll.u32 s26, $0x1;
	_ =	strace $0x8000004F;
	[dreg:$0x1] =	wrdreg $0xFFFFFFFF  }
0xbc: {  	s28 =	simm.s32 $_size_execute0_lowered;
	s5 =	sadd.s32 s5, s7;
	[dreg:$0x0] =	wrdreg $0x0  }
0xbd: {  	s7 =	sshll.u32 s28, $0x1;
	[dreg:$0x2] =	wrdreg s5  }
0xbe: {  	[dreg:$0x3] =	wrdreg s7  }
0xbf: {  	[dreg:$0x4] =	wrdreg $0xC0  }
0xc0: {  	_ =	task [dreg:s22], $0x5FFFF  }
0xc1: {  	[dreg:$0x1] =	wrdreg $0xFFFFFFFF  }
0xc2: {  	[dreg:$0x0] =	wrdreg $0x60  }
0xc3: {  	[dreg:$0x2] =	wrdreg s24  }
0xc4: {  	[dreg:$0x3] =	wrdreg s17  }
0xc5: {  	[dreg:$0x4] =	wrdreg s18  }
0xc6: {  	[dreg:$0x5] =	wrdreg $0x29000  }
0xc7: {  	[dreg:$0x6] =	wrdreg $0x9  }
0xc8: {  	_ =	task.clear_ibuf [dreg:s22], $0x7FFFF;
	_ =	strace $0x9000004F  }
0xc9: {  	s29 =	simm.s32 $0x9;
	_ =	strace $0x80000051  }
0xca: {  	_ =	swait.ge [sflag:s29], $0x1  }
0xcb: {  	[sflag:s29] =	ssyncadd.s32 $0xFFFFFFFF  }
0xcc: {  	_ =	strace $0x90000051  }
0xcd: {  	_ =	sfence  }
0xce: {  	s30 =	sld [smem:$0x0];
	_ =	sdelay $0x2  }
0xcf: {  	s31 =	sshll.u32 s1, $0xD;
	s1 =	sshrl.u32 s1, $0x2  }
0xd0: {  	s4 =	sand.u32 $0x4000, s31;
	s1 =	sadd.s32 s1, s30  }
0xd1: {  	s0 =	sor.u32 s4, s0;
	s1 =	sshll.u32 s1, $0x11  }
0xd2: {  	s0 =	sor.u32 s1, s0  }
0xd3: {  	s0 =	sadd.s32 $0x8F2B, s0  }
0xd4: {  	[sflag:s0] =	ssyncadd.remote.s32 $0x1  }
0xd5: {  	_ =	sfence.sel $0xFFFF  }
0xd6: {  	[dreg:$0x0] =	wrdreg $0xFFFFFFFF;
	(pc) =	sbr.abs _section_cstart, $3  }
0xd7: {  	[dreg:$0x1] =	wrdreg $0xFFFFFFFF  }
0xd8: {  	_ =	task.clear_ibuf [dreg:s22], $0x2FFFF;
	_ =	strace $0x9FFFFFFF  }
0xd9: {  	(tm) =	ssettm $0x7FFFFFFF  }
tec
execute0_lowered:
.L_overlay_start_1:
0x0: {  	(tag) =	ssettag $0x1  }
0x1: {  	s5 =	rddreg [dreg:$0x0]  }
0x2: {  	s10 =	rddreg [dreg:$0x1]  }
0x3: {  	s9 =	rddreg [dreg:$0x2]  }
0x4: {  	s2 =	rddreg [dreg:$0x3]  }
0x5: {  	s0 =	rddreg [dreg:$0x4]  }
0x6: {  	s1 =	stileid.u32;
	s4 =	srdreg.scid  }
0x7: {  	s3 =	simm.s32 $0x0;
	s15 =	simm.s32 $0x100;
	s6 =	smul.u32 $0x14000, s1  }
0x8: {  	s16 =	simm.s32 $0x1;
	s17 =	simm.s32 $0x0;
	s26 =	smul.u32 $0x50000, s1  }
0x9: {  	s7 =	sand.u32 $0x1, s4;
	[smem:$0x7FF] =	sst s3;
	s13 =	smul.u32 $0x4E20, s1  }
0xa: {  	s4 =	sadd.s32 $0xF9A00, s5;
	s30 =	sshll.u32 s1, $0x6;
	s8 =	smul.u32 $0x140000, s7  }
0xb: {  	_ =	strace $0x80000050;
	s28 =	ssub.s32 $0x2, s7;
	s7 =	smul.u32 $0x2710, s7  }
0xc: {  	s11 =	sshrl.u32 s6, $0x3;
	s29 =	sshrl.u32 s28, $0x1;
	s6 =	sadd.s32 s6, s8  }
0xd: {  	s25 =	sadd.s32 s11, s5;
	s11 =	sshrl.u32 s26, $0x2;
	s14 =	ssub.s32 s28, s29  }
0xe: {  	s13 =	sadd.s32 s7, s13;
	s6 =	sshrl.u32 s6, $0x3;
	s11 =	sadd.s32 s11, s2  }
0xf: {  	s8 =	smax.u32 s14, $0x1;
	s31 =	sshrl.u32 s13, $0x3;
	s13 =	simm.s32 $0x80  }
0x10: {  	s14 =	simm.s32 $0x50;
	s12 =	sadd.s32 s6, s5;
	s5 =	sadd.s32 $0xA800, s25  }
0x11: {  	s6 =	sor.u32 $0x1C02, s30;
	s9 =	sadd.s32 s31, s9;
	s10 =	sadd.s32 s31, s10  }
0x12: {  	s11 =	sshrl.u32 s11, $0x3;
	s7 =	sadd.s32 $0x80C00, s12;
	s12 =	simm.s32 $0x2  }
.LBB2_1:
0x13: {  	[spmem:s11], [sflag:s6] =	dma.local [hbm:s5], $0x2800  }
0x14: {  	_ =	swait.ge [sflag:s12], $0x2800  }
0x15: {  	[sflag:s12] =	ssyncset.done $0x0  }
0x16: {  	[sflag:s12] =	ssyncadd.s32 $0xFFFFD800  }
0x17: {  	s18 =	sadd.s32 $0x0, s10;
	[bflag:$0x0] =	sbarrier.arrive $0xFFFF  }
0x18: {  	[tilespmem:s3], [sflag:$0x2] =	stream.linear.gather [hbm4b:s18+s3], $0x50, $0x38;
	[tilespmem:$0x16900] =	vst v63  }
0x19: {  	_ =	swait.ge [sflag:s12], $0x50  }
0x1a: {  	[sflag:s12] =	ssyncset.done $0x0  }
0x1b: {  	s31 =	sadd.s32 $0x0, s9;
	[sflag:s12] =	ssyncadd.s32 $0xFFFFFFB0  }
0x1c: {  	[tilespmem:s13], [sflag:$0x2] =	stream.linear.gather [hbm4b:s31+s3], $0x50, $0x38;
	[tilespmem:$0x16900] =	vst v63  }
0x1d: {  	_ =	swait.ge [sflag:s12], $0x50  }
0x1e: {  	[sflag:s12] =	ssyncset.done $0x0  }
0x1f: {  	[sflag:s12] =	ssyncadd.s32 $0xFFFFFFB0  }
0x20: {  	[tilespmem:s15], [sflag:$0x1] =	stream.indirect.gather [hbm4b:s4+s14], $0x80, s3, s14, $0xb8;
	[tilespmem:$0x16900] =	vst v63  }
0x21: {  	_ =	swait.ge [sflag:s16], $0x2800  }
0x22: {  	[sflag:s16] =	ssyncset.done $0x0  }
0x23: {  	[sflag:s16] =	ssyncadd.s32 $0xFFFFD800  }
0x24: {  	[spmem:s2] =	stream.indirect.scatter.add.f32 [tilespmem:s15], [sflag:$0x2], $0x80, s13, s14, $0xb8;
	[tilespmem:$0x16900] =	vst v63  }
0x25: {  	_ =	swait.ge [sflag:s12], $0x2800  }
0x26: {  	s19 =	simm.s32 $0x14;
	s18 =	simm.s32 $0xA;
	[sflag:s12] =	ssyncset.done $0x0  }
.LBB2_2:
0x27: {  	s20 =	sadd.s32 s18, s10  }
0x28: {  	[sflag:s12] =	ssyncadd.s32 $0xFFFFD800;
	s21 =	smov.u32 s19;
	s22 =	sadd.s32 $0xA, s19  }
0x29: {  	[tilespmem:s3], [sflag:$0x2] =	stream.linear.gather [hbm4b:s20+s3], $0x50, $0x38;
	[tilespmem:$0x16900] =	vst v63  }
0x2a: {  	p0 =	sne.s32 s19, $0x4D8;
	_ =	swait.ge [sflag:s12], $0x50  }
0x2b: {  	[sflag:s12] =	ssyncset.done $0x0  }
0x2c: {  	s19 =	sadd.s32 s18, s9;
	s18 =	smov.u32 s21;
	[sflag:s12] =	ssyncadd.s32 $0xFFFFFFB0  }
0x2d: {  	[tilespmem:s13], [sflag:$0x2] =	stream.linear.gather [hbm4b:s19+s3], $0x50, $0x38;
	[tilespmem:$0x16900] =	vst v63  }
0x2e: {  	_ =	swait.ge [sflag:s12], $0x50  }
0x2f: {  	[sflag:s12] =	ssyncset.done $0x0  }
0x30: {  	[sflag:s12] =	ssyncadd.s32 $0xFFFFFFB0  }
0x31: {  	[tilespmem:s15], [sflag:$0x1] =	stream.indirect.gather [hbm4b:s4+s14], $0x80, s3, s14, $0xb8;
	[tilespmem:$0x16900] =	vst v63  }
0x32: {  	_ =	swait.ge [sflag:s16], $0x2800  }
.Ltmp0:
0x33: {  	[sflag:s16] =	ssyncset.done $0x0;
	(pc) =	sbr.rel @p0 .LBB2_2-.Ltmp0, $4  }
0x34: {  	[sflag:s16] =	ssyncadd.s32 $0xFFFFD800  }
0x35: {  	[spmem:s2] =	stream.indirect.scatter.add.f32 [tilespmem:s15], [sflag:$0x2], $0x80, s13, s14, $0xb8;
	[tilespmem:$0x16900] =	vst v63  }
0x36: {  	_ =	swait.ge [sflag:s12], $0x2800  }
0x37: {  	s19 =	smov.u32 s22;
	[sflag:s12] =	ssyncset.done $0x0  }
0x38: {  	s19 =	sadd.s32 s18, s10;
	[sflag:s12] =	ssyncadd.s32 $0xFFFFD800  }
0x39: {  	[tilespmem:s3], [sflag:$0x2] =	stream.linear.gather [hbm4b:s19+s3], $0x50, $0x38;
	[tilespmem:$0x16900] =	vst v63  }
0x3a: {  	_ =	swait.ge [sflag:s12], $0x50  }
0x3b: {  	[sflag:s12] =	ssyncset.done $0x0  }
0x3c: {  	s31 =	sadd.s32 s18, s9;
	[sflag:s12] =	ssyncadd.s32 $0xFFFFFFB0  }
0x3d: {  	[tilespmem:s13], [sflag:$0x2] =	stream.linear.gather [hbm4b:s31+s3], $0x50, $0x38;
	[tilespmem:$0x16900] =	vst v63  }
0x3e: {  	_ =	swait.ge [sflag:s12], $0x50  }
0x3f: {  	[sflag:s12] =	ssyncset.done $0x0  }
0x40: {  	[sflag:s12] =	ssyncadd.s32 $0xFFFFFFB0  }
0x41: {  	[tilespmem:s15], [sflag:$0x1] =	stream.indirect.gather [hbm4b:s4+s14], $0x80, s3, s14, $0xb8;
	[tilespmem:$0x16900] =	vst v63  }
0x42: {  	_ =	swait.ge [sflag:s16], $0x2800  }
0x43: {  	[sflag:s16] =	ssyncset.done $0x0  }
0x44: {  	[sflag:s16] =	ssyncadd.s32 $0xFFFFD800  }
0x45: {  	[spmem:s2] =	stream.indirect.scatter.add.f32 [tilespmem:s15], [sflag:$0x2], $0x80, s13, s14, $0xb8;
	[tilespmem:$0x16900] =	vst v63  }
0x46: {  	_ =	swait.ge [sflag:s12], $0x2800  }
0x47: {  	s17 =	sadd.s32 $0x1, s17;
	[sflag:s12] =	ssyncset.done $0x0  }
0x48: {  	p0 =	sne.s32 s17, s8;
	[sflag:s12] =	ssyncadd.s32 $0xFFFFD800  }
.Ltmp1:
0x49: {  	[bflag:$0x0] =	sbarrier.arrive $0xFFFF;
	(pc) =	sbr.rel @p0 .LBB2_1-.Ltmp1, $4  }
0x4a: {  	[hbm:s7], [sflag:s6] =	dma.local [spmem:s11], $0x2800  }
0x4b: {  	_ =	swait.ge [sflag:s12], $0x2800  }
0x4c: {  	[sflag:s12] =	ssyncset.done $0x0  }
0x4d: {  	[sflag:s12] =	ssyncadd.s32 $0xFFFFD800  }
0x4e: {  	_ =	sfence.sel $0x180000  }
0x4f: {  	[bflag:$0x0] =	sbarrier.arrive $0xFFFF  }
0x50: {  	p0 =	sne.s32 s1, $0x0;
	_ =	strace $0x90000050  }
0x51: {  	s0 =	sadd.s32 @!p0 $0x100000, s0;
	[bflag:$0x2] =	sbarrier.arrive $0xFFFF  }
0x52: {  	[sflag:s0] =	ssyncadd.tile.s32 @!p0 $0x1;
	_ =	shalt  }
.Lfunc_end2:
_tile_overlayer_lowered:
.L_overlay_start_2:
0x53: {  	(tag) =	ssettag $0x2  }
0x54: {  	s0 =	rddreg [dreg:$0x0];
	s2 =	stileid.u32  }
0x55: {  	s1 =	rddreg [dreg:$0x1];
	p0 =	sne.s32 s2, $0x0  }
0x56: {  	s3 =	rddreg [dreg:$0x2];
	[bflag:$0x3] =	sbarrier.arrive $0xFFFF;
	s2 =	simm.s32 @!p0 $0x1C02  }
0x57: {  	[timem:s3], [sflag:s2] =	dma.local @!p0 [hbm:s0], s1  }
0x58: {  	s0 =	simm.s32 @!p0 $0x2  }
0x59: {  	_ =	swait.ge @!p0 [sflag:s0], s1  }
0x5a: {  	s1 =	ssub.s32 @!p0 $0x0, s1;
	[sflag:s0] =	ssyncset.done @!p0 $0x0  }
0x5b: {  	[sflag:s0] =	ssyncadd.s32 @!p0 s1  }
0x5c: {  	[bflag:$0x3] =	sbarrier.arrive $0xFFFF  }
0x5d: {  	_ =	shalt  }

// kernel: kernel.26.cloned.1.call-start
scs
__scs_entry_jumppad:
0x0: {  	(pc) =	sbr.rel $0x88, $3  }
0x1: {  	(tag) =	ssettag $0x0;
	lr =	simm.s32 $0x1  }
0x2: {  	[smem:$0x3F87] =	sst lr;
	_ =	strace $0xD0000000  }
0x3: {  	_ = 	snop  }
0x4: {  	_ = 	snop  }
0x5: {  	_ = 	snop  }
0x6: {  	_ = 	snop  }
0x7: {  	_ = 	snop  }
__scs_overlays_trampoline_lowered:
0x8: {  	[smem:$0x3F96] =	sst s0  }
0x9: {  	[smem:$0x3F97] =	sst s1  }
0xa: {  	[smem:$0x3F98] =	sst s2  }
0xb: {  	[smem:$0x3F99] =	sst s3  }
0xc: {  	[smem:$0x3F9A] =	sst s4  }
0xd: {  	[smem:$0x3F9B] =	sst s5  }
0xe: {  	[smem:$0x3F9C] =	sst s6  }
0xf: {  	[smem:$0x3F9D] =	sst s7  }
0x10: {  	[smem:$0x3F9E] =	sst s8  }
0x11: {  	[smem:$0x3F9F] =	sst s9;
	s0 =	simm.s32 @!p0 $0x0  }
0x12: {  	s1 =	sld [smem:$0x3F85];
	s0 =	simm.s32 @p0 $0x1  }
0x13: {  	[smem:$0x3FA0] =	sst s0;
	s0 =	simm.s32 @!p1 $0x0  }
0x14: {  	s2 =	sld [smem:$0x3F84];
	s0 =	simm.s32 @p1 $0x1  }
0x15: {  	[smem:$0x3FA1] =	sst s0;
	s0 =	simm.s32 @!p2 $0x0  }
0x16: {  	s3 =	sld [smem:$0x3FDB];
	s0 =	simm.s32 @p2 $0x1  }
0x17: {  	s4 =	simm.s32 $0x1BF5;
	[smem:$0x3FA3] =	sst s0  }
0x18: {  	s0 =	sld [smem:$0x3F86];
	_ =	swait.ge [sflag:s4], $0x0  }
0x19: {  	s7 =	sld [smem:$0x3F87]  }
0x1a: {  	s8 =	sadd.s32 $0xFFFFE003, lr  }
0x1b: {  	s9 =	sadd.s32 $0xFFFFFEF7, lr;
	s5 =	simm.s32 $0xFFFFFFFF;
	p2 =	slt.u32 s8, $0xFFFFF086  }
0x1c: {  	p1 =	slt.u32 s9, $0xF7A;
	s5 =	simm.s32 @!p2 $0x0  }
0x1d: {  	s5 =	simm.s32 @p1 $0x1;
	p0 =	seq.s32 s7, s2  }
0x1e: {  	s7 =	smul.u32 @!p0 $0xF7A, s2;
	p2 =	seq.s32 @!p0 s5, $0x0  }
0x1f: {  	s9 =	smul.u32 $0xF7A, s1;
	s8 =	simm.s32 @!p0 $0x1BF5;
	p2 =	por !p2, p0  }
0x20: {  	[sflag:s8] =	ssyncset.s32 @!p0 $0xFFFFF086;
	s6 =	sadd.s32 @!p0 s3, s7;
	s7 =	simm.s32 @!p0 $0x108  }
0x21: {  	s3 =	sadd.s32 s3, s9;
	s6 =	sadd.s32 @!p0 $0x88, s6;
	s7 =	simm.s32 @p2 $0x1082  }
0x22: {  	[simem:s7], [sflag:s8] =	dma.local @!p0 [hbm:s6], $0xF7A  }
0x23: {  	s9 =	sor.u32 $0xD0000000, s2;
	s6 =	simm.s32 $0x108;
	_ =	swait.ge @!p0 [sflag:s8], $0x0  }
0x24: {  	s3 =	sadd.s32 $0x88, s3;
	s6 =	simm.s32 @!p1 $0x1082;
	[sflag:s4] =	ssyncset.s32 $0xFFFFF086  }
0x25: {  	[simem:s6], [sflag:s4] =	dma.local [hbm:s3], $0xF7A  }
0x26: {  	[smem:$0x3F87] =	sst s1;
	(tag) =	ssettag s2;
	_ =	strace s9  }
0x27: {  	s1 =	sld [smem:$0x3F97]  }
0x28: {  	s2 =	sld [smem:$0x3F98]  }
0x29: {  	s4 =	sld [smem:$0x3F9A]  }
0x2a: {  	p0 =	seq.s32 s5, $0x0;
	s5 =	sld [smem:$0x3F9B]  }
0x2b: {  	s6 =	sld [smem:$0x3F9C]  }
0x2c: {  	s7 =	sld [smem:$0x3F9D]  }
0x2d: {  	s3 =	simm.s32 $0x108;
	s8 =	sld [smem:$0x3F9E]  }
0x2e: {  	s3 =	simm.s32 @!p0 $0x1082;
	s9 =	sld [smem:$0x3F9F]  }
0x2f: {  	lr =	sadd.s32 s0, s3;
	s0 =	sld [smem:$0x3F96]  }
0x30: {  	s3 =	sld [smem:$0x3F99]  }
0x31: {  	[smem:$0x3FA2] =	sst s10  }
0x32: {  	s10 =	sld [smem:$0x3FA0];
	_ =	sdelay $0x3  }
0x33: {  	p0 =	seq.s32 s10, $0x1;
	s10 =	sld [smem:$0x3FA2];
	_ =	sdelay $0x3  }
0x34: {  	[smem:$0x3FA2] =	sst s10  }
0x35: {  	s10 =	sld [smem:$0x3FA1];
	_ =	sdelay $0x3  }
0x36: {  	p1 =	seq.s32 s10, $0x1;
	s10 =	sld [smem:$0x3FA2];
	_ =	sdelay $0x3  }
0x37: {  	[smem:$0x3FA2] =	sst s10  }
0x38: {  	s10 =	sld [smem:$0x3FA3]  }
0x39: {  	_ = 	snop;
	(pc) =	sbr.ind lr, $3  }
0x3a: {  	_ = 	snop  }
0x3b: {  	_ = 	snop  }
0x3c: {  	p2 =	seq.s32 s10, $0x1;
	s10 =	sld [smem:$0x3FA2]  }
0x3d: {  	_ =	shalt  }
0x3e: {  	_ =	shalt  }
0x3f: {  	_ =	shalt  }
0x40: {  	_ =	shalt  }
0x41: {  	_ =	shalt  }
0x42: {  	_ =	shalt  }
0x43: {  	_ =	shalt  }
0x44: {  	_ =	shalt  }
0x45: {  	_ =	shalt  }
0x46: {  	_ =	shalt  }
0x47: {  	_ =	shalt  }
0x48: {  	_ =	shalt  }
0x49: {  	_ =	shalt  }
0x4a: {  	_ =	shalt  }
0x4b: {  	_ =	shalt  }
0x4c: {  	_ =	shalt  }
0x4d: {  	_ =	shalt  }
0x4e: {  	_ =	shalt  }
0x4f: {  	_ =	shalt  }
0x50: {  	_ =	shalt  }
0x51: {  	_ =	shalt  }
0x52: {  	_ =	shalt  }
0x53: {  	_ =	shalt  }
0x54: {  	_ =	shalt  }
0x55: {  	_ =	shalt  }
0x56: {  	_ =	shalt  }
0x57: {  	_ =	shalt  }
0x58: {  	_ =	shalt  }
0x59: {  	_ =	shalt  }
0x5a: {  	_ =	shalt  }
0x5b: {  	_ =	shalt  }
0x5c: {  	_ =	shalt  }
0x5d: {  	_ =	shalt  }
0x5e: {  	_ =	shalt  }
0x5f: {  	_ =	shalt  }
0x60: {  	_ =	shalt  }
0x61: {  	_ =	shalt  }
0x62: {  	_ =	shalt  }
0x63: {  	_ =	shalt  }
0x64: {  	_ =	shalt  }
0x65: {  	_ =	shalt  }
0x66: {  	_ =	shalt  }
0x67: {  	_ =	shalt  }
0x68: {  	_ =	shalt  }
0x69: {  	_ =	shalt  }
0x6a: {  	_ =	shalt  }
0x6b: {  	_ =	shalt  }
0x6c: {  	_ =	shalt  }
0x6d: {  	_ =	shalt  }
0x6e: {  	_ =	shalt  }
0x6f: {  	_ =	shalt  }
0x70: {  	_ =	shalt  }
0x71: {  	_ =	shalt  }
0x72: {  	_ =	shalt  }
0x73: {  	_ =	shalt  }
0x74: {  	_ =	shalt  }
0x75: {  	_ =	shalt  }
0x76: {  	_ =	shalt  }
0x77: {  	_ =	shalt  }
0x78: {  	_ =	shalt  }
0x79: {  	_ =	shalt  }
0x7a: {  	_ =	shalt  }
0x7b: {  	_ =	shalt  }
0x7c: {  	_ =	shalt  }
0x7d: {  	_ =	shalt  }
0x7e: {  	_ =	shalt  }
0x7f: {  	_ =	shalt  }
0x80: {  	_ =	shalt  }
0x81: {  	_ =	shalt  }
0x82: {  	_ =	shalt  }
0x83: {  	_ =	shalt  }
0x84: {  	_ =	shalt  }
0x85: {  	_ =	shalt  }
0x86: {  	_ =	shalt  }
0x87: {  	_ =	shalt  }
.Lfunc_end0:
.L_simem_size_0:
called_computation.2_lowered:
.L_overlay_start_0:
0x88: {  	s2 =	sld [smem:$0x3FD9]  }
0x89: {  	s3 =	sld [smem:$0x3FFE];
	_ =	sdelay $0x1  }
0x8a: {  	s1 =	srdreg.scid  }
0x8b: {  	s0 =	sand.u32 $0x1, s1  }
0x8c: {  	s15 =	sshll.u32 s0, $0xA;
	s2 =	sadd.s32 s3, s2  }
0x8d: {  	s2 =	sadd.s32 s2, s15  }
0x8e: {  	[smem:$0x3FAE] =	sst s2  }
0x8f: {  	_ = 	snop  }
0x90: {  	s2 =	sld [smem:$0x3FD0];
	_ =	sdelay $0x2  }
0x91: {  	s4 =	simm.s32 $0xB;
	s16 =	simm.s32 $0x10  }
0x92: {  	[smem:s16], [sflag:s4] =	dma.local [hbm:s2], $0x1  }
0x93: {  	_ =	swait.eq [sflag:s4], $0x1  }
0x94: {  	[sflag:s4] =	ssyncset.done $0x0  }
0x95: {  	s17 =	sld [smem:$0x13];
	[sflag:s4] =	ssyncadd.s32 $0xFFFFFFFF  }
0x96: {  	s18 =	sld [smem:$0x14];
	(tm) =	ssettm $0x1  }
0x97: {  	s19 =	sld [smem:$0x3FFB];
	_ =	sdelay $0x3  }
0x98: {  	_ =	strace s19  }
0x99: {  	s2 =	sld [smem:$0x3FFC];
	_ =	sdelay $0x3  }
0x9a: {  	_ =	strace s2  }
0x9b: {  	s2 =	sld [smem:$0x3FFD];
	_ =	sdelay $0x3  }
0x9c: {  	_ =	strace s2  }
0x9d: {  	_ =	strace $0x8FFFFFFF  }
0x9e: {  	s20 =	sld [smem:$0x3FDB];
	_ =	sdelay $0x1  }
0x9f: {  	s5 =	simm.s32 $_scs_section_size  }
0xa0: {  	s6 =	simm.s32 $_size__tile_overlayer_lowered;
	s7 =	simm.s32 $_tile_overlayer_lowered  }
0xa1: {  	s8 =	simm.s32 $0x1BFF;
	s21 =	sshll.u32 s7, $0x1;
	s5 =	sadd.s32 s5, s20  }
0xa2: {  	s22 =	simm.s32 $0x0;
	s6 =	sshll.u32 s6, $0x1;
	s7 =	sadd.s32 s21, s5  }
0xa3: {  	[timem:s22], [sflag:s8] =	dma.local [hbm:s7], s6  }
0xa4: {  	_ =	swait.ge [sflag:s8], s6  }
0xa5: {  	s6 =	ssub.s32 $0x0, s6;
	[sflag:s8] =	ssyncset.done $0x0  }
0xa6: {  	[sflag:s8] =	ssyncadd.s32 s6;
	_ =	sdelay $0x1  }
0xa7: {  	s23 =	simm.s32 $0x1B8B  }
0xa8: {  	_ =	swait.ge [sflag:s23], $0x1  }
0xa9: {  	[sflag:s23] =	ssyncset.done $0x0  }
0xaa: {  	[sflag:s23] =	ssyncadd.s32 $0xFFFFFFFF  }
0xab: {  	s6 =	sld [smem:$0x0]  }
0xac: {  	s7 =	sand.u32 $0xFFFFFFFE, s1  }
0xad: {  	p0 =	sne.s32 s1, s7  }
0xae: {  	s7 =	sshll.u32 @p0 s7, $0xE  }
0xaf: {  	s7 =	sadd.s32 @p0 $0x11B8D, s7;
	s8 =	sshll.u32 @p0 s6, $0x11  }
0xb0: {  	s7 =	sor.u32 @p0 s8, s7  }
0xb1: {  	[sflag:s7] =	ssyncadd.remote.s32 @p0 $0x1;
	_ =	sdelay $0x1  }
0xb2: {  	s7 =	simm.s32 @p0 $0x1B8D  }
0xb3: {  	_ =	swait.eq @p0 [sflag:s7], $0x1  }
0xb4: {  	[sflag:s7] =	ssyncadd.s32 @p0 $0xFFFFFFFF  }
0xb5: {  	s8 =	sshll.u32 @!p0 s1, $0xE  }
0xb6: {  	s8 =	sor.u32 @!p0 $0x4000, s8;
	s7 =	simm.s32 @!p0 $0x1B8D  }
0xb7: {  	s6 =	sshll.u32 @!p0 s6, $0x11;
	s8 =	sadd.s32 @!p0 $0x11B8D, s8;
	_ =	swait.eq @!p0 [sflag:s7], $0x1  }
0xb8: {  	s6 =	sor.u32 @!p0 s6, s8;
	[sflag:s7] =	ssyncadd.s32 @!p0 $0xFFFFFFFF  }
0xb9: {  	s25 =	simm.s32 $0x1B8E;
	s24 =	sld [smem:$0x3FFE];
	[sflag:s6] =	ssyncadd.remote.s32 @!p0 $0x1  }
0xba: {  	s26 =	simm.s32 $execute0_lowered;
	[smem:$0x3FD2] =	sst s25  }
0xbb: {  	s7 =	sshll.u32 s26, $0x1;
	_ =	strace $0x80000055;
	[dreg:$0x1] =	wrdreg $0xFFFFFFFF  }
0xbc: {  	s28 =	simm.s32 $_size_execute0_lowered;
	s5 =	sadd.s32 s5, s7;
	[dreg:$0x0] =	wrdreg $0x0  }
0xbd: {  	s7 =	sshll.u32 s28, $0x1;
	[dreg:$0x2] =	wrdreg s5  }
0xbe: {  	[dreg:$0x3] =	wrdreg s7  }
0xbf: {  	[dreg:$0x4] =	wrdreg $0xC0  }
0xc0: {  	_ =	task [dreg:s22], $0x5FFFF  }
0xc1: {  	[dreg:$0x1] =	wrdreg $0xFFFFFFFF  }
0xc2: {  	[dreg:$0x0] =	wrdreg $0x60  }
0xc3: {  	[dreg:$0x2] =	wrdreg s24  }
0xc4: {  	[dreg:$0x3] =	wrdreg s17  }
0xc5: {  	[dreg:$0x4] =	wrdreg s18  }
0xc6: {  	[dreg:$0x5] =	wrdreg $0x29000  }
0xc7: {  	[dreg:$0x6] =	wrdreg $0x9  }
0xc8: {  	_ =	task.clear_ibuf [dreg:s22], $0x7FFFF;
	_ =	strace $0x90000055  }
0xc9: {  	s29 =	simm.s32 $0x9;
	_ =	strace $0x80000057  }
0xca: {  	_ =	swait.ge [sflag:s29], $0x1  }
0xcb: {  	[sflag:s29] =	ssyncadd.s32 $0xFFFFFFFF  }
0xcc: {  	_ =	strace $0x90000057  }
0xcd: {  	_ =	sfence  }
0xce: {  	s30 =	sld [smem:$0x0];
	_ =	sdelay $0x2  }
0xcf: {  	s31 =	sshll.u32 s1, $0xD;
	s1 =	sshrl.u32 s1, $0x2  }
0xd0: {  	s4 =	sand.u32 $0x4000, s31;
	s1 =	sadd.s32 s1, s30  }
0xd1: {  	s0 =	sor.u32 s4, s0;
	s1 =	sshll.u32 s1, $0x11  }
0xd2: {  	s0 =	sor.u32 s1, s0  }
0xd3: {  	s0 =	sadd.s32 $0x8F2B, s0  }
0xd4: {  	[sflag:s0] =	ssyncadd.remote.s32 $0x1  }
0xd5: {  	_ =	sfence.sel $0xFFFF  }
0xd6: {  	[dreg:$0x0] =	wrdreg $0xFFFFFFFF;
	(pc) =	sbr.abs _section_cstart, $3  }
0xd7: {  	[dreg:$0x1] =	wrdreg $0xFFFFFFFF  }
0xd8: {  	_ =	task.clear_ibuf [dreg:s22], $0x2FFFF;
	_ =	strace $0x9FFFFFFF  }
0xd9: {  	(tm) =	ssettm $0x7FFFFFFF  }
tec
execute0_lowered:
.L_overlay_start_1:
0x0: {  	(tag) =	ssettag $0x1  }
0x1: {  	s5 =	rddreg [dreg:$0x0]  }
0x2: {  	s10 =	rddreg [dreg:$0x1]  }
0x3: {  	s9 =	rddreg [dreg:$0x2]  }
0x4: {  	s2 =	rddreg [dreg:$0x3]  }
0x5: {  	s0 =	rddreg [dreg:$0x4]  }
0x6: {  	s1 =	stileid.u32;
	s4 =	srdreg.scid  }
0x7: {  	s3 =	simm.s32 $0x0;
	s15 =	simm.s32 $0x100;
	s6 =	smul.u32 $0x14000, s1  }
0x8: {  	s16 =	simm.s32 $0x1;
	s17 =	simm.s32 $0x0;
	s26 =	smul.u32 $0x50000, s1  }
0x9: {  	s7 =	sand.u32 $0x1, s4;
	[smem:$0x7FF] =	sst s3;
	s13 =	smul.u32 $0x4E20, s1  }
0xa: {  	s4 =	sadd.s32 $0x59A00, s5;
	s30 =	sshll.u32 s1, $0x6;
	s8 =	smul.u32 $0x140000, s7  }
0xb: {  	_ =	strace $0x80000056;
	s28 =	ssub.s32 $0x2, s7;
	s7 =	smul.u32 $0x2710, s7  }
0xc: {  	s11 =	sshrl.u32 s6, $0x3;
	s29 =	sshrl.u32 s28, $0x1;
	s6 =	sadd.s32 s6, s8  }
0xd: {  	s25 =	sadd.s32 s11, s5;
	s11 =	sshrl.u32 s26, $0x2;
	s14 =	ssub.s32 s28, s29  }
0xe: {  	s13 =	sadd.s32 s7, s13;
	s6 =	sshrl.u32 s6, $0x3;
	s11 =	sadd.s32 s11, s2  }
0xf: {  	s8 =	smax.u32 s14, $0x1;
	s31 =	sshrl.u32 s13, $0x3;
	s13 =	simm.s32 $0x80  }
0x10: {  	s14 =	simm.s32 $0x50;
	s12 =	sadd.s32 s6, s5;
	s5 =	sadd.s32 $0xA800, s25  }
0x11: {  	s6 =	sor.u32 $0x1C02, s30;
	s9 =	sadd.s32 s31, s9;
	s10 =	sadd.s32 s31, s10  }
0x12: {  	s11 =	sshrl.u32 s11, $0x3;
	s7 =	sadd.s32 $0x80C00, s12;
	s12 =	simm.s32 $0x2  }
.LBB2_1:
0x13: {  	[spmem:s11], [sflag:s6] =	dma.local [hbm:s5], $0x2800  }
0x14: {  	_ =	swait.ge [sflag:s12], $0x2800  }
0x15: {  	[sflag:s12] =	ssyncset.done $0x0  }
0x16: {  	[sflag:s12] =	ssyncadd.s32 $0xFFFFD800  }
0x17: {  	s18 =	sadd.s32 $0x0, s10;
	[bflag:$0x0] =	sbarrier.arrive $0xFFFF  }
0x18: {  	[tilespmem:s3], [sflag:$0x2] =	stream.linear.gather [hbm4b:s18+s3], $0x50, $0x38;
	[tilespmem:$0x16900] =	vst v63  }
0x19: {  	_ =	swait.ge [sflag:s12], $0x50  }
0x1a: {  	[sflag:s12] =	ssyncset.done $0x0  }
0x1b: {  	s31 =	sadd.s32 $0x0, s9;
	[sflag:s12] =	ssyncadd.s32 $0xFFFFFFB0  }
0x1c: {  	[tilespmem:s13], [sflag:$0x2] =	stream.linear.gather [hbm4b:s31+s3], $0x50, $0x38;
	[tilespmem:$0x16900] =	vst v63  }
0x1d: {  	_ =	swait.ge [sflag:s12], $0x50  }
0x1e: {  	[sflag:s12] =	ssyncset.done $0x0  }
0x1f: {  	[sflag:s12] =	ssyncadd.s32 $0xFFFFFFB0  }
0x20: {  	[tilespmem:s15], [sflag:$0x1] =	stream.indirect.gather [hbm4b:s4+s14], $0x80, s3, s14, $0xb8;
	[tilespmem:$0x16900] =	vst v63  }
0x21: {  	_ =	swait.ge [sflag:s16], $0x2800  }
0x22: {  	[sflag:s16] =	ssyncset.done $0x0  }
0x23: {  	[sflag:s16] =	ssyncadd.s32 $0xFFFFD800  }
0x24: {  	[spmem:s2] =	stream.indirect.scatter.add.f32 [tilespmem:s15], [sflag:$0x2], $0x80, s13, s14, $0xb8;
	[tilespmem:$0x16900] =	vst v63  }
0x25: {  	_ =	swait.ge [sflag:s12], $0x2800  }
0x26: {  	s19 =	simm.s32 $0x14;
	s18 =	simm.s32 $0xA;
	[sflag:s12] =	ssyncset.done $0x0  }
.LBB2_2:
0x27: {  	s20 =	sadd.s32 s18, s10  }
0x28: {  	[sflag:s12] =	ssyncadd.s32 $0xFFFFD800;
	s21 =	smov.u32 s19;
	s22 =	sadd.s32 $0xA, s19  }
0x29: {  	[tilespmem:s3], [sflag:$0x2] =	stream.linear.gather [hbm4b:s20+s3], $0x50, $0x38;
	[tilespmem:$0x16900] =	vst v63  }
0x2a: {  	p0 =	sne.s32 s19, $0x4D8;
	_ =	swait.ge [sflag:s12], $0x50  }
0x2b: {  	[sflag:s12] =	ssyncset.done $0x0  }
0x2c: {  	s19 =	sadd.s32 s18, s9;
	s18 =	smov.u32 s21;
	[sflag:s12] =	ssyncadd.s32 $0xFFFFFFB0  }
0x2d: {  	[tilespmem:s13], [sflag:$0x2] =	stream.linear.gather [hbm4b:s19+s3], $0x50, $0x38;
	[tilespmem:$0x16900] =	vst v63  }
0x2e: {  	_ =	swait.ge [sflag:s12], $0x50  }
0x2f: {  	[sflag:s12] =	ssyncset.done $0x0  }
0x30: {  	[sflag:s12] =	ssyncadd.s32 $0xFFFFFFB0  }
0x31: {  	[tilespmem:s15], [sflag:$0x1] =	stream.indirect.gather [hbm4b:s4+s14], $0x80, s3, s14, $0xb8;
	[tilespmem:$0x16900] =	vst v63  }
0x32: {  	_ =	swait.ge [sflag:s16], $0x2800  }
.Ltmp0:
0x33: {  	[sflag:s16] =	ssyncset.done $0x0;
	(pc) =	sbr.rel @p0 .LBB2_2-.Ltmp0, $4  }
0x34: {  	[sflag:s16] =	ssyncadd.s32 $0xFFFFD800  }
0x35: {  	[spmem:s2] =	stream.indirect.scatter.add.f32 [tilespmem:s15], [sflag:$0x2], $0x80, s13, s14, $0xb8;
	[tilespmem:$0x16900] =	vst v63  }
0x36: {  	_ =	swait.ge [sflag:s12], $0x2800  }
0x37: {  	s19 =	smov.u32 s22;
	[sflag:s12] =	ssyncset.done $0x0  }
0x38: {  	s19 =	sadd.s32 s18, s10;
	[sflag:s12] =	ssyncadd.s32 $0xFFFFD800  }
0x39: {  	[tilespmem:s3], [sflag:$0x2] =	stream.linear.gather [hbm4b:s19+s3], $0x50, $0x38;
	[tilespmem:$0x16900] =	vst v63  }
0x3a: {  	_ =	swait.ge [sflag:s12], $0x50  }
0x3b: {  	[sflag:s12] =	ssyncset.done $0x0  }
0x3c: {  	s31 =	sadd.s32 s18, s9;
	[sflag:s12] =	ssyncadd.s32 $0xFFFFFFB0  }
0x3d: {  	[tilespmem:s13], [sflag:$0x2] =	stream.linear.gather [hbm4b:s31+s3], $0x50, $0x38;
	[tilespmem:$0x16900] =	vst v63  }
0x3e: {  	_ =	swait.ge [sflag:s12], $0x50  }
0x3f: {  	[sflag:s12] =	ssyncset.done $0x0  }
0x40: {  	[sflag:s12] =	ssyncadd.s32 $0xFFFFFFB0  }
0x41: {  	[tilespmem:s15], [sflag:$0x1] =	stream.indirect.gather [hbm4b:s4+s14], $0x80, s3, s14, $0xb8;
	[tilespmem:$0x16900] =	vst v63  }
0x42: {  	_ =	swait.ge [sflag:s16], $0x2800  }
0x43: {  	[sflag:s16] =	ssyncset.done $0x0  }
0x44: {  	[sflag:s16] =	ssyncadd.s32 $0xFFFFD800  }
0x45: {  	[spmem:s2] =	stream.indirect.scatter.add.f32 [tilespmem:s15], [sflag:$0x2], $0x80, s13, s14, $0xb8;
	[tilespmem:$0x16900] =	vst v63  }
0x46: {  	_ =	swait.ge [sflag:s12], $0x2800  }
0x47: {  	s17 =	sadd.s32 $0x1, s17;
	[sflag:s12] =	ssyncset.done $0x0  }
0x48: {  	p0 =	sne.s32 s17, s8;
	[sflag:s12] =	ssyncadd.s32 $0xFFFFD800  }
.Ltmp1:
0x49: {  	[bflag:$0x0] =	sbarrier.arrive $0xFFFF;
	(pc) =	sbr.rel @p0 .LBB2_1-.Ltmp1, $4  }
0x4a: {  	[hbm:s7], [sflag:s6] =	dma.local [spmem:s11], $0x2800  }
0x4b: {  	_ =	swait.ge [sflag:s12], $0x2800  }
0x4c: {  	[sflag:s12] =	ssyncset.done $0x0  }
0x4d: {  	[sflag:s12] =	ssyncadd.s32 $0xFFFFD800  }
0x4e: {  	_ =	sfence.sel $0x180000  }
0x4f: {  	[bflag:$0x0] =	sbarrier.arrive $0xFFFF  }
0x50: {  	p0 =	sne.s32 s1, $0x0;
	_ =	strace $0x90000056  }
0x51: {  	s0 =	sadd.s32 @!p0 $0x100000, s0;
	[bflag:$0x2] =	sbarrier.arrive $0xFFFF  }
0x52: {  	[sflag:s0] =	ssyncadd.tile.s32 @!p0 $0x1;
	_ =	shalt  }
.Lfunc_end2:
_tile_overlayer_lowered:
.L_overlay_start_2:
0x53: {  	(tag) =	ssettag $0x2  }
0x54: {  	s0 =	rddreg [dreg:$0x0];
	s2 =	stileid.u32  }
0x55: {  	s1 =	rddreg [dreg:$0x1];
	p0 =	sne.s32 s2, $0x0  }
0x56: {  	s3 =	rddreg [dreg:$0x2];
	[bflag:$0x3] =	sbarrier.arrive $0xFFFF;
	s2 =	simm.s32 @!p0 $0x1C02  }
0x57: {  	[timem:s3], [sflag:s2] =	dma.local @!p0 [hbm:s0], s1  }
0x58: {  	s0 =	simm.s32 @!p0 $0x2  }
0x59: {  	_ =	swait.ge @!p0 [sflag:s0], s1  }
0x5a: {  	s1 =	ssub.s32 @!p0 $0x0, s1;
	[sflag:s0] =	ssyncset.done @!p0 $0x0  }
0x5b: {  	[sflag:s0] =	ssyncadd.s32 @!p0 s1  }
0x5c: {  	[bflag:$0x3] =	sbarrier.arrive $0xFFFF  }
0x5d: {  	_ =	shalt  }

// kernel: kernel.29.cloned.1.call-start
scs
__scs_entry_jumppad:
0x0: {  	(pc) =	sbr.rel $0x88, $3  }
0x1: {  	(tag) =	ssettag $0x0;
	lr =	simm.s32 $0x1  }
0x2: {  	[smem:$0x3F87] =	sst lr;
	_ =	strace $0xD0000000  }
0x3: {  	_ = 	snop  }
0x4: {  	_ = 	snop  }
0x5: {  	_ = 	snop  }
0x6: {  	_ = 	snop  }
0x7: {  	_ = 	snop  }
__scs_overlays_trampoline_lowered:
0x8: {  	[smem:$0x3F96] =	sst s0  }
0x9: {  	[smem:$0x3F97] =	sst s1  }
0xa: {  	[smem:$0x3F98] =	sst s2  }
0xb: {  	[smem:$0x3F99] =	sst s3  }
0xc: {  	[smem:$0x3F9A] =	sst s4  }
0xd: {  	[smem:$0x3F9B] =	sst s5  }
0xe: {  	[smem:$0x3F9C] =	sst s6  }
0xf: {  	[smem:$0x3F9D] =	sst s7  }
0x10: {  	[smem:$0x3F9E] =	sst s8  }
0x11: {  	[smem:$0x3F9F] =	sst s9;
	s0 =	simm.s32 @!p0 $0x0  }
0x12: {  	s1 =	sld [smem:$0x3F85];
	s0 =	simm.s32 @p0 $0x1  }
0x13: {  	[smem:$0x3FA0] =	sst s0;
	s0 =	simm.s32 @!p1 $0x0  }
0x14: {  	s2 =	sld [smem:$0x3F84];
	s0 =	simm.s32 @p1 $0x1  }
0x15: {  	[smem:$0x3FA1] =	sst s0;
	s0 =	simm.s32 @!p2 $0x0  }
0x16: {  	s3 =	sld [smem:$0x3FDB];
	s0 =	simm.s32 @p2 $0x1  }
0x17: {  	s4 =	simm.s32 $0x1BF5;
	[smem:$0x3FA3] =	sst s0  }
0x18: {  	s0 =	sld [smem:$0x3F86];
	_ =	swait.ge [sflag:s4], $0x0  }
0x19: {  	s7 =	sld [smem:$0x3F87]  }
0x1a: {  	s8 =	sadd.s32 $0xFFFFE003, lr  }
0x1b: {  	s9 =	sadd.s32 $0xFFFFFEF7, lr;
	s5 =	simm.s32 $0xFFFFFFFF;
	p2 =	slt.u32 s8, $0xFFFFF086  }
0x1c: {  	p1 =	slt.u32 s9, $0xF7A;
	s5 =	simm.s32 @!p2 $0x0  }
0x1d: {  	s5 =	simm.s32 @p1 $0x1;
	p0 =	seq.s32 s7, s2  }
0x1e: {  	s7 =	smul.u32 @!p0 $0xF7A, s2;
	p2 =	seq.s32 @!p0 s5, $0x0  }
0x1f: {  	s9 =	smul.u32 $0xF7A, s1;
	s8 =	simm.s32 @!p0 $0x1BF5;
	p2 =	por !p2, p0  }
0x20: {  	[sflag:s8] =	ssyncset.s32 @!p0 $0xFFFFF086;
	s6 =	sadd.s32 @!p0 s3, s7;
	s7 =	simm.s32 @!p0 $0x108  }
0x21: {  	s3 =	sadd.s32 s3, s9;
	s6 =	sadd.s32 @!p0 $0x88, s6;
	s7 =	simm.s32 @p2 $0x1082  }
0x22: {  	[simem:s7], [sflag:s8] =	dma.local @!p0 [hbm:s6], $0xF7A  }
0x23: {  	s9 =	sor.u32 $0xD0000000, s2;
	s6 =	simm.s32 $0x108;
	_ =	swait.ge @!p0 [sflag:s8], $0x0  }
0x24: {  	s3 =	sadd.s32 $0x88, s3;
	s6 =	simm.s32 @!p1 $0x1082;
	[sflag:s4] =	ssyncset.s32 $0xFFFFF086  }
0x25: {  	[simem:s6], [sflag:s4] =	dma.local [hbm:s3], $0xF7A  }
0x26: {  	[smem:$0x3F87] =	sst s1;
	(tag) =	ssettag s2;
	_ =	strace s9  }
0x27: {  	s1 =	sld [smem:$0x3F97]  }
0x28: {  	s2 =	sld [smem:$0x3F98]  }
0x29: {  	s4 =	sld [smem:$0x3F9A]  }
0x2a: {  	p0 =	seq.s32 s5, $0x0;
	s5 =	sld [smem:$0x3F9B]  }
0x2b: {  	s6 =	sld [smem:$0x3F9C]  }
0x2c: {  	s7 =	sld [smem:$0x3F9D]  }
0x2d: {  	s3 =	simm.s32 $0x108;
	s8 =	sld [smem:$0x3F9E]  }
0x2e: {  	s3 =	simm.s32 @!p0 $0x1082;
	s9 =	sld [smem:$0x3F9F]  }
0x2f: {  	lr =	sadd.s32 s0, s3;
	s0 =	sld [smem:$0x3F96]  }
0x30: {  	s3 =	sld [smem:$0x3F99]  }
0x31: {  	[smem:$0x3FA2] =	sst s10  }
0x32: {  	s10 =	sld [smem:$0x3FA0];
	_ =	sdelay $0x3  }
0x33: {  	p0 =	seq.s32 s10, $0x1;
	s10 =	sld [smem:$0x3FA2];
	_ =	sdelay $0x3  }
0x34: {  	[smem:$0x3FA2] =	sst s10  }
0x35: {  	s10 =	sld [smem:$0x3FA1];
	_ =	sdelay $0x3  }
0x36: {  	p1 =	seq.s32 s10, $0x1;
	s10 =	sld [smem:$0x3FA2];
	_ =	sdelay $0x3  }
0x37: {  	[smem:$0x3FA2] =	sst s10  }
0x38: {  	s10 =	sld [smem:$0x3FA3]  }
0x39: {  	_ = 	snop;
	(pc) =	sbr.ind lr, $3  }
0x3a: {  	_ = 	snop  }
0x3b: {  	_ = 	snop  }
0x3c: {  	p2 =	seq.s32 s10, $0x1;
	s10 =	sld [smem:$0x3FA2]  }
0x3d: {  	_ =	shalt  }
0x3e: {  	_ =	shalt  }
0x3f: {  	_ =	shalt  }
0x40: {  	_ =	shalt  }
0x41: {  	_ =	shalt  }
0x42: {  	_ =	shalt  }
0x43: {  	_ =	shalt  }
0x44: {  	_ =	shalt  }
0x45: {  	_ =	shalt  }
0x46: {  	_ =	shalt  }
0x47: {  	_ =	shalt  }
0x48: {  	_ =	shalt  }
0x49: {  	_ =	shalt  }
0x4a: {  	_ =	shalt  }
0x4b: {  	_ =	shalt  }
0x4c: {  	_ =	shalt  }
0x4d: {  	_ =	shalt  }
0x4e: {  	_ =	shalt  }
0x4f: {  	_ =	shalt  }
0x50: {  	_ =	shalt  }
0x51: {  	_ =	shalt  }
0x52: {  	_ =	shalt  }
0x53: {  	_ =	shalt  }
0x54: {  	_ =	shalt  }
0x55: {  	_ =	shalt  }
0x56: {  	_ =	shalt  }
0x57: {  	_ =	shalt  }
0x58: {  	_ =	shalt  }
0x59: {  	_ =	shalt  }
0x5a: {  	_ =	shalt  }
0x5b: {  	_ =	shalt  }
0x5c: {  	_ =	shalt  }
0x5d: {  	_ =	shalt  }
0x5e: {  	_ =	shalt  }
0x5f: {  	_ =	shalt  }
0x60: {  	_ =	shalt  }
0x61: {  	_ =	shalt  }
0x62: {  	_ =	shalt  }
0x63: {  	_ =	shalt  }
0x64: {  	_ =	shalt  }
0x65: {  	_ =	shalt  }
0x66: {  	_ =	shalt  }
0x67: {  	_ =	shalt  }
0x68: {  	_ =	shalt  }
0x69: {  	_ =	shalt  }
0x6a: {  	_ =	shalt  }
0x6b: {  	_ =	shalt  }
0x6c: {  	_ =	shalt  }
0x6d: {  	_ =	shalt  }
0x6e: {  	_ =	shalt  }
0x6f: {  	_ =	shalt  }
0x70: {  	_ =	shalt  }
0x71: {  	_ =	shalt  }
0x72: {  	_ =	shalt  }
0x73: {  	_ =	shalt  }
0x74: {  	_ =	shalt  }
0x75: {  	_ =	shalt  }
0x76: {  	_ =	shalt  }
0x77: {  	_ =	shalt  }
0x78: {  	_ =	shalt  }
0x79: {  	_ =	shalt  }
0x7a: {  	_ =	shalt  }
0x7b: {  	_ =	shalt  }
0x7c: {  	_ =	shalt  }
0x7d: {  	_ =	shalt  }
0x7e: {  	_ =	shalt  }
0x7f: {  	_ =	shalt  }
0x80: {  	_ =	shalt  }
0x81: {  	_ =	shalt  }
0x82: {  	_ =	shalt  }
0x83: {  	_ =	shalt  }
0x84: {  	_ =	shalt  }
0x85: {  	_ =	shalt  }
0x86: {  	_ =	shalt  }
0x87: {  	_ =	shalt  }
.Lfunc_end0:
.L_simem_size_0:
called_computation.3_lowered:
.L_overlay_start_0:
0x88: {  	s2 =	sld [smem:$0x3FD9]  }
0x89: {  	s3 =	sld [smem:$0x3FFE];
	_ =	sdelay $0x1  }
0x8a: {  	s1 =	srdreg.scid  }
0x8b: {  	s0 =	sand.u32 $0x1, s1  }
0x8c: {  	s14 =	sshll.u32 s0, $0xA;
	s2 =	sadd.s32 s3, s2  }
0x8d: {  	s2 =	sadd.s32 s2, s14  }
0x8e: {  	[smem:$0x3FAE] =	sst s2  }
0x8f: {  	_ = 	snop  }
0x90: {  	s2 =	sld [smem:$0x3FD0];
	_ =	sdelay $0x2  }
0x91: {  	s15 =	simm.s32 $0xB;
	s4 =	simm.s32 $0x10  }
0x92: {  	[smem:s4], [sflag:s15] =	dma.local [hbm:s2], $0x1  }
0x93: {  	_ =	swait.eq [sflag:s15], $0x1  }
0x94: {  	[sflag:s15] =	ssyncset.done $0x0  }
0x95: {  	s16 =	sld [smem:$0x15];
	[sflag:s15] =	ssyncadd.s32 $0xFFFFFFFF  }
0x96: {  	s17 =	sld [smem:$0x16];
	(tm) =	ssettm $0x1  }
0x97: {  	s18 =	sld [smem:$0x3FFB];
	_ =	sdelay $0x3  }
0x98: {  	_ =	strace s18  }
0x99: {  	s4 =	sld [smem:$0x3FFC];
	_ =	sdelay $0x3  }
0x9a: {  	_ =	strace s4  }
0x9b: {  	s4 =	sld [smem:$0x3FFD];
	_ =	sdelay $0x3  }
0x9c: {  	_ =	strace s4  }
0x9d: {  	_ =	strace $0x8FFFFFFF  }
0x9e: {  	s19 =	sld [smem:$0x3FDB];
	_ =	sdelay $0x1  }
0x9f: {  	s5 =	simm.s32 $_scs_section_size  }
0xa0: {  	s6 =	simm.s32 $_size__tile_overlayer_lowered;
	s7 =	simm.s32 $_tile_overlayer_lowered  }
0xa1: {  	s22 =	simm.s32 $0x1BFF;
	s21 =	sshll.u32 s7, $0x1;
	s4 =	sadd.s32 s5, s19  }
0xa2: {  	s8 =	simm.s32 $0x0;
	s20 =	sshll.u32 s6, $0x1;
	s6 =	sadd.s32 s21, s4  }
0xa3: {  	[timem:s8], [sflag:s22] =	dma.local [hbm:s6], s20  }
0xa4: {  	_ =	swait.ge [sflag:s22], s20  }
0xa5: {  	s5 =	ssub.s32 $0x0, s20;
	[sflag:s22] =	ssyncset.done $0x0  }
0xa6: {  	[sflag:s22] =	ssyncadd.s32 s5;
	_ =	sdelay $0x1  }
0xa7: {  	s23 =	simm.s32 $0x1B8B  }
0xa8: {  	_ =	swait.ge [sflag:s23], $0x1  }
0xa9: {  	[sflag:s23] =	ssyncset.done $0x0  }
0xaa: {  	s25 =	simm.s32 $0x1B8E;
	s24 =	sld [smem:$0x3FFE];
	[sflag:s23] =	ssyncadd.s32 $0xFFFFFFFF  }
0xab: {  	s26 =	simm.s32 $execute0_lowered;
	[smem:$0x3FD2] =	sst s25  }
0xac: {  	s6 =	sshll.u32 s26, $0x1;
	_ =	strace $0x80000046;
	[dreg:$0x1] =	wrdreg $0xFFFFFFFF  }
0xad: {  	s28 =	simm.s32 $_size_execute0_lowered;
	s4 =	sadd.s32 s4, s6;
	[dreg:$0x0] =	wrdreg $0x0  }
0xae: {  	s6 =	sshll.u32 s28, $0x1;
	[dreg:$0x2] =	wrdreg s4  }
0xaf: {  	[dreg:$0x3] =	wrdreg s6  }
0xb0: {  	[dreg:$0x4] =	wrdreg $0xC0  }
0xb1: {  	_ =	task [dreg:s8], $0x5FFFF  }
0xb2: {  	[dreg:$0x1] =	wrdreg $0xFFFFFFFF  }
0xb3: {  	[dreg:$0x0] =	wrdreg $0x60  }
0xb4: {  	[dreg:$0x2] =	wrdreg s24  }
0xb5: {  	[dreg:$0x3] =	wrdreg s16  }
0xb6: {  	[dreg:$0x4] =	wrdreg s17  }
0xb7: {  	[dreg:$0x5] =	wrdreg $0x29000  }
0xb8: {  	[dreg:$0x6] =	wrdreg $0xA  }
0xb9: {  	_ =	task.clear_ibuf [dreg:s8], $0x7FFFF;
	_ =	strace $0x90000046  }
0xba: {  	s29 =	simm.s32 $0xA;
	_ =	strace $0x80000048  }
0xbb: {  	_ =	swait.ge [sflag:s29], $0x1  }
0xbc: {  	[sflag:s29] =	ssyncadd.s32 $0xFFFFFFFF  }
0xbd: {  	_ =	strace $0x90000048  }
0xbe: {  	_ =	sfence  }
0xbf: {  	s30 =	sld [smem:$0x0];
	_ =	sdelay $0x2  }
0xc0: {  	s31 =	sshll.u32 s1, $0xD;
	s1 =	sshrl.u32 s1, $0x2  }
0xc1: {  	s3 =	sand.u32 $0x4000, s31;
	s1 =	sadd.s32 s1, s30  }
0xc2: {  	s0 =	sor.u32 s3, s0;
	s1 =	sshll.u32 s1, $0x11  }
0xc3: {  	s0 =	sor.u32 s1, s0  }
0xc4: {  	s0 =	sadd.s32 $0x8F2B, s0  }
0xc5: {  	[sflag:s0] =	ssyncadd.remote.s32 $0x1  }
0xc6: {  	_ =	sfence.sel $0xFFFF  }
0xc7: {  	[dreg:$0x0] =	wrdreg $0xFFFFFFFF;
	(pc) =	sbr.abs _section_cstart, $3  }
0xc8: {  	[dreg:$0x1] =	wrdreg $0xFFFFFFFF  }
0xc9: {  	_ =	task.clear_ibuf [dreg:s8], $0x2FFFF;
	_ =	strace $0x9FFFFFFF  }
0xca: {  	(tm) =	ssettm $0x7FFFFFFF  }
0xcb: {  	_ =	shalt  }
tec
execute0_lowered:
.L_overlay_start_1:
0x0: {  	(tag) =	ssettag $0x1  }
0x1: {  	s5 =	rddreg [dreg:$0x0]  }
0x2: {  	s10 =	rddreg [dreg:$0x1]  }
0x3: {  	s9 =	rddreg [dreg:$0x2]  }
0x4: {  	s2 =	rddreg [dreg:$0x3]  }
0x5: {  	s0 =	rddreg [dreg:$0x4]  }
0x6: {  	s1 =	stileid.u32;
	s4 =	srdreg.scid  }
0x7: {  	s3 =	simm.s32 $0x0;
	s15 =	simm.s32 $0x100;
	s6 =	smul.u32 $0x14000, s1  }
0x8: {  	s16 =	simm.s32 $0x1;
	s17 =	simm.s32 $0x0;
	s26 =	smul.u32 $0x50000, s1  }
0x9: {  	s7 =	sand.u32 $0x1, s4;
	[smem:$0x7FF] =	sst s3;
	s13 =	smul.u32 $0x4E20, s1  }
0xa: {  	s4 =	sadd.s32 $0xF4E00, s5;
	s30 =	sshll.u32 s1, $0x6;
	s8 =	smul.u32 $0x140000, s7  }
0xb: {  	_ =	strace $0x80000047;
	s28 =	ssub.s32 $0x2, s7;
	s7 =	smul.u32 $0x2710, s7  }
0xc: {  	s11 =	sshrl.u32 s6, $0x3;
	s29 =	sshrl.u32 s28, $0x1;
	s6 =	sadd.s32 s6, s8  }
0xd: {  	s25 =	sadd.s32 s11, s5;
	s11 =	sshrl.u32 s26, $0x2;
	s14 =	ssub.s32 s28, s29  }
0xe: {  	s13 =	sadd.s32 s7, s13;
	s6 =	sshrl.u32 s6, $0x3;
	s11 =	sadd.s32 s11, s2  }
0xf: {  	s8 =	smax.u32 s14, $0x1;
	s31 =	sshrl.u32 s13, $0x3;
	s13 =	simm.s32 $0x80  }
0x10: {  	s14 =	simm.s32 $0x50;
	s12 =	sadd.s32 s6, s5;
	s5 =	sadd.s32 $0xA800, s25  }
0x11: {  	s6 =	sor.u32 $0x1C02, s30;
	s9 =	sadd.s32 s31, s9;
	s10 =	sadd.s32 s31, s10  }
0x12: {  	s11 =	sshrl.u32 s11, $0x3;
	s7 =	sadd.s32 $0x32800, s12;
	s12 =	simm.s32 $0x2  }
.LBB2_1:
0x13: {  	[spmem:s11], [sflag:s6] =	dma.local [hbm:s5], $0x2800  }
0x14: {  	_ =	swait.ge [sflag:s12], $0x2800  }
0x15: {  	[sflag:s12] =	ssyncset.done $0x0  }
0x16: {  	[sflag:s12] =	ssyncadd.s32 $0xFFFFD800  }
0x17: {  	s18 =	sadd.s32 $0x0, s10;
	[bflag:$0x0] =	sbarrier.arrive $0xFFFF  }
0x18: {  	[tilespmem:s3], [sflag:$0x2] =	stream.linear.gather [hbm4b:s18+s3], $0x50, $0x38;
	[tilespmem:$0x16900] =	vst v63  }
0x19: {  	_ =	swait.ge [sflag:s12], $0x50  }
0x1a: {  	[sflag:s12] =	ssyncset.done $0x0  }
0x1b: {  	s31 =	sadd.s32 $0x0, s9;
	[sflag:s12] =	ssyncadd.s32 $0xFFFFFFB0  }
0x1c: {  	[tilespmem:s13], [sflag:$0x2] =	stream.linear.gather [hbm4b:s31+s3], $0x50, $0x38;
	[tilespmem:$0x16900] =	vst v63  }
0x1d: {  	_ =	swait.ge [sflag:s12], $0x50  }
0x1e: {  	[sflag:s12] =	ssyncset.done $0x0  }
0x1f: {  	[sflag:s12] =	ssyncadd.s32 $0xFFFFFFB0  }
0x20: {  	[tilespmem:s15], [sflag:$0x1] =	stream.indirect.gather [hbm4b:s4+s14], $0x80, s3, s14, $0xb8;
	[tilespmem:$0x16900] =	vst v63  }
0x21: {  	_ =	swait.ge [sflag:s16], $0x2800  }
0x22: {  	[sflag:s16] =	ssyncset.done $0x0  }
0x23: {  	[sflag:s16] =	ssyncadd.s32 $0xFFFFD800  }
0x24: {  	[spmem:s2] =	stream.indirect.scatter.add.f32 [tilespmem:s15], [sflag:$0x2], $0x80, s13, s14, $0xb8;
	[tilespmem:$0x16900] =	vst v63  }
0x25: {  	_ =	swait.ge [sflag:s12], $0x2800  }
0x26: {  	s19 =	simm.s32 $0x14;
	s18 =	simm.s32 $0xA;
	[sflag:s12] =	ssyncset.done $0x0  }
.LBB2_2:
0x27: {  	s20 =	sadd.s32 s18, s10  }
0x28: {  	[sflag:s12] =	ssyncadd.s32 $0xFFFFD800;
	s21 =	smov.u32 s19;
	s22 =	sadd.s32 $0xA, s19  }
0x29: {  	[tilespmem:s3], [sflag:$0x2] =	stream.linear.gather [hbm4b:s20+s3], $0x50, $0x38;
	[tilespmem:$0x16900] =	vst v63  }
0x2a: {  	p0 =	sne.s32 s19, $0x4D8;
	_ =	swait.ge [sflag:s12], $0x50  }
0x2b: {  	[sflag:s12] =	ssyncset.done $0x0  }
0x2c: {  	s19 =	sadd.s32 s18, s9;
	s18 =	smov.u32 s21;
	[sflag:s12] =	ssyncadd.s32 $0xFFFFFFB0  }
0x2d: {  	[tilespmem:s13], [sflag:$0x2] =	stream.linear.gather [hbm4b:s19+s3], $0x50, $0x38;
	[tilespmem:$0x16900] =	vst v63  }
0x2e: {  	_ =	swait.ge [sflag:s12], $0x50  }
0x2f: {  	[sflag:s12] =	ssyncset.done $0x0  }
0x30: {  	[sflag:s12] =	ssyncadd.s32 $0xFFFFFFB0  }
0x31: {  	[tilespmem:s15], [sflag:$0x1] =	stream.indirect.gather [hbm4b:s4+s14], $0x80, s3, s14, $0xb8;
	[tilespmem:$0x16900] =	vst v63  }
0x32: {  	_ =	swait.ge [sflag:s16], $0x2800  }
.Ltmp0:
0x33: {  	[sflag:s16] =	ssyncset.done $0x0;
	(pc) =	sbr.rel @p0 .LBB2_2-.Ltmp0, $4  }
0x34: {  	[sflag:s16] =	ssyncadd.s32 $0xFFFFD800  }
0x35: {  	[spmem:s2] =	stream.indirect.scatter.add.f32 [tilespmem:s15], [sflag:$0x2], $0x80, s13, s14, $0xb8;
	[tilespmem:$0x16900] =	vst v63  }
0x36: {  	_ =	swait.ge [sflag:s12], $0x2800  }
0x37: {  	s19 =	smov.u32 s22;
	[sflag:s12] =	ssyncset.done $0x0  }
0x38: {  	s19 =	sadd.s32 s18, s10;
	[sflag:s12] =	ssyncadd.s32 $0xFFFFD800  }
0x39: {  	[tilespmem:s3], [sflag:$0x2] =	stream.linear.gather [hbm4b:s19+s3], $0x50, $0x38;
	[tilespmem:$0x16900] =	vst v63  }
0x3a: {  	_ =	swait.ge [sflag:s12], $0x50  }
0x3b: {  	[sflag:s12] =	ssyncset.done $0x0  }
0x3c: {  	s31 =	sadd.s32 s18, s9;
	[sflag:s12] =	ssyncadd.s32 $0xFFFFFFB0  }
0x3d: {  	[tilespmem:s13], [sflag:$0x2] =	stream.linear.gather [hbm4b:s31+s3], $0x50, $0x38;
	[tilespmem:$0x16900] =	vst v63  }
0x3e: {  	_ =	swait.ge [sflag:s12], $0x50  }
0x3f: {  	[sflag:s12] =	ssyncset.done $0x0  }
0x40: {  	[sflag:s12] =	ssyncadd.s32 $0xFFFFFFB0  }
0x41: {  	[tilespmem:s15], [sflag:$0x1] =	stream.indirect.gather [hbm4b:s4+s14], $0x80, s3, s14, $0xb8;
	[tilespmem:$0x16900] =	vst v63  }
0x42: {  	_ =	swait.ge [sflag:s16], $0x2800  }
0x43: {  	[sflag:s16] =	ssyncset.done $0x0  }
0x44: {  	[sflag:s16] =	ssyncadd.s32 $0xFFFFD800  }
0x45: {  	[spmem:s2] =	stream.indirect.scatter.add.f32 [tilespmem:s15], [sflag:$0x2], $0x80, s13, s14, $0xb8;
	[tilespmem:$0x16900] =	vst v63  }
0x46: {  	_ =	swait.ge [sflag:s12], $0x2800  }
0x47: {  	s17 =	sadd.s32 $0x1, s17;
	[sflag:s12] =	ssyncset.done $0x0  }
0x48: {  	p0 =	sne.s32 s17, s8;
	[sflag:s12] =	ssyncadd.s32 $0xFFFFD800  }
.Ltmp1:
0x49: {  	[bflag:$0x0] =	sbarrier.arrive $0xFFFF;
	(pc) =	sbr.rel @p0 .LBB2_1-.Ltmp1, $4  }
0x4a: {  	[hbm:s7], [sflag:s6] =	dma.local [spmem:s11], $0x2800  }
0x4b: {  	_ =	swait.ge [sflag:s12], $0x2800  }
0x4c: {  	[sflag:s12] =	ssyncset.done $0x0  }
0x4d: {  	[sflag:s12] =	ssyncadd.s32 $0xFFFFD800  }
0x4e: {  	_ =	sfence.sel $0x180000  }
0x4f: {  	[bflag:$0x0] =	sbarrier.arrive $0xFFFF  }
0x50: {  	p0 =	sne.s32 s1, $0x0;
	_ =	strace $0x90000047  }
0x51: {  	s0 =	sadd.s32 @!p0 $0x100000, s0;
	[bflag:$0x2] =	sbarrier.arrive $0xFFFF  }
0x52: {  	[sflag:s0] =	ssyncadd.tile.s32 @!p0 $0x1;
	_ =	shalt  }
.Lfunc_end2:
_tile_overlayer_lowered:
.L_overlay_start_2:
0x53: {  	(tag) =	ssettag $0x2  }
0x54: {  	s0 =	rddreg [dreg:$0x0];
	s2 =	stileid.u32  }
0x55: {  	s1 =	rddreg [dreg:$0x1];
	p0 =	sne.s32 s2, $0x0  }
0x56: {  	s3 =	rddreg [dreg:$0x2];
	[bflag:$0x3] =	sbarrier.arrive $0xFFFF;
	s2 =	simm.s32 @!p0 $0x1C02  }
0x57: {  	[timem:s3], [sflag:s2] =	dma.local @!p0 [hbm:s0], s1  }
0x58: {  	s0 =	simm.s32 @!p0 $0x2  }
0x59: {  	_ =	swait.ge @!p0 [sflag:s0], s1  }
0x5a: {  	s1 =	ssub.s32 @!p0 $0x0, s1;
	[sflag:s0] =	ssyncset.done @!p0 $0x0  }
0x5b: {  	[sflag:s0] =	ssyncadd.s32 @!p0 s1  }
0x5c: {  	[bflag:$0x3] =	sbarrier.arrive $0xFFFF  }
0x5d: {  	_ =	shalt  }

// kernel: kernel.32.cloned.1.call-start
scs
__scs_entry_jumppad:
0x0: {  	(pc) =	sbr.rel $0x88, $3  }
0x1: {  	(tag) =	ssettag $0x0;
	lr =	simm.s32 $0x1  }
0x2: {  	[smem:$0x3F87] =	sst lr;
	_ =	strace $0xD0000000  }
0x3: {  	_ = 	snop  }
0x4: {  	_ = 	snop  }
0x5: {  	_ = 	snop  }
0x6: {  	_ = 	snop  }
0x7: {  	_ = 	snop  }
__scs_overlays_trampoline_lowered:
0x8: {  	[smem:$0x3F96] =	sst s0  }
0x9: {  	[smem:$0x3F97] =	sst s1  }
0xa: {  	[smem:$0x3F98] =	sst s2  }
0xb: {  	[smem:$0x3F99] =	sst s3  }
0xc: {  	[smem:$0x3F9A] =	sst s4  }
0xd: {  	[smem:$0x3F9B] =	sst s5  }
0xe: {  	[smem:$0x3F9C] =	sst s6  }
0xf: {  	[smem:$0x3F9D] =	sst s7  }
0x10: {  	[smem:$0x3F9E] =	sst s8  }
0x11: {  	[smem:$0x3F9F] =	sst s9;
	s0 =	simm.s32 @!p0 $0x0  }
0x12: {  	s1 =	sld [smem:$0x3F85];
	s0 =	simm.s32 @p0 $0x1  }
0x13: {  	[smem:$0x3FA0] =	sst s0;
	s0 =	simm.s32 @!p1 $0x0  }
0x14: {  	s2 =	sld [smem:$0x3F84];
	s0 =	simm.s32 @p1 $0x1  }
0x15: {  	[smem:$0x3FA1] =	sst s0;
	s0 =	simm.s32 @!p2 $0x0  }
0x16: {  	s3 =	sld [smem:$0x3FDB];
	s0 =	simm.s32 @p2 $0x1  }
0x17: {  	s4 =	simm.s32 $0x1BF5;
	[smem:$0x3FA3] =	sst s0  }
0x18: {  	s0 =	sld [smem:$0x3F86];
	_ =	swait.ge [sflag:s4], $0x0  }
0x19: {  	s7 =	sld [smem:$0x3F87]  }
0x1a: {  	s8 =	sadd.s32 $0xFFFFE003, lr  }
0x1b: {  	s9 =	sadd.s32 $0xFFFFFEF7, lr;
	s5 =	simm.s32 $0xFFFFFFFF;
	p2 =	slt.u32 s8, $0xFFFFF086  }
0x1c: {  	p1 =	slt.u32 s9, $0xF7A;
	s5 =	simm.s32 @!p2 $0x0  }
0x1d: {  	s5 =	simm.s32 @p1 $0x1;
	p0 =	seq.s32 s7, s2  }
0x1e: {  	s7 =	smul.u32 @!p0 $0xF7A, s2;
	p2 =	seq.s32 @!p0 s5, $0x0  }
0x1f: {  	s9 =	smul.u32 $0xF7A, s1;
	s8 =	simm.s32 @!p0 $0x1BF5;
	p2 =	por !p2, p0  }
0x20: {  	[sflag:s8] =	ssyncset.s32 @!p0 $0xFFFFF086;
	s6 =	sadd.s32 @!p0 s3, s7;
	s7 =	simm.s32 @!p0 $0x108  }
0x21: {  	s3 =	sadd.s32 s3, s9;
	s6 =	sadd.s32 @!p0 $0x88, s6;
	s7 =	simm.s32 @p2 $0x1082  }
0x22: {  	[simem:s7], [sflag:s8] =	dma.local @!p0 [hbm:s6], $0xF7A  }
0x23: {  	s9 =	sor.u32 $0xD0000000, s2;
	s6 =	simm.s32 $0x108;
	_ =	swait.ge @!p0 [sflag:s8], $0x0  }
0x24: {  	s3 =	sadd.s32 $0x88, s3;
	s6 =	simm.s32 @!p1 $0x1082;
	[sflag:s4] =	ssyncset.s32 $0xFFFFF086  }
0x25: {  	[simem:s6], [sflag:s4] =	dma.local [hbm:s3], $0xF7A  }
0x26: {  	[smem:$0x3F87] =	sst s1;
	(tag) =	ssettag s2;
	_ =	strace s9  }
0x27: {  	s1 =	sld [smem:$0x3F97]  }
0x28: {  	s2 =	sld [smem:$0x3F98]  }
0x29: {  	s4 =	sld [smem:$0x3F9A]  }
0x2a: {  	p0 =	seq.s32 s5, $0x0;
	s5 =	sld [smem:$0x3F9B]  }
0x2b: {  	s6 =	sld [smem:$0x3F9C]  }
0x2c: {  	s7 =	sld [smem:$0x3F9D]  }
0x2d: {  	s3 =	simm.s32 $0x108;
	s8 =	sld [smem:$0x3F9E]  }
0x2e: {  	s3 =	simm.s32 @!p0 $0x1082;
	s9 =	sld [smem:$0x3F9F]  }
0x2f: {  	lr =	sadd.s32 s0, s3;
	s0 =	sld [smem:$0x3F96]  }
0x30: {  	s3 =	sld [smem:$0x3F99]  }
0x31: {  	[smem:$0x3FA2] =	sst s10  }
0x32: {  	s10 =	sld [smem:$0x3FA0];
	_ =	sdelay $0x3  }
0x33: {  	p0 =	seq.s32 s10, $0x1;
	s10 =	sld [smem:$0x3FA2];
	_ =	sdelay $0x3  }
0x34: {  	[smem:$0x3FA2] =	sst s10  }
0x35: {  	s10 =	sld [smem:$0x3FA1];
	_ =	sdelay $0x3  }
0x36: {  	p1 =	seq.s32 s10, $0x1;
	s10 =	sld [smem:$0x3FA2];
	_ =	sdelay $0x3  }
0x37: {  	[smem:$0x3FA2] =	sst s10  }
0x38: {  	s10 =	sld [smem:$0x3FA3]  }
0x39: {  	_ = 	snop;
	(pc) =	sbr.ind lr, $3  }
0x3a: {  	_ = 	snop  }
0x3b: {  	_ = 	snop  }
0x3c: {  	p2 =	seq.s32 s10, $0x1;
	s10 =	sld [smem:$0x3FA2]  }
0x3d: {  	_ =	shalt  }
0x3e: {  	_ =	shalt  }
0x3f: {  	_ =	shalt  }
0x40: {  	_ =	shalt  }
0x41: {  	_ =	shalt  }
0x42: {  	_ =	shalt  }
0x43: {  	_ =	shalt  }
0x44: {  	_ =	shalt  }
0x45: {  	_ =	shalt  }
0x46: {  	_ =	shalt  }
0x47: {  	_ =	shalt  }
0x48: {  	_ =	shalt  }
0x49: {  	_ =	shalt  }
0x4a: {  	_ =	shalt  }
0x4b: {  	_ =	shalt  }
0x4c: {  	_ =	shalt  }
0x4d: {  	_ =	shalt  }
0x4e: {  	_ =	shalt  }
0x4f: {  	_ =	shalt  }
0x50: {  	_ =	shalt  }
0x51: {  	_ =	shalt  }
0x52: {  	_ =	shalt  }
0x53: {  	_ =	shalt  }
0x54: {  	_ =	shalt  }
0x55: {  	_ =	shalt  }
0x56: {  	_ =	shalt  }
0x57: {  	_ =	shalt  }
0x58: {  	_ =	shalt  }
0x59: {  	_ =	shalt  }
0x5a: {  	_ =	shalt  }
0x5b: {  	_ =	shalt  }
0x5c: {  	_ =	shalt  }
0x5d: {  	_ =	shalt  }
0x5e: {  	_ =	shalt  }
0x5f: {  	_ =	shalt  }
0x60: {  	_ =	shalt  }
0x61: {  	_ =	shalt  }
0x62: {  	_ =	shalt  }
0x63: {  	_ =	shalt  }
0x64: {  	_ =	shalt  }
0x65: {  	_ =	shalt  }
0x66: {  	_ =	shalt  }
0x67: {  	_ =	shalt  }
0x68: {  	_ =	shalt  }
0x69: {  	_ =	shalt  }
0x6a: {  	_ =	shalt  }
0x6b: {  	_ =	shalt  }
0x6c: {  	_ =	shalt  }
0x6d: {  	_ =	shalt  }
0x6e: {  	_ =	shalt  }
0x6f: {  	_ =	shalt  }
0x70: {  	_ =	shalt  }
0x71: {  	_ =	shalt  }
0x72: {  	_ =	shalt  }
0x73: {  	_ =	shalt  }
0x74: {  	_ =	shalt  }
0x75: {  	_ =	shalt  }
0x76: {  	_ =	shalt  }
0x77: {  	_ =	shalt  }
0x78: {  	_ =	shalt  }
0x79: {  	_ =	shalt  }
0x7a: {  	_ =	shalt  }
0x7b: {  	_ =	shalt  }
0x7c: {  	_ =	shalt  }
0x7d: {  	_ =	shalt  }
0x7e: {  	_ =	shalt  }
0x7f: {  	_ =	shalt  }
0x80: {  	_ =	shalt  }
0x81: {  	_ =	shalt  }
0x82: {  	_ =	shalt  }
0x83: {  	_ =	shalt  }
0x84: {  	_ =	shalt  }
0x85: {  	_ =	shalt  }
0x86: {  	_ =	shalt  }
0x87: {  	_ =	shalt  }
.Lfunc_end0:
.L_simem_size_0:
called_computation.4_lowered:
.L_overlay_start_0:
0x88: {  	s2 =	sld [smem:$0x3FD9]  }
0x89: {  	s3 =	sld [smem:$0x3FFE];
	_ =	sdelay $0x1  }
0x8a: {  	s1 =	srdreg.scid  }
0x8b: {  	s0 =	sand.u32 $0x1, s1  }
0x8c: {  	s15 =	sshll.u32 s0, $0xA;
	s2 =	sadd.s32 s3, s2  }
0x8d: {  	s2 =	sadd.s32 s2, s15  }
0x8e: {  	[smem:$0x3FAE] =	sst s2  }
0x8f: {  	_ = 	snop  }
0x90: {  	s2 =	sld [smem:$0x3FD0];
	_ =	sdelay $0x2  }
0x91: {  	s4 =	simm.s32 $0xB;
	s16 =	simm.s32 $0x10  }
0x92: {  	[smem:s16], [sflag:s4] =	dma.local [hbm:s2], $0x1  }
0x93: {  	_ =	swait.eq [sflag:s4], $0x1  }
0x94: {  	[sflag:s4] =	ssyncset.done $0x0  }
0x95: {  	s17 =	sld [smem:$0x15];
	[sflag:s4] =	ssyncadd.s32 $0xFFFFFFFF  }
0x96: {  	s18 =	sld [smem:$0x16];
	(tm) =	ssettm $0x1  }
0x97: {  	s19 =	sld [smem:$0x3FFB];
	_ =	sdelay $0x3  }
0x98: {  	_ =	strace s19  }
0x99: {  	s2 =	sld [smem:$0x3FFC];
	_ =	sdelay $0x3  }
0x9a: {  	_ =	strace s2  }
0x9b: {  	s2 =	sld [smem:$0x3FFD];
	_ =	sdelay $0x3  }
0x9c: {  	_ =	strace s2  }
0x9d: {  	_ =	strace $0x8FFFFFFF  }
0x9e: {  	s20 =	sld [smem:$0x3FDB];
	_ =	sdelay $0x1  }
0x9f: {  	s5 =	simm.s32 $_scs_section_size  }
0xa0: {  	s6 =	simm.s32 $_size__tile_overlayer_lowered;
	s7 =	simm.s32 $_tile_overlayer_lowered  }
0xa1: {  	s8 =	simm.s32 $0x1BFF;
	s21 =	sshll.u32 s7, $0x1;
	s5 =	sadd.s32 s5, s20  }
0xa2: {  	s22 =	simm.s32 $0x0;
	s6 =	sshll.u32 s6, $0x1;
	s7 =	sadd.s32 s21, s5  }
0xa3: {  	[timem:s22], [sflag:s8] =	dma.local [hbm:s7], s6  }
0xa4: {  	_ =	swait.ge [sflag:s8], s6  }
0xa5: {  	s6 =	ssub.s32 $0x0, s6;
	[sflag:s8] =	ssyncset.done $0x0  }
0xa6: {  	[sflag:s8] =	ssyncadd.s32 s6;
	_ =	sdelay $0x1  }
0xa7: {  	s23 =	simm.s32 $0x1B8B  }
0xa8: {  	_ =	swait.ge [sflag:s23], $0x1  }
0xa9: {  	[sflag:s23] =	ssyncset.done $0x0  }
0xaa: {  	[sflag:s23] =	ssyncadd.s32 $0xFFFFFFFF  }
0xab: {  	s6 =	sld [smem:$0x0]  }
0xac: {  	s7 =	sand.u32 $0xFFFFFFFE, s1  }
0xad: {  	p0 =	sne.s32 s1, s7  }
0xae: {  	s7 =	sshll.u32 @p0 s7, $0xE  }
0xaf: {  	s7 =	sadd.s32 @p0 $0x11B8D, s7;
	s8 =	sshll.u32 @p0 s6, $0x11  }
0xb0: {  	s7 =	sor.u32 @p0 s8, s7  }
0xb1: {  	[sflag:s7] =	ssyncadd.remote.s32 @p0 $0x1;
	_ =	sdelay $0x1  }
0xb2: {  	s7 =	simm.s32 @p0 $0x1B8D  }
0xb3: {  	_ =	swait.eq @p0 [sflag:s7], $0x1  }
0xb4: {  	[sflag:s7] =	ssyncadd.s32 @p0 $0xFFFFFFFF  }
0xb5: {  	s8 =	sshll.u32 @!p0 s1, $0xE  }
0xb6: {  	s8 =	sor.u32 @!p0 $0x4000, s8;
	s7 =	simm.s32 @!p0 $0x1B8D  }
0xb7: {  	s6 =	sshll.u32 @!p0 s6, $0x11;
	s8 =	sadd.s32 @!p0 $0x11B8D, s8;
	_ =	swait.eq @!p0 [sflag:s7], $0x1  }
0xb8: {  	s6 =	sor.u32 @!p0 s6, s8;
	[sflag:s7] =	ssyncadd.s32 @!p0 $0xFFFFFFFF  }
0xb9: {  	s25 =	simm.s32 $0x1B8E;
	s24 =	sld [smem:$0x3FFE];
	[sflag:s6] =	ssyncadd.remote.s32 @!p0 $0x1  }
0xba: {  	s26 =	simm.s32 $execute0_lowered;
	[smem:$0x3FD2] =	sst s25  }
0xbb: {  	s7 =	sshll.u32 s26, $0x1;
	_ =	strace $0x8000004C;
	[dreg:$0x1] =	wrdreg $0xFFFFFFFF  }
0xbc: {  	s28 =	simm.s32 $_size_execute0_lowered;
	s5 =	sadd.s32 s5, s7;
	[dreg:$0x0] =	wrdreg $0x0  }
0xbd: {  	s7 =	sshll.u32 s28, $0x1;
	[dreg:$0x2] =	wrdreg s5  }
0xbe: {  	[dreg:$0x3] =	wrdreg s7  }
0xbf: {  	[dreg:$0x4] =	wrdreg $0xC0  }
0xc0: {  	_ =	task [dreg:s22], $0x5FFFF  }
0xc1: {  	[dreg:$0x1] =	wrdreg $0xFFFFFFFF  }
0xc2: {  	[dreg:$0x0] =	wrdreg $0x60  }
0xc3: {  	[dreg:$0x2] =	wrdreg s24  }
0xc4: {  	[dreg:$0x3] =	wrdreg s17  }
0xc5: {  	[dreg:$0x4] =	wrdreg s18  }
0xc6: {  	[dreg:$0x5] =	wrdreg $0x29000  }
0xc7: {  	[dreg:$0x6] =	wrdreg $0xA  }
0xc8: {  	_ =	task.clear_ibuf [dreg:s22], $0x7FFFF;
	_ =	strace $0x9000004C  }
0xc9: {  	s29 =	simm.s32 $0xA;
	_ =	strace $0x8000004E  }
0xca: {  	_ =	swait.ge [sflag:s29], $0x1  }
0xcb: {  	[sflag:s29] =	ssyncadd.s32 $0xFFFFFFFF  }
0xcc: {  	_ =	strace $0x9000004E  }
0xcd: {  	_ =	sfence  }
0xce: {  	s30 =	sld [smem:$0x0];
	_ =	sdelay $0x2  }
0xcf: {  	s31 =	sshll.u32 s1, $0xD;
	s1 =	sshrl.u32 s1, $0x2  }
0xd0: {  	s4 =	sand.u32 $0x4000, s31;
	s1 =	sadd.s32 s1, s30  }
0xd1: {  	s0 =	sor.u32 s4, s0;
	s1 =	sshll.u32 s1, $0x11  }
0xd2: {  	s0 =	sor.u32 s1, s0  }
0xd3: {  	s0 =	sadd.s32 $0x8F2B, s0  }
0xd4: {  	[sflag:s0] =	ssyncadd.remote.s32 $0x1  }
0xd5: {  	_ =	sfence.sel $0xFFFF  }
0xd6: {  	[dreg:$0x0] =	wrdreg $0xFFFFFFFF;
	(pc) =	sbr.abs _section_cstart, $3  }
0xd7: {  	[dreg:$0x1] =	wrdreg $0xFFFFFFFF  }
0xd8: {  	_ =	task.clear_ibuf [dreg:s22], $0x2FFFF;
	_ =	strace $0x9FFFFFFF  }
0xd9: {  	(tm) =	ssettm $0x7FFFFFFF  }
tec
execute0_lowered:
.L_overlay_start_1:
0x0: {  	(tag) =	ssettag $0x1  }
0x1: {  	s5 =	rddreg [dreg:$0x0]  }
0x2: {  	s10 =	rddreg [dreg:$0x1]  }
0x3: {  	s9 =	rddreg [dreg:$0x2]  }
0x4: {  	s2 =	rddreg [dreg:$0x3]  }
0x5: {  	s0 =	rddreg [dreg:$0x4]  }
0x6: {  	s1 =	stileid.u32;
	s4 =	srdreg.scid  }
0x7: {  	s3 =	simm.s32 $0x0;
	s15 =	simm.s32 $0x100;
	s6 =	smul.u32 $0x14000, s1  }
0x8: {  	s16 =	simm.s32 $0x1;
	s17 =	simm.s32 $0x0;
	s26 =	smul.u32 $0x50000, s1  }
0x9: {  	s7 =	sand.u32 $0x1, s4;
	[smem:$0x7FF] =	sst s3;
	s13 =	smul.u32 $0x4E20, s1  }
0xa: {  	s4 =	sadd.s32 $0xD2800, s5;
	s30 =	sshll.u32 s1, $0x6;
	s8 =	smul.u32 $0x140000, s7  }
0xb: {  	_ =	strace $0x8000004D;
	s28 =	ssub.s32 $0x2, s7;
	s7 =	smul.u32 $0x2710, s7  }
0xc: {  	s11 =	sshrl.u32 s6, $0x3;
	s29 =	sshrl.u32 s28, $0x1;
	s6 =	sadd.s32 s6, s8  }
0xd: {  	s25 =	sadd.s32 s11, s5;
	s11 =	sshrl.u32 s26, $0x2;
	s14 =	ssub.s32 s28, s29  }
0xe: {  	s13 =	sadd.s32 s7, s13;
	s6 =	sshrl.u32 s6, $0x3;
	s11 =	sadd.s32 s11, s2  }
0xf: {  	s8 =	smax.u32 s14, $0x1;
	s31 =	sshrl.u32 s13, $0x3;
	s13 =	simm.s32 $0x80  }
0x10: {  	s14 =	simm.s32 $0x50;
	s12 =	sadd.s32 s6, s5;
	s5 =	sadd.s32 $0xA800, s25  }
0x11: {  	s6 =	sor.u32 $0x1C02, s30;
	s9 =	sadd.s32 s31, s9;
	s10 =	sadd.s32 s31, s10  }
0x12: {  	s11 =	sshrl.u32 s11, $0x3;
	s7 =	sadd.s32 $0x191600, s12;
	s12 =	simm.s32 $0x2  }
.LBB2_1:
0x13: {  	[spmem:s11], [sflag:s6] =	dma.local [hbm:s5], $0x2800  }
0x14: {  	_ =	swait.ge [sflag:s12], $0x2800  }
0x15: {  	[sflag:s12] =	ssyncset.done $0x0  }
0x16: {  	[sflag:s12] =	ssyncadd.s32 $0xFFFFD800  }
0x17: {  	s18 =	sadd.s32 $0x0, s10;
	[bflag:$0x0] =	sbarrier.arrive $0xFFFF  }
0x18: {  	[tilespmem:s3], [sflag:$0x2] =	stream.linear.gather [hbm4b:s18+s3], $0x50, $0x38;
	[tilespmem:$0x16900] =	vst v63  }
0x19: {  	_ =	swait.ge [sflag:s12], $0x50  }
0x1a: {  	[sflag:s12] =	ssyncset.done $0x0  }
0x1b: {  	s31 =	sadd.s32 $0x0, s9;
	[sflag:s12] =	ssyncadd.s32 $0xFFFFFFB0  }
0x1c: {  	[tilespmem:s13], [sflag:$0x2] =	stream.linear.gather [hbm4b:s31+s3], $0x50, $0x38;
	[tilespmem:$0x16900] =	vst v63  }
0x1d: {  	_ =	swait.ge [sflag:s12], $0x50  }
0x1e: {  	[sflag:s12] =	ssyncset.done $0x0  }
0x1f: {  	[sflag:s12] =	ssyncadd.s32 $0xFFFFFFB0  }
0x20: {  	[tilespmem:s15], [sflag:$0x1] =	stream.indirect.gather [hbm4b:s4+s14], $0x80, s3, s14, $0xb8;
	[tilespmem:$0x16900] =	vst v63  }
0x21: {  	_ =	swait.ge [sflag:s16], $0x2800  }
0x22: {  	[sflag:s16] =	ssyncset.done $0x0  }
0x23: {  	[sflag:s16] =	ssyncadd.s32 $0xFFFFD800  }
0x24: {  	[spmem:s2] =	stream.indirect.scatter.add.f32 [tilespmem:s15], [sflag:$0x2], $0x80, s13, s14, $0xb8;
	[tilespmem:$0x16900] =	vst v63  }
0x25: {  	_ =	swait.ge [sflag:s12], $0x2800  }
0x26: {  	s19 =	simm.s32 $0x14;
	s18 =	simm.s32 $0xA;
	[sflag:s12] =	ssyncset.done $0x0  }
.LBB2_2:
0x27: {  	s20 =	sadd.s32 s18, s10  }
0x28: {  	[sflag:s12] =	ssyncadd.s32 $0xFFFFD800;
	s21 =	smov.u32 s19;
	s22 =	sadd.s32 $0xA, s19  }
0x29: {  	[tilespmem:s3], [sflag:$0x2] =	stream.linear.gather [hbm4b:s20+s3], $0x50, $0x38;
	[tilespmem:$0x16900] =	vst v63  }
0x2a: {  	p0 =	sne.s32 s19, $0x4D8;
	_ =	swait.ge [sflag:s12], $0x50  }
0x2b: {  	[sflag:s12] =	ssyncset.done $0x0  }
0x2c: {  	s19 =	sadd.s32 s18, s9;
	s18 =	smov.u32 s21;
	[sflag:s12] =	ssyncadd.s32 $0xFFFFFFB0  }
0x2d: {  	[tilespmem:s13], [sflag:$0x2] =	stream.linear.gather [hbm4b:s19+s3], $0x50, $0x38;
	[tilespmem:$0x16900] =	vst v63  }
0x2e: {  	_ =	swait.ge [sflag:s12], $0x50  }
0x2f: {  	[sflag:s12] =	ssyncset.done $0x0  }
0x30: {  	[sflag:s12] =	ssyncadd.s32 $0xFFFFFFB0  }
0x31: {  	[tilespmem:s15], [sflag:$0x1] =	stream.indirect.gather [hbm4b:s4+s14], $0x80, s3, s14, $0xb8;
	[tilespmem:$0x16900] =	vst v63  }
0x32: {  	_ =	swait.ge [sflag:s16], $0x2800  }
.Ltmp0:
0x33: {  	[sflag:s16] =	ssyncset.done $0x0;
	(pc) =	sbr.rel @p0 .LBB2_2-.Ltmp0, $4  }
0x34: {  	[sflag:s16] =	ssyncadd.s32 $0xFFFFD800  }
0x35: {  	[spmem:s2] =	stream.indirect.scatter.add.f32 [tilespmem:s15], [sflag:$0x2], $0x80, s13, s14, $0xb8;
	[tilespmem:$0x16900] =	vst v63  }
0x36: {  	_ =	swait.ge [sflag:s12], $0x2800  }
0x37: {  	s19 =	smov.u32 s22;
	[sflag:s12] =	ssyncset.done $0x0  }
0x38: {  	s19 =	sadd.s32 s18, s10;
	[sflag:s12] =	ssyncadd.s32 $0xFFFFD800  }
0x39: {  	[tilespmem:s3], [sflag:$0x2] =	stream.linear.gather [hbm4b:s19+s3], $0x50, $0x38;
	[tilespmem:$0x16900] =	vst v63  }
0x3a: {  	_ =	swait.ge [sflag:s12], $0x50  }
0x3b: {  	[sflag:s12] =	ssyncset.done $0x0  }
0x3c: {  	s31 =	sadd.s32 s18, s9;
	[sflag:s12] =	ssyncadd.s32 $0xFFFFFFB0  }
0x3d: {  	[tilespmem:s13], [sflag:$0x2] =	stream.linear.gather [hbm4b:s31+s3], $0x50, $0x38;
	[tilespmem:$0x16900] =	vst v63  }
0x3e: {  	_ =	swait.ge [sflag:s12], $0x50  }
0x3f: {  	[sflag:s12] =	ssyncset.done $0x0  }
0x40: {  	[sflag:s12] =	ssyncadd.s32 $0xFFFFFFB0  }
0x41: {  	[tilespmem:s15], [sflag:$0x1] =	stream.indirect.gather [hbm4b:s4+s14], $0x80, s3, s14, $0xb8;
	[tilespmem:$0x16900] =	vst v63  }
0x42: {  	_ =	swait.ge [sflag:s16], $0x2800  }
0x43: {  	[sflag:s16] =	ssyncset.done $0x0  }
0x44: {  	[sflag:s16] =	ssyncadd.s32 $0xFFFFD800  }
0x45: {  	[spmem:s2] =	stream.indirect.scatter.add.f32 [tilespmem:s15], [sflag:$0x2], $0x80, s13, s14, $0xb8;
	[tilespmem:$0x16900] =	vst v63  }
0x46: {  	_ =	swait.ge [sflag:s12], $0x2800  }
0x47: {  	s17 =	sadd.s32 $0x1, s17;
	[sflag:s12] =	ssyncset.done $0x0  }
0x48: {  	p0 =	sne.s32 s17, s8;
	[sflag:s12] =	ssyncadd.s32 $0xFFFFD800  }
.Ltmp1:
0x49: {  	[bflag:$0x0] =	sbarrier.arrive $0xFFFF;
	(pc) =	sbr.rel @p0 .LBB2_1-.Ltmp1, $4  }
0x4a: {  	[hbm:s7], [sflag:s6] =	dma.local [spmem:s11], $0x2800  }
0x4b: {  	_ =	swait.ge [sflag:s12], $0x2800  }
0x4c: {  	[sflag:s12] =	ssyncset.done $0x0  }
0x4d: {  	[sflag:s12] =	ssyncadd.s32 $0xFFFFD800  }
0x4e: {  	_ =	sfence.sel $0x180000  }
0x4f: {  	[bflag:$0x0] =	sbarrier.arrive $0xFFFF  }
0x50: {  	p0 =	sne.s32 s1, $0x0;
	_ =	strace $0x9000004D  }
0x51: {  	s0 =	sadd.s32 @!p0 $0x100000, s0;
	[bflag:$0x2] =	sbarrier.arrive $0xFFFF  }
0x52: {  	[sflag:s0] =	ssyncadd.tile.s32 @!p0 $0x1;
	_ =	shalt  }
.Lfunc_end2:
_tile_overlayer_lowered:
.L_overlay_start_2:
0x53: {  	(tag) =	ssettag $0x2  }
0x54: {  	s0 =	rddreg [dreg:$0x0];
	s2 =	stileid.u32  }
0x55: {  	s1 =	rddreg [dreg:$0x1];
	p0 =	sne.s32 s2, $0x0  }
0x56: {  	s3 =	rddreg [dreg:$0x2];
	[bflag:$0x3] =	sbarrier.arrive $0xFFFF;
	s2 =	simm.s32 @!p0 $0x1C02  }
0x57: {  	[timem:s3], [sflag:s2] =	dma.local @!p0 [hbm:s0], s1  }
0x58: {  	s0 =	simm.s32 @!p0 $0x2  }
0x59: {  	_ =	swait.ge @!p0 [sflag:s0], s1  }
0x5a: {  	s1 =	ssub.s32 @!p0 $0x0, s1;
	[sflag:s0] =	ssyncset.done @!p0 $0x0  }
0x5b: {  	[sflag:s0] =	ssyncadd.s32 @!p0 s1  }
0x5c: {  	[bflag:$0x3] =	sbarrier.arrive $0xFFFF  }
0x5d: {  	_ =	shalt  }

// kernel: kernel.35.cloned.1.call-start
scs
__scs_entry_jumppad:
0x0: {  	(pc) =	sbr.rel $0x88, $3  }
0x1: {  	(tag) =	ssettag $0x0;
	lr =	simm.s32 $0x1  }
0x2: {  	[smem:$0x3F87] =	sst lr;
	_ =	strace $0xD0000000  }
0x3: {  	_ = 	snop  }
0x4: {  	_ = 	snop  }
0x5: {  	_ = 	snop  }
0x6: {  	_ = 	snop  }
0x7: {  	_ = 	snop  }
__scs_overlays_trampoline_lowered:
0x8: {  	[smem:$0x3F96] =	sst s0  }
0x9: {  	[smem:$0x3F97] =	sst s1  }
0xa: {  	[smem:$0x3F98] =	sst s2  }
0xb: {  	[smem:$0x3F99] =	sst s3  }
0xc: {  	[smem:$0x3F9A] =	sst s4  }
0xd: {  	[smem:$0x3F9B] =	sst s5  }
0xe: {  	[smem:$0x3F9C] =	sst s6  }
0xf: {  	[smem:$0x3F9D] =	sst s7  }
0x10: {  	[smem:$0x3F9E] =	sst s8  }
0x11: {  	[smem:$0x3F9F] =	sst s9;
	s0 =	simm.s32 @!p0 $0x0  }
0x12: {  	s1 =	sld [smem:$0x3F85];
	s0 =	simm.s32 @p0 $0x1  }
0x13: {  	[smem:$0x3FA0] =	sst s0;
	s0 =	simm.s32 @!p1 $0x0  }
0x14: {  	s2 =	sld [smem:$0x3F84];
	s0 =	simm.s32 @p1 $0x1  }
0x15: {  	[smem:$0x3FA1] =	sst s0;
	s0 =	simm.s32 @!p2 $0x0  }
0x16: {  	s3 =	sld [smem:$0x3FDB];
	s0 =	simm.s32 @p2 $0x1  }
0x17: {  	s4 =	simm.s32 $0x1BF5;
	[smem:$0x3FA3] =	sst s0  }
0x18: {  	s0 =	sld [smem:$0x3F86];
	_ =	swait.ge [sflag:s4], $0x0  }
0x19: {  	s7 =	sld [smem:$0x3F87]  }
0x1a: {  	s8 =	sadd.s32 $0xFFFFE003, lr  }
0x1b: {  	s9 =	sadd.s32 $0xFFFFFEF7, lr;
	s5 =	simm.s32 $0xFFFFFFFF;
	p2 =	slt.u32 s8, $0xFFFFF086  }
0x1c: {  	p1 =	slt.u32 s9, $0xF7A;
	s5 =	simm.s32 @!p2 $0x0  }
0x1d: {  	s5 =	simm.s32 @p1 $0x1;
	p0 =	seq.s32 s7, s2  }
0x1e: {  	s7 =	smul.u32 @!p0 $0xF7A, s2;
	p2 =	seq.s32 @!p0 s5, $0x0  }
0x1f: {  	s9 =	smul.u32 $0xF7A, s1;
	s8 =	simm.s32 @!p0 $0x1BF5;
	p2 =	por !p2, p0  }
0x20: {  	[sflag:s8] =	ssyncset.s32 @!p0 $0xFFFFF086;
	s6 =	sadd.s32 @!p0 s3, s7;
	s7 =	simm.s32 @!p0 $0x108  }
0x21: {  	s3 =	sadd.s32 s3, s9;
	s6 =	sadd.s32 @!p0 $0x88, s6;
	s7 =	simm.s32 @p2 $0x1082  }
0x22: {  	[simem:s7], [sflag:s8] =	dma.local @!p0 [hbm:s6], $0xF7A  }
0x23: {  	s9 =	sor.u32 $0xD0000000, s2;
	s6 =	simm.s32 $0x108;
	_ =	swait.ge @!p0 [sflag:s8], $0x0  }
0x24: {  	s3 =	sadd.s32 $0x88, s3;
	s6 =	simm.s32 @!p1 $0x1082;
	[sflag:s4] =	ssyncset.s32 $0xFFFFF086  }
0x25: {  	[simem:s6], [sflag:s4] =	dma.local [hbm:s3], $0xF7A  }
0x26: {  	[smem:$0x3F87] =	sst s1;
	(tag) =	ssettag s2;
	_ =	strace s9  }
0x27: {  	s1 =	sld [smem:$0x3F97]  }
0x28: {  	s2 =	sld [smem:$0x3F98]  }
0x29: {  	s4 =	sld [smem:$0x3F9A]  }
0x2a: {  	p0 =	seq.s32 s5, $0x0;
	s5 =	sld [smem:$0x3F9B]  }
0x2b: {  	s6 =	sld [smem:$0x3F9C]  }
0x2c: {  	s7 =	sld [smem:$0x3F9D]  }
0x2d: {  	s3 =	simm.s32 $0x108;
	s8 =	sld [smem:$0x3F9E]  }
0x2e: {  	s3 =	simm.s32 @!p0 $0x1082;
	s9 =	sld [smem:$0x3F9F]  }
0x2f: {  	lr =	sadd.s32 s0, s3;
	s0 =	sld [smem:$0x3F96]  }
0x30: {  	s3 =	sld [smem:$0x3F99]  }
0x31: {  	[smem:$0x3FA2] =	sst s10  }
0x32: {  	s10 =	sld [smem:$0x3FA0];
	_ =	sdelay $0x3  }
0x33: {  	p0 =	seq.s32 s10, $0x1;
	s10 =	sld [smem:$0x3FA2];
	_ =	sdelay $0x3  }
0x34: {  	[smem:$0x3FA2] =	sst s10  }
0x35: {  	s10 =	sld [smem:$0x3FA1];
	_ =	sdelay $0x3  }
0x36: {  	p1 =	seq.s32 s10, $0x1;
	s10 =	sld [smem:$0x3FA2];
	_ =	sdelay $0x3  }
0x37: {  	[smem:$0x3FA2] =	sst s10  }
0x38: {  	s10 =	sld [smem:$0x3FA3]  }
0x39: {  	_ = 	snop;
	(pc) =	sbr.ind lr, $3  }
0x3a: {  	_ = 	snop  }
0x3b: {  	_ = 	snop  }
0x3c: {  	p2 =	seq.s32 s10, $0x1;
	s10 =	sld [smem:$0x3FA2]  }
0x3d: {  	_ =	shalt  }
0x3e: {  	_ =	shalt  }
0x3f: {  	_ =	shalt  }
0x40: {  	_ =	shalt  }
0x41: {  	_ =	shalt  }
0x42: {  	_ =	shalt  }
0x43: {  	_ =	shalt  }
0x44: {  	_ =	shalt  }
0x45: {  	_ =	shalt  }
0x46: {  	_ =	shalt  }
0x47: {  	_ =	shalt  }
0x48: {  	_ =	shalt  }
0x49: {  	_ =	shalt  }
0x4a: {  	_ =	shalt  }
0x4b: {  	_ =	shalt  }
0x4c: {  	_ =	shalt  }
0x4d: {  	_ =	shalt  }
0x4e: {  	_ =	shalt  }
0x4f: {  	_ =	shalt  }
0x50: {  	_ =	shalt  }
0x51: {  	_ =	shalt  }
0x52: {  	_ =	shalt  }
0x53: {  	_ =	shalt  }
0x54: {  	_ =	shalt  }
0x55: {  	_ =	shalt  }
0x56: {  	_ =	shalt  }
0x57: {  	_ =	shalt  }
0x58: {  	_ =	shalt  }
0x59: {  	_ =	shalt  }
0x5a: {  	_ =	shalt  }
0x5b: {  	_ =	shalt  }
0x5c: {  	_ =	shalt  }
0x5d: {  	_ =	shalt  }
0x5e: {  	_ =	shalt  }
0x5f: {  	_ =	shalt  }
0x60: {  	_ =	shalt  }
0x61: {  	_ =	shalt  }
0x62: {  	_ =	shalt  }
0x63: {  	_ =	shalt  }
0x64: {  	_ =	shalt  }
0x65: {  	_ =	shalt  }
0x66: {  	_ =	shalt  }
0x67: {  	_ =	shalt  }
0x68: {  	_ =	shalt  }
0x69: {  	_ =	shalt  }
0x6a: {  	_ =	shalt  }
0x6b: {  	_ =	shalt  }
0x6c: {  	_ =	shalt  }
0x6d: {  	_ =	shalt  }
0x6e: {  	_ =	shalt  }
0x6f: {  	_ =	shalt  }
0x70: {  	_ =	shalt  }
0x71: {  	_ =	shalt  }
0x72: {  	_ =	shalt  }
0x73: {  	_ =	shalt  }
0x74: {  	_ =	shalt  }
0x75: {  	_ =	shalt  }
0x76: {  	_ =	shalt  }
0x77: {  	_ =	shalt  }
0x78: {  	_ =	shalt  }
0x79: {  	_ =	shalt  }
0x7a: {  	_ =	shalt  }
0x7b: {  	_ =	shalt  }
0x7c: {  	_ =	shalt  }
0x7d: {  	_ =	shalt  }
0x7e: {  	_ =	shalt  }
0x7f: {  	_ =	shalt  }
0x80: {  	_ =	shalt  }
0x81: {  	_ =	shalt  }
0x82: {  	_ =	shalt  }
0x83: {  	_ =	shalt  }
0x84: {  	_ =	shalt  }
0x85: {  	_ =	shalt  }
0x86: {  	_ =	shalt  }
0x87: {  	_ =	shalt  }
.Lfunc_end0:
.L_simem_size_0:
called_computation.5_lowered:
.L_overlay_start_0:
0x88: {  	s2 =	sld [smem:$0x3FD9]  }
0x89: {  	s3 =	sld [smem:$0x3FFE];
	_ =	sdelay $0x1  }
0x8a: {  	s1 =	srdreg.scid  }
0x8b: {  	s0 =	sand.u32 $0x1, s1  }
0x8c: {  	s15 =	sshll.u32 s0, $0xA;
	s2 =	sadd.s32 s3, s2  }
0x8d: {  	s2 =	sadd.s32 s2, s15  }
0x8e: {  	[smem:$0x3FAE] =	sst s2  }
0x8f: {  	_ = 	snop  }
0x90: {  	s2 =	sld [smem:$0x3FD0];
	_ =	sdelay $0x2  }
0x91: {  	s4 =	simm.s32 $0xB;
	s16 =	simm.s32 $0x10  }
0x92: {  	[smem:s16], [sflag:s4] =	dma.local [hbm:s2], $0x1  }
0x93: {  	_ =	swait.eq [sflag:s4], $0x1  }
0x94: {  	[sflag:s4] =	ssyncset.done $0x0  }
0x95: {  	s17 =	sld [smem:$0x15];
	[sflag:s4] =	ssyncadd.s32 $0xFFFFFFFF  }
0x96: {  	s18 =	sld [smem:$0x16];
	(tm) =	ssettm $0x1  }
0x97: {  	s19 =	sld [smem:$0x3FFB];
	_ =	sdelay $0x3  }
0x98: {  	_ =	strace s19  }
0x99: {  	s2 =	sld [smem:$0x3FFC];
	_ =	sdelay $0x3  }
0x9a: {  	_ =	strace s2  }
0x9b: {  	s2 =	sld [smem:$0x3FFD];
	_ =	sdelay $0x3  }
0x9c: {  	_ =	strace s2  }
0x9d: {  	_ =	strace $0x8FFFFFFF  }
0x9e: {  	s20 =	sld [smem:$0x3FDB];
	_ =	sdelay $0x1  }
0x9f: {  	s5 =	simm.s32 $_scs_section_size  }
0xa0: {  	s6 =	simm.s32 $_size__tile_overlayer_lowered;
	s7 =	simm.s32 $_tile_overlayer_lowered  }
0xa1: {  	s8 =	simm.s32 $0x1BFF;
	s21 =	sshll.u32 s7, $0x1;
	s5 =	sadd.s32 s5, s20  }
0xa2: {  	s22 =	simm.s32 $0x0;
	s6 =	sshll.u32 s6, $0x1;
	s7 =	sadd.s32 s21, s5  }
0xa3: {  	[timem:s22], [sflag:s8] =	dma.local [hbm:s7], s6  }
0xa4: {  	_ =	swait.ge [sflag:s8], s6  }
0xa5: {  	s6 =	ssub.s32 $0x0, s6;
	[sflag:s8] =	ssyncset.done $0x0  }
0xa6: {  	[sflag:s8] =	ssyncadd.s32 s6;
	_ =	sdelay $0x1  }
0xa7: {  	s23 =	simm.s32 $0x1B8B  }
0xa8: {  	_ =	swait.ge [sflag:s23], $0x1  }
0xa9: {  	[sflag:s23] =	ssyncset.done $0x0  }
0xaa: {  	[sflag:s23] =	ssyncadd.s32 $0xFFFFFFFF  }
0xab: {  	s6 =	sld [smem:$0x0]  }
0xac: {  	s7 =	sand.u32 $0xFFFFFFFE, s1  }
0xad: {  	p0 =	sne.s32 s1, s7  }
0xae: {  	s7 =	sshll.u32 @p0 s7, $0xE  }
0xaf: {  	s7 =	sadd.s32 @p0 $0x11B8D, s7;
	s8 =	sshll.u32 @p0 s6, $0x11  }
0xb0: {  	s7 =	sor.u32 @p0 s8, s7  }
0xb1: {  	[sflag:s7] =	ssyncadd.remote.s32 @p0 $0x1;
	_ =	sdelay $0x1  }
0xb2: {  	s7 =	simm.s32 @p0 $0x1B8D  }
0xb3: {  	_ =	swait.eq @p0 [sflag:s7], $0x1  }
0xb4: {  	[sflag:s7] =	ssyncadd.s32 @p0 $0xFFFFFFFF  }
0xb5: {  	s8 =	sshll.u32 @!p0 s1, $0xE  }
0xb6: {  	s8 =	sor.u32 @!p0 $0x4000, s8;
	s7 =	simm.s32 @!p0 $0x1B8D  }
0xb7: {  	s6 =	sshll.u32 @!p0 s6, $0x11;
	s8 =	sadd.s32 @!p0 $0x11B8D, s8;
	_ =	swait.eq @!p0 [sflag:s7], $0x1  }
0xb8: {  	s6 =	sor.u32 @!p0 s6, s8;
	[sflag:s7] =	ssyncadd.s32 @!p0 $0xFFFFFFFF  }
0xb9: {  	s25 =	simm.s32 $0x1B8E;
	s24 =	sld [smem:$0x3FFE];
	[sflag:s6] =	ssyncadd.remote.s32 @!p0 $0x1  }
0xba: {  	s26 =	simm.s32 $execute0_lowered;
	[smem:$0x3FD2] =	sst s25  }
0xbb: {  	s7 =	sshll.u32 s26, $0x1;
	_ =	strace $0x80000052;
	[dreg:$0x1] =	wrdreg $0xFFFFFFFF  }
0xbc: {  	s28 =	simm.s32 $_size_execute0_lowered;
	s5 =	sadd.s32 s5, s7;
	[dreg:$0x0] =	wrdreg $0x0  }
0xbd: {  	s7 =	sshll.u32 s28, $0x1;
	[dreg:$0x2] =	wrdreg s5  }
0xbe: {  	[dreg:$0x3] =	wrdreg s7  }
0xbf: {  	[dreg:$0x4] =	wrdreg $0xC0  }
0xc0: {  	_ =	task [dreg:s22], $0x5FFFF  }
0xc1: {  	[dreg:$0x1] =	wrdreg $0xFFFFFFFF  }
0xc2: {  	[dreg:$0x0] =	wrdreg $0x60  }
0xc3: {  	[dreg:$0x2] =	wrdreg s24  }
0xc4: {  	[dreg:$0x3] =	wrdreg s17  }
0xc5: {  	[dreg:$0x4] =	wrdreg s18  }
0xc6: {  	[dreg:$0x5] =	wrdreg $0x29000  }
0xc7: {  	[dreg:$0x6] =	wrdreg $0xA  }
0xc8: {  	_ =	task.clear_ibuf [dreg:s22], $0x7FFFF;
	_ =	strace $0x90000052  }
0xc9: {  	s29 =	simm.s32 $0xA;
	_ =	strace $0x80000054  }
0xca: {  	_ =	swait.ge [sflag:s29], $0x1  }
0xcb: {  	[sflag:s29] =	ssyncadd.s32 $0xFFFFFFFF  }
0xcc: {  	_ =	strace $0x90000054  }
0xcd: {  	_ =	sfence  }
0xce: {  	s30 =	sld [smem:$0x0];
	_ =	sdelay $0x2  }
0xcf: {  	s31 =	sshll.u32 s1, $0xD;
	s1 =	sshrl.u32 s1, $0x2  }
0xd0: {  	s4 =	sand.u32 $0x4000, s31;
	s1 =	sadd.s32 s1, s30  }
0xd1: {  	s0 =	sor.u32 s4, s0;
	s1 =	sshll.u32 s1, $0x11  }
0xd2: {  	s0 =	sor.u32 s1, s0  }
0xd3: {  	s0 =	sadd.s32 $0x8F2B, s0  }
0xd4: {  	[sflag:s0] =	ssyncadd.remote.s32 $0x1  }
0xd5: {  	_ =	sfence.sel $0xFFFF  }
0xd6: {  	[dreg:$0x0] =	wrdreg $0xFFFFFFFF;
	(pc) =	sbr.abs _section_cstart, $3  }
0xd7: {  	[dreg:$0x1] =	wrdreg $0xFFFFFFFF  }
0xd8: {  	_ =	task.clear_ibuf [dreg:s22], $0x2FFFF;
	_ =	strace $0x9FFFFFFF  }
0xd9: {  	(tm) =	ssettm $0x7FFFFFFF  }
tec
execute0_lowered:
.L_overlay_start_1:
0x0: {  	(tag) =	ssettag $0x1  }
0x1: {  	s5 =	rddreg [dreg:$0x0]  }
0x2: {  	s10 =	rddreg [dreg:$0x1]  }
0x3: {  	s9 =	rddreg [dreg:$0x2]  }
0x4: {  	s2 =	rddreg [dreg:$0x3]  }
0x5: {  	s0 =	rddreg [dreg:$0x4]  }
0x6: {  	s1 =	stileid.u32;
	s4 =	srdreg.scid  }
0x7: {  	s3 =	simm.s32 $0x0;
	s15 =	simm.s32 $0x100;
	s6 =	smul.u32 $0x14000, s1  }
0x8: {  	s16 =	simm.s32 $0x1;
	s17 =	simm.s32 $0x0;
	s26 =	smul.u32 $0x50000, s1  }
0x9: {  	s7 =	sand.u32 $0x1, s4;
	[smem:$0x7FF] =	sst s3;
	s13 =	smul.u32 $0x4E20, s1  }
0xa: {  	s4 =	sadd.s32 $0x32800, s5;
	s30 =	sshll.u32 s1, $0x6;
	s8 =	smul.u32 $0x140000, s7  }
0xb: {  	_ =	strace $0x80000053;
	s28 =	ssub.s32 $0x2, s7;
	s7 =	smul.u32 $0x2710, s7  }
0xc: {  	s11 =	sshrl.u32 s6, $0x3;
	s29 =	sshrl.u32 s28, $0x1;
	s6 =	sadd.s32 s6, s8  }
0xd: {  	s25 =	sadd.s32 s11, s5;
	s11 =	sshrl.u32 s26, $0x2;
	s14 =	ssub.s32 s28, s29  }
0xe: {  	s13 =	sadd.s32 s7, s13;
	s6 =	sshrl.u32 s6, $0x3;
	s11 =	sadd.s32 s11, s2  }
0xf: {  	s8 =	smax.u32 s14, $0x1;
	s31 =	sshrl.u32 s13, $0x3;
	s13 =	simm.s32 $0x80  }
0x10: {  	s14 =	simm.s32 $0x50;
	s12 =	sadd.s32 s6, s5;
	s5 =	sadd.s32 $0xA800, s25  }
0x11: {  	s6 =	sor.u32 $0x1C02, s30;
	s9 =	sadd.s32 s31, s9;
	s10 =	sadd.s32 s31, s10  }
0x12: {  	s11 =	sshrl.u32 s11, $0x3;
	s7 =	sadd.s32 $0x191600, s12;
	s12 =	simm.s32 $0x2  }
.LBB2_1:
0x13: {  	[spmem:s11], [sflag:s6] =	dma.local [hbm:s5], $0x2800  }
0x14: {  	_ =	swait.ge [sflag:s12], $0x2800  }
0x15: {  	[sflag:s12] =	ssyncset.done $0x0  }
0x16: {  	[sflag:s12] =	ssyncadd.s32 $0xFFFFD800  }
0x17: {  	s18 =	sadd.s32 $0x0, s10;
	[bflag:$0x0] =	sbarrier.arrive $0xFFFF  }
0x18: {  	[tilespmem:s3], [sflag:$0x2] =	stream.linear.gather [hbm4b:s18+s3], $0x50, $0x38;
	[tilespmem:$0x16900] =	vst v63  }
0x19: {  	_ =	swait.ge [sflag:s12], $0x50  }
0x1a: {  	[sflag:s12] =	ssyncset.done $0x0  }
0x1b: {  	s31 =	sadd.s32 $0x0, s9;
	[sflag:s12] =	ssyncadd.s32 $0xFFFFFFB0  }
0x1c: {  	[tilespmem:s13], [sflag:$0x2] =	stream.linear.gather [hbm4b:s31+s3], $0x50, $0x38;
	[tilespmem:$0x16900] =	vst v63  }
0x1d: {  	_ =	swait.ge [sflag:s12], $0x50  }
0x1e: {  	[sflag:s12] =	ssyncset.done $0x0  }
0x1f: {  	[sflag:s12] =	ssyncadd.s32 $0xFFFFFFB0  }
0x20: {  	[tilespmem:s15], [sflag:$0x1] =	stream.indirect.gather [hbm4b:s4+s14], $0x80, s3, s14, $0xb8;
	[tilespmem:$0x16900] =	vst v63  }
0x21: {  	_ =	swait.ge [sflag:s16], $0x2800  }
0x22: {  	[sflag:s16] =	ssyncset.done $0x0  }
0x23: {  	[sflag:s16] =	ssyncadd.s32 $0xFFFFD800  }
0x24: {  	[spmem:s2] =	stream.indirect.scatter.add.f32 [tilespmem:s15], [sflag:$0x2], $0x80, s13, s14, $0xb8;
	[tilespmem:$0x16900] =	vst v63  }
0x25: {  	_ =	swait.ge [sflag:s12], $0x2800  }
0x26: {  	s19 =	simm.s32 $0x14;
	s18 =	simm.s32 $0xA;
	[sflag:s12] =	ssyncset.done $0x0  }
.LBB2_2:
0x27: {  	s20 =	sadd.s32 s18, s10  }
0x28: {  	[sflag:s12] =	ssyncadd.s32 $0xFFFFD800;
	s21 =	smov.u32 s19;
	s22 =	sadd.s32 $0xA, s19  }
0x29: {  	[tilespmem:s3], [sflag:$0x2] =	stream.linear.gather [hbm4b:s20+s3], $0x50, $0x38;
	[tilespmem:$0x16900] =	vst v63  }
0x2a: {  	p0 =	sne.s32 s19, $0x4D8;
	_ =	swait.ge [sflag:s12], $0x50  }
0x2b: {  	[sflag:s12] =	ssyncset.done $0x0  }
0x2c: {  	s19 =	sadd.s32 s18, s9;
	s18 =	smov.u32 s21;
	[sflag:s12] =	ssyncadd.s32 $0xFFFFFFB0  }
0x2d: {  	[tilespmem:s13], [sflag:$0x2] =	stream.linear.gather [hbm4b:s19+s3], $0x50, $0x38;
	[tilespmem:$0x16900] =	vst v63  }
0x2e: {  	_ =	swait.ge [sflag:s12], $0x50  }
0x2f: {  	[sflag:s12] =	ssyncset.done $0x0  }
0x30: {  	[sflag:s12] =	ssyncadd.s32 $0xFFFFFFB0  }
0x31: {  	[tilespmem:s15], [sflag:$0x1] =	stream.indirect.gather [hbm4b:s4+s14], $0x80, s3, s14, $0xb8;
	[tilespmem:$0x16900] =	vst v63  }
0x32: {  	_ =	swait.ge [sflag:s16], $0x2800  }
.Ltmp0:
0x33: {  	[sflag:s16] =	ssyncset.done $0x0;
	(pc) =	sbr.rel @p0 .LBB2_2-.Ltmp0, $4  }
0x34: {  	[sflag:s16] =	ssyncadd.s32 $0xFFFFD800  }
0x35: {  	[spmem:s2] =	stream.indirect.scatter.add.f32 [tilespmem:s15], [sflag:$0x2], $0x80, s13, s14, $0xb8;
	[tilespmem:$0x16900] =	vst v63  }
0x36: {  	_ =	swait.ge [sflag:s12], $0x2800  }
0x37: {  	s19 =	smov.u32 s22;
	[sflag:s12] =	ssyncset.done $0x0  }
0x38: {  	s19 =	sadd.s32 s18, s10;
	[sflag:s12] =	ssyncadd.s32 $0xFFFFD800  }
0x39: {  	[tilespmem:s3], [sflag:$0x2] =	stream.linear.gather [hbm4b:s19+s3], $0x50, $0x38;
	[tilespmem:$0x16900] =	vst v63  }
0x3a: {  	_ =	swait.ge [sflag:s12], $0x50  }
0x3b: {  	[sflag:s12] =	ssyncset.done $0x0  }
0x3c: {  	s31 =	sadd.s32 s18, s9;
	[sflag:s12] =	ssyncadd.s32 $0xFFFFFFB0  }
0x3d: {  	[tilespmem:s13], [sflag:$0x2] =	stream.linear.gather [hbm4b:s31+s3], $0x50, $0x38;
	[tilespmem:$0x16900] =	vst v63  }
0x3e: {  	_ =	swait.ge [sflag:s12], $0x50  }
0x3f: {  	[sflag:s12] =	ssyncset.done $0x0  }
0x40: {  	[sflag:s12] =	ssyncadd.s32 $0xFFFFFFB0  }
0x41: {  	[tilespmem:s15], [sflag:$0x1] =	stream.indirect.gather [hbm4b:s4+s14], $0x80, s3, s14, $0xb8;
	[tilespmem:$0x16900] =	vst v63  }
0x42: {  	_ =	swait.ge [sflag:s16], $0x2800  }
0x43: {  	[sflag:s16] =	ssyncset.done $0x0  }
0x44: {  	[sflag:s16] =	ssyncadd.s32 $0xFFFFD800  }
0x45: {  	[spmem:s2] =	stream.indirect.scatter.add.f32 [tilespmem:s15], [sflag:$0x2], $0x80, s13, s14, $0xb8;
	[tilespmem:$0x16900] =	vst v63  }
0x46: {  	_ =	swait.ge [sflag:s12], $0x2800  }
0x47: {  	s17 =	sadd.s32 $0x1, s17;
	[sflag:s12] =	ssyncset.done $0x0  }
0x48: {  	p0 =	sne.s32 s17, s8;
	[sflag:s12] =	ssyncadd.s32 $0xFFFFD800  }
.Ltmp1:
0x49: {  	[bflag:$0x0] =	sbarrier.arrive $0xFFFF;
	(pc) =	sbr.rel @p0 .LBB2_1-.Ltmp1, $4  }
0x4a: {  	[hbm:s7], [sflag:s6] =	dma.local [spmem:s11], $0x2800  }
0x4b: {  	_ =	swait.ge [sflag:s12], $0x2800  }
0x4c: {  	[sflag:s12] =	ssyncset.done $0x0  }
0x4d: {  	[sflag:s12] =	ssyncadd.s32 $0xFFFFD800  }
0x4e: {  	_ =	sfence.sel $0x180000  }
0x4f: {  	[bflag:$0x0] =	sbarrier.arrive $0xFFFF  }
0x50: {  	p0 =	sne.s32 s1, $0x0;
	_ =	strace $0x90000053  }
0x51: {  	s0 =	sadd.s32 @!p0 $0x100000, s0;
	[bflag:$0x2] =	sbarrier.arrive $0xFFFF  }
0x52: {  	[sflag:s0] =	ssyncadd.tile.s32 @!p0 $0x1;
	_ =	shalt  }
.Lfunc_end2:
_tile_overlayer_lowered:
.L_overlay_start_2:
0x53: {  	(tag) =	ssettag $0x2  }
0x54: {  	s0 =	rddreg [dreg:$0x0];
	s2 =	stileid.u32  }
0x55: {  	s1 =	rddreg [dreg:$0x1];
	p0 =	sne.s32 s2, $0x0  }
0x56: {  	s3 =	rddreg [dreg:$0x2];
	[bflag:$0x3] =	sbarrier.arrive $0xFFFF;
	s2 =	simm.s32 @!p0 $0x1C02  }
0x57: {  	[timem:s3], [sflag:s2] =	dma.local @!p0 [hbm:s0], s1  }
0x58: {  	s0 =	simm.s32 @!p0 $0x2  }
0x59: {  	_ =	swait.ge @!p0 [sflag:s0], s1  }
0x5a: {  	s1 =	ssub.s32 @!p0 $0x0, s1;
	[sflag:s0] =	ssyncset.done @!p0 $0x0  }
0x5b: {  	[sflag:s0] =	ssyncadd.s32 @!p0 s1  }
0x5c: {  	[bflag:$0x3] =	sbarrier.arrive $0xFFFF  }
0x5d: {  	_ =	shalt  }

</sc_bundles>
